<compile_context>
chip_gen: v7x
topology: tpu7x:2x2x1
jax: 0.10.2.dev20260603
libtpu: 0.0.44.dev20260713+nightly
codegen_flags: <defaults>
</compile_context>

<pallas_src>
import functools

import jax
import jax.numpy as jnp
from jax import lax
from jax.experimental import pallas as pl
from jax.experimental.pallas import tpu as pltpu
from jax.experimental.pallas import tpu_sc as plsc

N_NODES = 10000
D_FEAT = 128
D_HID = 128
N_CLASSES = 32

NC = 2
NS = 16
NW = NC * NS
L = 16

NPAD = 10112
SLAB = NPAD // NS
CHUNK = 128
TOTAL_CH = 2560
E_PAD = TOTAL_CH * CHUNK

CA128, CB128 = 80, 80
CA32, CB32 = 80, 80
CAD, CBD = 80, 80

_mesh = plsc.VectorSubcoreMesh(core_axis_name="c", subcore_axis_name="s")
_sc_params = pltpu.CompilerParams(needs_layout_passes=False,
                                  use_tc_tiling_on_sc=False)


def _deg_body(didx_hbm, out_hbm, idx_v, deg_v):
    c = lax.axis_index("c")
    s = lax.axis_index("s")
    wid = s * NC + c
    zero16 = jnp.zeros((L,), jnp.float32)
    one16 = jnp.ones((L,), jnp.float32)

    def zero_body(i, carry):
        deg_v[pl.ds(i * L, L)] = zero16
        return carry

    lax.fori_loop(0, NPAD // L, zero_body, 0)

    def count(base_row, ncw):
        pltpu.sync_copy(didx_hbm.at[pl.ds(base_row, ncw)],
                        idx_v.at[pl.ds(0, ncw)])

        def count_chunk(i, carry):
            for j in range(CHUNK // L):
                idx = idx_v[i, pl.ds(j * L, L)]
                plsc.addupdate_scatter(deg_v, [idx], one16)
            return carry

        lax.fori_loop(0, ncw, count_chunk, 0)

    @pl.when(c == 0)
    def _():
        count(s * CAD, CAD)

    @pl.when(c == 1)
    def _():
        count(NS * CAD + s * CBD, CBD)

    pltpu.sync_copy(deg_v, out_hbm.at[wid])


_deg_kernel = functools.partial(
    pl.kernel,
    out_type=jax.ShapeDtypeStruct((NW, NPAD), jnp.float32),
    mesh=_mesh,
    compiler_params=_sc_params,
    scratch_types=[
        pltpu.VMEM((CAD, CHUNK), jnp.int32),
        pltpu.VMEM((NPAD,), jnp.float32),
    ],
)(_deg_body)


def _make_scatter(D, ca, cb):
    def body(table_hbm, sidx_hbm, didx_hbm, out_hbm, sidx_v, d0, d1, b0, b1, y_sh,
             sem_i, sem_g, sem_s):
        c = lax.axis_index("c")
        s = lax.axis_index("s")
        dbufs = (d0, d1)
        bufs = (b0, b1)
        zero16 = jnp.zeros((L,), jnp.float32)
        izero16 = jnp.zeros((L,), jnp.int32)

        def zero_row(i, carry):
            for j in range(D // L):
                b1[i, pl.ds(j * L, L)] = zero16
            return carry

        with jax.named_scope("ph_zero"):
            lax.fori_loop(0, CHUNK, zero_row, 0)
            for j in range(CHUNK // L):
                d1[pl.ds(j * L, L)] = izero16
            for j in range(SLAB // CHUNK):
                pltpu.sync_copy(b1,
                                y_sh.at[pl.ds(s * SLAB + j * CHUNK, CHUNK)])
            rem = SLAB - (SLAB // CHUNK) * CHUNK
            if rem:
                pltpu.sync_copy(
                    b1.at[pl.ds(0, rem)],
                    y_sh.at[pl.ds(s * SLAB + SLAB - rem, rem)])
            plsc.subcore_barrier()

        def emit(base_row, ncw):
            pltpu.sync_copy(sidx_hbm.at[pl.ds(base_row, ncw)],
                            sidx_v.at[pl.ds(0, ncw)])
            pltpu.async_copy(b1, y_sh.at[d1], sem_s, add=True)
            pltpu.async_copy(didx_hbm.at[base_row], d0, sem_i)
            pltpu.async_copy(table_hbm.at[sidx_v.at[0]], b0, sem_g)

            def group(j, carry):
                for p in range(2):
                    i = 2 * j + p
                    pltpu.make_async_copy(
                        didx_hbm.at[0], dbufs[p], sem_i).wait()
                    pltpu.make_async_copy(
                        table_hbm.at[sidx_v.at[0]], bufs[p], sem_g).wait()
                    pltpu.make_async_copy(
                        bufs[p], y_sh.at[dbufs[p]], sem_s).wait()
                    pltpu.async_copy(
                        bufs[p], y_sh.at[dbufs[p]], sem_s, add=True)

                    if p == 0:
                        pltpu.async_copy(
                            didx_hbm.at[base_row + i + 1], dbufs[1], sem_i)
                        pltpu.async_copy(
                            table_hbm.at[sidx_v.at[i + 1]], bufs[1], sem_g)
                    else:
                        @pl.when(j < ncw // 2 - 1)
                        def _():
                            pltpu.async_copy(
                                didx_hbm.at[base_row + i + 1], dbufs[0],
                                sem_i)
                            pltpu.async_copy(
                                table_hbm.at[sidx_v.at[i + 1]], bufs[0],
                                sem_g)
                return carry

            lax.fori_loop(0, ncw // 2, group, 0)
            pltpu.make_async_copy(bufs[0], y_sh.at[dbufs[0]], sem_s).wait()

        with jax.named_scope("ph_edges"):
            @pl.when(c == 0)
            def _():
                emit(s * ca, ca)

            @pl.when(c == 1)
            def _():
                emit(NS * ca + s * cb, cb)

            plsc.subcore_barrier()
        with jax.named_scope("ph_out"):
            nfull = SLAB // CHUNK
            for k in range(nfull):
                pltpu.sync_copy(y_sh.at[pl.ds(s * SLAB + k * CHUNK, CHUNK)],
                                b0)
                pltpu.sync_copy(b0, out_hbm.at[c, pl.ds(s * SLAB + k * CHUNK,
                                                        CHUNK)])
            if rem:
                pltpu.sync_copy(
                    y_sh.at[pl.ds(s * SLAB + nfull * CHUNK, rem)],
                    b0.at[pl.ds(0, rem)])
                pltpu.sync_copy(
                    b0.at[pl.ds(0, rem)],
                    out_hbm.at[c, pl.ds(s * SLAB + nfull * CHUNK, rem)])

    return functools.partial(
        pl.kernel,
        out_type=jax.ShapeDtypeStruct((NC, NPAD, D), jnp.float32),
        mesh=_mesh,
        compiler_params=_sc_params,
        scratch_types=[
            pltpu.VMEM((ca, CHUNK), jnp.int32),
            pltpu.VMEM((CHUNK,), jnp.int32),
            pltpu.VMEM((CHUNK,), jnp.int32),
            pltpu.VMEM((CHUNK, D), jnp.float32),
            pltpu.VMEM((CHUNK, D), jnp.float32),
            pltpu.VMEM_SHARED((NPAD, D), jnp.float32),
            pltpu.SemaphoreType.DMA,
            pltpu.SemaphoreType.DMA,
            pltpu.SemaphoreType.DMA,
        ],
    )(body)


_scatter128 = _make_scatter(D_HID, CA128, CB128)
_scatter32 = _make_scatter(N_CLASSES, CA32, CB32)


def _tc1_body(parts_ref, x_ref, w1_ref, xs1_ref, dis_ref):
    deg = jnp.sum(parts_ref[...], axis=0)[:N_NODES] + 1.0
    dis = lax.rsqrt(deg)[:, None]
    dis_ref[...] = dis
    xw = jnp.dot(x_ref[...], w1_ref[...], preferred_element_type=jnp.float32)
    xs1_ref[...] = xw * dis


def _tc2_body(yp_ref, xs1_ref, dis_ref, b1_ref, w2_ref, xs2_ref):
    acc = yp_ref[0, :N_NODES, :] + yp_ref[1, :N_NODES, :] + xs1_ref[...]
    h = jnp.maximum(acc * dis_ref[...] + b1_ref[...], 0.0)
    xs2_ref[...] = jnp.dot(h, w2_ref[...],
                           preferred_element_type=jnp.float32) * dis_ref[...]


def _tc3_body(yp_ref, xs2_ref, dis_ref, b2_ref, out_ref):
    logits = (yp_ref[0, :N_NODES, :] + yp_ref[1, :N_NODES, :]
              + xs2_ref[...]) * dis_ref[...] + b2_ref[...]
    m = jnp.max(logits, axis=1, keepdims=True)
    z = logits - m
    out_ref[...] = z - jnp.log(jnp.sum(jnp.exp(z), axis=1, keepdims=True))


def _tc_call(body, out_shape, *args):
    if isinstance(out_shape, list):
        shapes = [jax.ShapeDtypeStruct(s, jnp.float32) for s in out_shape]
    else:
        shapes = jax.ShapeDtypeStruct(out_shape, jnp.float32)
    return pl.pallas_call(body, out_shape=shapes)(*args)


def kernel(x, edge_index, W1, b1, W2, b2):
    src = edge_index[0].astype(jnp.int32)
    dst = edge_index[1].astype(jnp.int32)
    pad = E_PAD - src.shape[0]
    pad_ar = jnp.arange(pad, dtype=jnp.int32)
    src_c = jnp.concatenate(
        [src, (pad_ar * 79) % N_NODES]).reshape(TOTAL_CH, CHUNK)
    dst_c = jnp.concatenate(
        [dst, N_NODES + pad_ar % (NPAD - N_NODES)]).reshape(TOTAL_CH, CHUNK)

    deg_parts = _deg_kernel(dst_c)
    xs1, dis = _tc_call(_tc1_body,
                        [(N_NODES, D_HID), (N_NODES, 1)],
                        deg_parts, x, W1)
    y1 = _scatter128(xs1, src_c, dst_c)
    xs2 = _tc_call(_tc2_body, (N_NODES, N_CLASSES),
                   y1, xs1, dis, b1[None, :], W2)
    y2 = _scatter32(xs2, src_c, dst_c)
    return _tc_call(_tc3_body, (N_NODES, N_CLASSES),
                    y2, xs2, dis, b2[None, :])

# --- scband reference (transcript-rebuilt; emitter-appended) ---
"""Pipeline reference for scband-gcnnet-75625784148566 (READ-ONLY COPY).

The authoritative reference and input builder live on the scoring server;
editing this copy changes nothing except your own understanding.
"""

import jax, jax.numpy as jnp
import numpy as np

N_NODES = 10000
N_EDGES = 320000
D_FEAT = 128
D_HID = 128
N_CLASSES = 32


def setup_inputs(seed: int = 0) -> dict:
    key = jax.random.key(seed)
    k_x, k_ei, k_w1, k_b1, k_w2, k_b2 = jax.random.split(key, 6)
    x = jax.random.normal(k_x, (N_NODES, D_FEAT), dtype=jnp.float32)
    edge_index = jax.random.randint(k_ei, (2, N_EDGES), 0, N_NODES, dtype=jnp.int64)
    # GCNConv layer 1 params (glorot-ish init)
    W1 = jax.random.normal(k_w1, (D_FEAT, D_HID), dtype=jnp.float32) * (1.0 / np.sqrt(D_FEAT))
    b1 = jnp.zeros((D_HID,), dtype=jnp.float32)
    # GCNConv layer 2 params
    W2 = jax.random.normal(k_w2, (D_HID, N_CLASSES), dtype=jnp.float32) * (1.0 / np.sqrt(D_HID))
    b2 = jnp.zeros((N_CLASSES,), dtype=jnp.float32)
    return {"x": x, "edge_index": edge_index, "W1": W1, "b1": b1, "W2": W2, "b2": b2}


def _gcn_conv(x, edge_index, W, b):
    # Standard GCNConv: out = D^{-1/2} (A + I) D^{-1/2} X W + b
    n = x.shape[0]
    loop = jnp.arange(n, dtype=edge_index.dtype)
    src = jnp.concatenate([edge_index[0], loop])
    dst = jnp.concatenate([edge_index[1], loop])
    deg = jnp.zeros((n,), dtype=x.dtype).at[dst].add(1.0)
    deg_inv_sqrt = jnp.where(deg > 0, 1.0 / jnp.sqrt(deg), 0.0)
    norm = deg_inv_sqrt[src] * deg_inv_sqrt[dst]
    xw = x @ W
    msg = jnp.take(xw, src, axis=0) * norm[:, None]
    out = jnp.zeros((n, W.shape[1]), dtype=x.dtype).at[dst].add(msg)
    return out + b


def reference(x, edge_index, W1, b1, W2, b2):
    h = _gcn_conv(x, edge_index, W1, b1)
    h = jax.nn.relu(h)
    # dropout p=0.5, eval mode -> identity
    out = _gcn_conv(h, edge_index, W2, b2)
    return jax.nn.log_softmax(out, axis=1)

if __name__ == "__main__":
    import jax
    _d = setup_inputs()
    print(jax.jit(kernel)(*tuple(_d.values())))

</pallas_src>

<mosaic_0001>
#map = affine_map<(d0, d1) -> (0, 0)>
#map1 = affine_map<(d0, d1) -> (0, 0, 0)>
module attributes {stable_mosaic.version = 14 : i64} {
  func.func @body(%arg0: i32, %arg1: i32, %arg2: memref<10000x128xf32, #tpu.memory_space<hbm>>, %arg3: memref<2560x128xi32, #tpu.memory_space<hbm>>, %arg4: memref<2560x128xi32, #tpu.memory_space<hbm>>, %arg5: memref<2x10112x128xf32, #tpu.memory_space<hbm>>, %arg6: memref<80x128xi32, #tpu.memory_space<vmem>>, %arg7: memref<128xi32, #tpu.memory_space<vmem>>, %arg8: memref<128xi32, #tpu.memory_space<vmem>>, %arg9: memref<128x128xf32, #tpu.memory_space<vmem>>, %arg10: memref<128x128xf32, #tpu.memory_space<vmem>>, %arg11: memref<10112x128xf32, #tpu.memory_space<vmem_shared>>, %arg12: memref<!tpu.dma_semaphore, #tpu.memory_space<semaphore_mem>>, %arg13: memref<!tpu.dma_semaphore, #tpu.memory_space<semaphore_mem>>, %arg14: memref<!tpu.dma_semaphore, #tpu.memory_space<semaphore_mem>>) attributes {dimension_semantics = [#tpu.dimension_semantics<core_parallel>, #tpu.dimension_semantics<subcore_parallel>], iteration_bounds = array<i64: 2, 16>, scalar_prefetch = 0 : i64, scratch_operands = 9 : i64, tpu.core_type = #tpu.core_type<sc_vector_subcore>, window_params = [{transform_indices = #map}, {transform_indices = #map}, {transform_indices = #map}, {transform_indices = #map1}]} {
    %broadcast_in_dim3A = arith.constant 0.000000e+00 : f32
    %broadcast_in_dim3A_0 = vector.broadcast %broadcast_in_dim3A : f32 to vector<16xf32>
    %broadcast_in_dim3A_1 = arith.constant 0 : i32
    %broadcast_in_dim3A_2 = vector.broadcast %broadcast_in_dim3A_1 : i32 to vector<16xi32>
    "tpu.trace_start"() <{level = 10 : i32, message = "ph_zero"}> : () -> ()
    %scan3A = arith.constant 0 : i32
    %scan3A_3 = arith.constant 0 : i32
    %scan3A_4 = arith.constant 128 : i32
    %scan3A_5 = arith.addi %scan3A_3, %scan3A_4 : i32
    %scan3A_6 = arith.constant 1 : i32
    scf.for %scan3A_90 = %scan3A_3 to %scan3A_5 step %scan3A_6  : i32 {
      %swap3A_91 = arith.index_cast %scan3A_90 : i32 to index
      %swap3A_92 = arith.constant 0 : index
      %swap3A_93 = tpu.vector_load %arg10[%swap3A_91, %swap3A_92] {strides = array<i32>} : memref<128x128xf32, #tpu.memory_space<vmem>>, vector<16xf32>,
      tpu.vector_store %arg10[%swap3A_91, %swap3A_92], %broadcast_in_dim3A_0 {strides = array<i32>} : memref<128x128xf32, #tpu.memory_space<vmem>>, vector<16xf32>,
      %swap3A_94 = arith.index_cast %scan3A_90 : i32 to index
      %swap3A_95 = arith.constant 16 : index
      %swap3A_96 = tpu.vector_load %arg10[%swap3A_94, %swap3A_95] {strides = array<i32>} : memref<128x128xf32, #tpu.memory_space<vmem>>, vector<16xf32>,
      tpu.vector_store %arg10[%swap3A_94, %swap3A_95], %broadcast_in_dim3A_0 {strides = array<i32>} : memref<128x128xf32, #tpu.memory_space<vmem>>, vector<16xf32>,
      %swap3A_97 = arith.index_cast %scan3A_90 : i32 to index
      %swap3A_98 = arith.constant 32 : index
      %swap3A_99 = tpu.vector_load %arg10[%swap3A_97, %swap3A_98] {strides = array<i32>} : memref<128x128xf32, #tpu.memory_space<vmem>>, vector<16xf32>,
      tpu.vector_store %arg10[%swap3A_97, %swap3A_98], %broadcast_in_dim3A_0 {strides = array<i32>} : memref<128x128xf32, #tpu.memory_space<vmem>>, vector<16xf32>,
      %swap3A_100 = arith.index_cast %scan3A_90 : i32 to index
      %swap3A_101 = arith.constant 48 : index
      %swap3A_102 = tpu.vector_load %arg10[%swap3A_100, %swap3A_101] {strides = array<i32>} : memref<128x128xf32, #tpu.memory_space<vmem>>, vector<16xf32>,
      tpu.vector_store %arg10[%swap3A_100, %swap3A_101], %broadcast_in_dim3A_0 {strides = array<i32>} : memref<128x128xf32, #tpu.memory_space<vmem>>, vector<16xf32>,
      %swap3A_103 = arith.index_cast %scan3A_90 : i32 to index
      %swap3A_104 = arith.constant 64 : index
      %swap3A_105 = tpu.vector_load %arg10[%swap3A_103, %swap3A_104] {strides = array<i32>} : memref<128x128xf32, #tpu.memory_space<vmem>>, vector<16xf32>,
      tpu.vector_store %arg10[%swap3A_103, %swap3A_104], %broadcast_in_dim3A_0 {strides = array<i32>} : memref<128x128xf32, #tpu.memory_space<vmem>>, vector<16xf32>,
      %swap3A_106 = arith.index_cast %scan3A_90 : i32 to index
      %swap3A_107 = arith.constant 80 : index
      %swap3A_108 = tpu.vector_load %arg10[%swap3A_106, %swap3A_107] {strides = array<i32>} : memref<128x128xf32, #tpu.memory_space<vmem>>, vector<16xf32>,
      tpu.vector_store %arg10[%swap3A_106, %swap3A_107], %broadcast_in_dim3A_0 {strides = array<i32>} : memref<128x128xf32, #tpu.memory_space<vmem>>, vector<16xf32>,
      %swap3A_109 = arith.index_cast %scan3A_90 : i32 to index
      %swap3A_110 = arith.constant 96 : index
      %swap3A_111 = tpu.vector_load %arg10[%swap3A_109, %swap3A_110] {strides = array<i32>} : memref<128x128xf32, #tpu.memory_space<vmem>>, vector<16xf32>,
      tpu.vector_store %arg10[%swap3A_109, %swap3A_110], %broadcast_in_dim3A_0 {strides = array<i32>} : memref<128x128xf32, #tpu.memory_space<vmem>>, vector<16xf32>,
      %swap3A_112 = arith.index_cast %scan3A_90 : i32 to index
      %swap3A_113 = arith.constant 112 : index
      %swap3A_114 = tpu.vector_load %arg10[%swap3A_112, %swap3A_113] {strides = array<i32>} : memref<128x128xf32, #tpu.memory_space<vmem>>, vector<16xf32>,
      tpu.vector_store %arg10[%swap3A_112, %swap3A_113], %broadcast_in_dim3A_0 {strides = array<i32>} : memref<128x128xf32, #tpu.memory_space<vmem>>, vector<16xf32>,
    }
    %scan3A_7 = arith.constant 128 : i32
    %swap3A = arith.constant 0 : index
    %swap3A_8 = tpu.vector_load %arg8[%swap3A] {strides = array<i32>} : memref<128xi32, #tpu.memory_space<vmem>>, vector<16xi32>,
    tpu.vector_store %arg8[%swap3A], %broadcast_in_dim3A_2 {strides = array<i32>} : memref<128xi32, #tpu.memory_space<vmem>>, vector<16xi32>,
    %swap3A_9 = arith.constant 16 : index
    %swap3A_10 = tpu.vector_load %arg8[%swap3A_9] {strides = array<i32>} : memref<128xi32, #tpu.memory_space<vmem>>, vector<16xi32>,
    tpu.vector_store %arg8[%swap3A_9], %broadcast_in_dim3A_2 {strides = array<i32>} : memref<128xi32, #tpu.memory_space<vmem>>, vector<16xi32>,
    %swap3A_11 = arith.constant 32 : index
    %swap3A_12 = tpu.vector_load %arg8[%swap3A_11] {strides = array<i32>} : memref<128xi32, #tpu.memory_space<vmem>>, vector<16xi32>,
    tpu.vector_store %arg8[%swap3A_11], %broadcast_in_dim3A_2 {strides = array<i32>} : memref<128xi32, #tpu.memory_space<vmem>>, vector<16xi32>,
    %swap3A_13 = arith.constant 48 : index
    %swap3A_14 = tpu.vector_load %arg8[%swap3A_13] {strides = array<i32>} : memref<128xi32, #tpu.memory_space<vmem>>, vector<16xi32>,
    tpu.vector_store %arg8[%swap3A_13], %broadcast_in_dim3A_2 {strides = array<i32>} : memref<128xi32, #tpu.memory_space<vmem>>, vector<16xi32>,
    %swap3A_15 = arith.constant 64 : index
    %swap3A_16 = tpu.vector_load %arg8[%swap3A_15] {strides = array<i32>} : memref<128xi32, #tpu.memory_space<vmem>>, vector<16xi32>,
    tpu.vector_store %arg8[%swap3A_15], %broadcast_in_dim3A_2 {strides = array<i32>} : memref<128xi32, #tpu.memory_space<vmem>>, vector<16xi32>,
    %swap3A_17 = arith.constant 80 : index
    %swap3A_18 = tpu.vector_load %arg8[%swap3A_17] {strides = array<i32>} : memref<128xi32, #tpu.memory_space<vmem>>, vector<16xi32>,
    tpu.vector_store %arg8[%swap3A_17], %broadcast_in_dim3A_2 {strides = array<i32>} : memref<128xi32, #tpu.memory_space<vmem>>, vector<16xi32>,
    %swap3A_19 = arith.constant 96 : index
    %swap3A_20 = tpu.vector_load %arg8[%swap3A_19] {strides = array<i32>} : memref<128xi32, #tpu.memory_space<vmem>>, vector<16xi32>,
    tpu.vector_store %arg8[%swap3A_19], %broadcast_in_dim3A_2 {strides = array<i32>} : memref<128xi32, #tpu.memory_space<vmem>>, vector<16xi32>,
    %swap3A_21 = arith.constant 112 : index
    %swap3A_22 = tpu.vector_load %arg8[%swap3A_21] {strides = array<i32>} : memref<128xi32, #tpu.memory_space<vmem>>, vector<16xi32>,
    tpu.vector_store %arg8[%swap3A_21], %broadcast_in_dim3A_2 {strides = array<i32>} : memref<128xi32, #tpu.memory_space<vmem>>, vector<16xi32>,
    %mul3A = arith.constant 632 : i32
    %mul3A_23 = arith.muli %arg1, %mul3A : i32
    %add3A = arith.constant 0 : i32
    %add3A_24 = arith.addi %mul3A_23, %add3A : i32
    "tpu.region"() ({
      %run_scoped3A = tpu.sem_alloc : memref<!tpu.dma_semaphore, #tpu.memory_space<semaphore_mem>>
      %dma_start3A = arith.constant 0 : i32
      %dma_start3A_90 = tpu.memref_slice %arg11[%add3A_24, %dma_start3A] : memref<10112x128xf32, #tpu.memory_space<vmem_shared>> -> memref<128x128xf32, #tpu.memory_space<vmem_shared>>
      %dma_start3A_91 = arith.constant 0 : i32
      %dma_start3A_92 = tpu.memref_slice %arg11[%add3A_24, %dma_start3A_91] : memref<10112x128xf32, #tpu.memory_space<vmem_shared>> -> memref<128x128xf32, #tpu.memory_space<vmem_shared>>
      tpu.enqueue_dma source(%arg10 : memref<128x128xf32, #tpu.memory_space<vmem>>) target(%dma_start3A_92 : memref<128x128xf32, #tpu.memory_space<vmem_shared>>) target_semaphore(%run_scoped3A : memref<!tpu.dma_semaphore, #tpu.memory_space<semaphore_mem>>)
      %dma_wait3A = arith.constant 0 : i32
      %dma_wait3A_93 = tpu.memref_slice %arg11[%add3A_24, %dma_wait3A] : memref<10112x128xf32, #tpu.memory_space<vmem_shared>> -> memref<128x128xf32, #tpu.memory_space<vmem_shared>>
      %dma_wait3A_94 = arith.constant 0 : i32
      %dma_wait3A_95 = tpu.memref_slice %arg11[%add3A_24, %dma_wait3A_94] : memref<10112x128xf32, #tpu.memory_space<vmem_shared>> -> memref<128x128xf32, #tpu.memory_space<vmem_shared>>
      tpu.wait_dma2 semaphore(%run_scoped3A : memref<!tpu.dma_semaphore, #tpu.memory_space<semaphore_mem>>) src(%arg10 : memref<128x128xf32, #tpu.memory_space<vmem>>) dst(%dma_wait3A_95 : memref<128x128xf32, #tpu.memory_space<vmem_shared>>)
      tpu.yield
    }) : () -> ()
    %mul3A_25 = arith.constant 632 : i32
    %mul3A_26 = arith.muli %arg1, %mul3A_25 : i32
    %add3A_27 = arith.constant 128 : i32
    %add3A_28 = arith.addi %mul3A_26, %add3A_27 : i32
    "tpu.region"() ({
      %run_scoped3A = tpu.sem_alloc : memref<!tpu.dma_semaphore, #tpu.memory_space<semaphore_mem>>
      %dma_start3A = arith.constant 0 : i32
      %dma_start3A_90 = tpu.memref_slice %arg11[%add3A_28, %dma_start3A] : memref<10112x128xf32, #tpu.memory_space<vmem_shared>> -> memref<128x128xf32, #tpu.memory_space<vmem_shared>>
      %dma_start3A_91 = arith.constant 0 : i32
      %dma_start3A_92 = tpu.memref_slice %arg11[%add3A_28, %dma_start3A_91] : memref<10112x128xf32, #tpu.memory_space<vmem_shared>> -> memref<128x128xf32, #tpu.memory_space<vmem_shared>>
      tpu.enqueue_dma source(%arg10 : memref<128x128xf32, #tpu.memory_space<vmem>>) target(%dma_start3A_92 : memref<128x128xf32, #tpu.memory_space<vmem_shared>>) target_semaphore(%run_scoped3A : memref<!tpu.dma_semaphore, #tpu.memory_space<semaphore_mem>>)
      %dma_wait3A = arith.constant 0 : i32
      %dma_wait3A_93 = tpu.memref_slice %arg11[%add3A_28, %dma_wait3A] : memref<10112x128xf32, #tpu.memory_space<vmem_shared>> -> memref<128x128xf32, #tpu.memory_space<vmem_shared>>
      %dma_wait3A_94 = arith.constant 0 : i32
      %dma_wait3A_95 = tpu.memref_slice %arg11[%add3A_28, %dma_wait3A_94] : memref<10112x128xf32, #tpu.memory_space<vmem_shared>> -> memref<128x128xf32, #tpu.memory_space<vmem_shared>>
      tpu.wait_dma2 semaphore(%run_scoped3A : memref<!tpu.dma_semaphore, #tpu.memory_space<semaphore_mem>>) src(%arg10 : memref<128x128xf32, #tpu.memory_space<vmem>>) dst(%dma_wait3A_95 : memref<128x128xf32, #tpu.memory_space<vmem_shared>>)
      tpu.yield
    }) : () -> ()
    %mul3A_29 = arith.constant 632 : i32
    %mul3A_30 = arith.muli %arg1, %mul3A_29 : i32
    %add3A_31 = arith.constant 256 : i32
    %add3A_32 = arith.addi %mul3A_30, %add3A_31 : i32
    "tpu.region"() ({
      %run_scoped3A = tpu.sem_alloc : memref<!tpu.dma_semaphore, #tpu.memory_space<semaphore_mem>>
      %dma_start3A = arith.constant 0 : i32
      %dma_start3A_90 = tpu.memref_slice %arg11[%add3A_32, %dma_start3A] : memref<10112x128xf32, #tpu.memory_space<vmem_shared>> -> memref<128x128xf32, #tpu.memory_space<vmem_shared>>
      %dma_start3A_91 = arith.constant 0 : i32
      %dma_start3A_92 = tpu.memref_slice %arg11[%add3A_32, %dma_start3A_91] : memref<10112x128xf32, #tpu.memory_space<vmem_shared>> -> memref<128x128xf32, #tpu.memory_space<vmem_shared>>
      tpu.enqueue_dma source(%arg10 : memref<128x128xf32, #tpu.memory_space<vmem>>) target(%dma_start3A_92 : memref<128x128xf32, #tpu.memory_space<vmem_shared>>) target_semaphore(%run_scoped3A : memref<!tpu.dma_semaphore, #tpu.memory_space<semaphore_mem>>)
      %dma_wait3A = arith.constant 0 : i32
      %dma_wait3A_93 = tpu.memref_slice %arg11[%add3A_32, %dma_wait3A] : memref<10112x128xf32, #tpu.memory_space<vmem_shared>> -> memref<128x128xf32, #tpu.memory_space<vmem_shared>>
      %dma_wait3A_94 = arith.constant 0 : i32
      %dma_wait3A_95 = tpu.memref_slice %arg11[%add3A_32, %dma_wait3A_94] : memref<10112x128xf32, #tpu.memory_space<vmem_shared>> -> memref<128x128xf32, #tpu.memory_space<vmem_shared>>
      tpu.wait_dma2 semaphore(%run_scoped3A : memref<!tpu.dma_semaphore, #tpu.memory_space<semaphore_mem>>) src(%arg10 : memref<128x128xf32, #tpu.memory_space<vmem>>) dst(%dma_wait3A_95 : memref<128x128xf32, #tpu.memory_space<vmem_shared>>)
      tpu.yield
    }) : () -> ()
    %mul3A_33 = arith.constant 632 : i32
    %mul3A_34 = arith.muli %arg1, %mul3A_33 : i32
    %add3A_35 = arith.constant 384 : i32
    %add3A_36 = arith.addi %mul3A_34, %add3A_35 : i32
    "tpu.region"() ({
      %run_scoped3A = tpu.sem_alloc : memref<!tpu.dma_semaphore, #tpu.memory_space<semaphore_mem>>
      %dma_start3A = arith.constant 0 : i32
      %dma_start3A_90 = tpu.memref_slice %arg11[%add3A_36, %dma_start3A] : memref<10112x128xf32, #tpu.memory_space<vmem_shared>> -> memref<128x128xf32, #tpu.memory_space<vmem_shared>>
      %dma_start3A_91 = arith.constant 0 : i32
      %dma_start3A_92 = tpu.memref_slice %arg11[%add3A_36, %dma_start3A_91] : memref<10112x128xf32, #tpu.memory_space<vmem_shared>> -> memref<128x128xf32, #tpu.memory_space<vmem_shared>>
      tpu.enqueue_dma source(%arg10 : memref<128x128xf32, #tpu.memory_space<vmem>>) target(%dma_start3A_92 : memref<128x128xf32, #tpu.memory_space<vmem_shared>>) target_semaphore(%run_scoped3A : memref<!tpu.dma_semaphore, #tpu.memory_space<semaphore_mem>>)
      %dma_wait3A = arith.constant 0 : i32
      %dma_wait3A_93 = tpu.memref_slice %arg11[%add3A_36, %dma_wait3A] : memref<10112x128xf32, #tpu.memory_space<vmem_shared>> -> memref<128x128xf32, #tpu.memory_space<vmem_shared>>
      %dma_wait3A_94 = arith.constant 0 : i32
      %dma_wait3A_95 = tpu.memref_slice %arg11[%add3A_36, %dma_wait3A_94] : memref<10112x128xf32, #tpu.memory_space<vmem_shared>> -> memref<128x128xf32, #tpu.memory_space<vmem_shared>>
      tpu.wait_dma2 semaphore(%run_scoped3A : memref<!tpu.dma_semaphore, #tpu.memory_space<semaphore_mem>>) src(%arg10 : memref<128x128xf32, #tpu.memory_space<vmem>>) dst(%dma_wait3A_95 : memref<128x128xf32, #tpu.memory_space<vmem_shared>>)
      tpu.yield
    }) : () -> ()
    %mul3A_37 = arith.constant 632 : i32
    %mul3A_38 = arith.muli %arg1, %mul3A_37 : i32
    %add3A_39 = arith.constant 632 : i32
    %add3A_40 = arith.addi %mul3A_38, %add3A_39 : i32
    %sub3A = arith.constant 120 : i32
    %sub3A_41 = arith.subi %add3A_40, %sub3A : i32
    "tpu.region"() ({
      %run_scoped3A = tpu.sem_alloc : memref<!tpu.dma_semaphore, #tpu.memory_space<semaphore_mem>>
      %dma_start3A = arith.constant 0 : i32
      %dma_start3A_90 = arith.constant 0 : i32
      %dma_start3A_91 = tpu.memref_slice %arg10[%dma_start3A, %dma_start3A_90] : memref<128x128xf32, #tpu.memory_space<vmem>> -> memref<120x128xf32, #tpu.memory_space<vmem>>
      %dma_start3A_92 = arith.constant 0 : i32
      %dma_start3A_93 = tpu.memref_slice %arg11[%sub3A_41, %dma_start3A_92] : memref<10112x128xf32, #tpu.memory_space<vmem_shared>> -> memref<120x128xf32, #tpu.memory_space<vmem_shared>>
      %dma_start3A_94 = arith.constant 0 : i32
      %dma_start3A_95 = tpu.memref_slice %arg11[%sub3A_41, %dma_start3A_94] : memref<10112x128xf32, #tpu.memory_space<vmem_shared>> -> memref<120x128xf32, #tpu.memory_space<vmem_shared>>
      %dma_start3A_96 = arith.constant 0 : i32
      %dma_start3A_97 = arith.constant 0 : i32
      %dma_start3A_98 = tpu.memref_slice %arg10[%dma_start3A_96, %dma_start3A_97] : memref<128x128xf32, #tpu.memory_space<vmem>> -> memref<120x128xf32, #tpu.memory_space<vmem>>
      tpu.enqueue_dma source(%dma_start3A_98 : memref<120x128xf32, #tpu.memory_space<vmem>>) target(%dma_start3A_95 : memref<120x128xf32, #tpu.memory_space<vmem_shared>>) target_semaphore(%run_scoped3A : memref<!tpu.dma_semaphore, #tpu.memory_space<semaphore_mem>>)
      %dma_wait3A = arith.constant 0 : i32
      %dma_wait3A_99 = arith.constant 0 : i32
      %dma_wait3A_100 = tpu.memref_slice %arg10[%dma_wait3A, %dma_wait3A_99] : memref<128x128xf32, #tpu.memory_space<vmem>> -> memref<120x128xf32, #tpu.memory_space<vmem>>
      %dma_wait3A_101 = arith.constant 0 : i32
      %dma_wait3A_102 = tpu.memref_slice %arg11[%sub3A_41, %dma_wait3A_101] : memref<10112x128xf32, #tpu.memory_space<vmem_shared>> -> memref<120x128xf32, #tpu.memory_space<vmem_shared>>
      %dma_wait3A_103 = arith.constant 0 : i32
      %dma_wait3A_104 = tpu.memref_slice %arg11[%sub3A_41, %dma_wait3A_103] : memref<10112x128xf32, #tpu.memory_space<vmem_shared>> -> memref<120x128xf32, #tpu.memory_space<vmem_shared>>
      %dma_wait3A_105 = arith.constant 0 : i32
      %dma_wait3A_106 = arith.constant 0 : i32
      %dma_wait3A_107 = tpu.memref_slice %arg10[%dma_wait3A_105, %dma_wait3A_106] : memref<128x128xf32, #tpu.memory_space<vmem>> -> memref<120x128xf32, #tpu.memory_space<vmem>>
      tpu.wait_dma2 semaphore(%run_scoped3A : memref<!tpu.dma_semaphore, #tpu.memory_space<semaphore_mem>>) src(%dma_wait3A_107 : memref<120x128xf32, #tpu.memory_space<vmem>>) dst(%dma_wait3A_104 : memref<120x128xf32, #tpu.memory_space<vmem_shared>>)
      tpu.yield
    }) : () -> ()
    %barrier3A = arith.constant 0 : index
    tpu.barrier barrier_id(%barrier3A)
    %eq3A = arith.constant 0 : i32
    "tpu.trace_stop"() : () -> ()
    "tpu.trace_start"() <{level = 10 : i32, message = "ph_edges"}> : () -> ()
    %eq3A_42 = arith.cmpi eq, %arg0, %eq3A : i32
    %convert_element_type3A = arith.extui %eq3A_42 : i1 to i32
    %cond3A = arith.constant 0 : i32
    %cond3A_43 = arith.cmpi ne, %convert_element_type3A, %cond3A : i32
    scf.if %cond3A_43 {
      %mul3A_90 = arith.constant 80 : i32
      %mul3A_91 = arith.muli %arg1, %mul3A_90 : i32
      "tpu.region"() ({
        %run_scoped3A = tpu.sem_alloc : memref<!tpu.dma_semaphore, #tpu.memory_space<semaphore_mem>>
        %dma_start3A_115 = arith.constant 0 : i32
        %dma_start3A_116 = arith.constant 0 : i32
        %dma_start3A_117 = tpu.memref_slice %arg6[%dma_start3A_115, %dma_start3A_116] : memref<80x128xi32, #tpu.memory_space<vmem>> -> memref<80x128xi32, #tpu.memory_space<vmem>>
        %dma_start3A_118 = arith.constant 0 : i32
        %dma_start3A_119 = tpu.memref_slice %arg3[%mul3A_91, %dma_start3A_118] : memref<2560x128xi32, #tpu.memory_space<hbm>> -> memref<80x128xi32, #tpu.memory_space<hbm>>
        %dma_start3A_120 = arith.constant 0 : i32
        %dma_start3A_121 = arith.constant 0 : i32
        %dma_start3A_122 = tpu.memref_slice %arg6[%dma_start3A_120, %dma_start3A_121] : memref<80x128xi32, #tpu.memory_space<vmem>> -> memref<80x128xi32, #tpu.memory_space<vmem>>
        %dma_start3A_123 = arith.constant 0 : i32
        %dma_start3A_124 = tpu.memref_slice %arg3[%mul3A_91, %dma_start3A_123] : memref<2560x128xi32, #tpu.memory_space<hbm>> -> memref<80x128xi32, #tpu.memory_space<hbm>>
        tpu.enqueue_dma source(%dma_start3A_124 : memref<80x128xi32, #tpu.memory_space<hbm>>) target(%dma_start3A_122 : memref<80x128xi32, #tpu.memory_space<vmem>>) target_semaphore(%run_scoped3A : memref<!tpu.dma_semaphore, #tpu.memory_space<semaphore_mem>>)
        %dma_wait3A_125 = arith.constant 0 : i32
        %dma_wait3A_126 = arith.constant 0 : i32
        %dma_wait3A_127 = tpu.memref_slice %arg6[%dma_wait3A_125, %dma_wait3A_126] : memref<80x128xi32, #tpu.memory_space<vmem>> -> memref<80x128xi32, #tpu.memory_space<vmem>>
        %dma_wait3A_128 = arith.constant 0 : i32
        %dma_wait3A_129 = tpu.memref_slice %arg3[%mul3A_91, %dma_wait3A_128] : memref<2560x128xi32, #tpu.memory_space<hbm>> -> memref<80x128xi32, #tpu.memory_space<hbm>>
        %dma_wait3A_130 = arith.constant 0 : i32
        %dma_wait3A_131 = arith.constant 0 : i32
        %dma_wait3A_132 = tpu.memref_slice %arg6[%dma_wait3A_130, %dma_wait3A_131] : memref<80x128xi32, #tpu.memory_space<vmem>> -> memref<80x128xi32, #tpu.memory_space<vmem>>
        %dma_wait3A_133 = arith.constant 0 : i32
        %dma_wait3A_134 = tpu.memref_slice %arg3[%mul3A_91, %dma_wait3A_133] : memref<2560x128xi32, #tpu.memory_space<hbm>> -> memref<80x128xi32, #tpu.memory_space<hbm>>
        tpu.wait_dma2 semaphore(%run_scoped3A : memref<!tpu.dma_semaphore, #tpu.memory_space<semaphore_mem>>) src(%dma_wait3A_134 : memref<80x128xi32, #tpu.memory_space<hbm>>) dst(%dma_wait3A_132 : memref<80x128xi32, #tpu.memory_space<vmem>>)
        tpu.yield
      }) : () -> ()
      %dma_start3A = arith.constant 0 : i32
      %dma_start3A_92 = arith.constant 0 : i32
      %dma_start3A_93 = tpu.memref_slice %arg11[%dma_start3A, %dma_start3A_92] : memref<10112x128xf32, #tpu.memory_space<vmem_shared>> -> memref<10112x128xf32, #tpu.memory_space<vmem_shared>>
      tpu.enqueue_indirect_dma source(%arg10 : memref<128x128xf32, #tpu.memory_space<vmem>>) target(%dma_start3A_93 : memref<10112x128xf32, #tpu.memory_space<vmem_shared>>) offsets(%arg8 : memref<128xi32, #tpu.memory_space<vmem>>) semaphore(%arg14 : memref<!tpu.dma_semaphore, #tpu.memory_space<semaphore_mem>>) {add = true}
      %dma_start3A_94 = arith.constant 0 : i32
      %dma_start3A_95 = tpu.memref_slice %arg4[%mul3A_91, %dma_start3A_94] : memref<2560x128xi32, #tpu.memory_space<hbm>> -> memref<1x128xi32, #tpu.memory_space<hbm>>
      %dma_start3A_96 = tpu.memref_squeeze %dma_start3A_95 : memref<1x128xi32, #tpu.memory_space<hbm>> -> memref<128xi32, #tpu.memory_space<hbm>>
      %dma_start3A_97 = arith.constant 0 : i32
      %dma_start3A_98 = tpu.memref_slice %arg4[%mul3A_91, %dma_start3A_97] : memref<2560x128xi32, #tpu.memory_space<hbm>> -> memref<1x128xi32, #tpu.memory_space<hbm>>
      %dma_start3A_99 = tpu.memref_squeeze %dma_start3A_98 : memref<1x128xi32, #tpu.memory_space<hbm>> -> memref<128xi32, #tpu.memory_space<hbm>>
      tpu.enqueue_dma source(%dma_start3A_99 : memref<128xi32, #tpu.memory_space<hbm>>) target(%arg7 : memref<128xi32, #tpu.memory_space<vmem>>) target_semaphore(%arg12 : memref<!tpu.dma_semaphore, #tpu.memory_space<semaphore_mem>>)
      %dma_start3A_100 = arith.constant 0 : i32
      %dma_start3A_101 = arith.constant 0 : i32
      %dma_start3A_102 = tpu.memref_slice %arg6[%dma_start3A_100, %dma_start3A_101] : memref<80x128xi32, #tpu.memory_space<vmem>> -> memref<1x128xi32, #tpu.memory_space<vmem>>
      %dma_start3A_103 = tpu.memref_squeeze %dma_start3A_102 : memref<1x128xi32, #tpu.memory_space<vmem>> -> memref<128xi32, #tpu.memory_space<vmem>>
      %dma_start3A_104 = arith.constant 0 : i32
      %dma_start3A_105 = arith.constant 0 : i32
      %dma_start3A_106 = tpu.memref_slice %arg2[%dma_start3A_104, %dma_start3A_105] : memref<10000x128xf32, #tpu.memory_space<hbm>> -> memref<10000x128xf32, #tpu.memory_space<hbm>>
      tpu.enqueue_indirect_dma source(%dma_start3A_106 : memref<10000x128xf32, #tpu.memory_space<hbm>>) target(%arg9 : memref<128x128xf32, #tpu.memory_space<vmem>>) offsets(%dma_start3A_103 : memref<128xi32, #tpu.memory_space<vmem>>) semaphore(%arg13 : memref<!tpu.dma_semaphore, #tpu.memory_space<semaphore_mem>>)
      %scan3A_107 = arith.constant 0 : i32
      %scan3A_108 = arith.constant 0 : i32
      %scan3A_109 = arith.constant 40 : i32
      %scan3A_110 = arith.addi %scan3A_108, %scan3A_109 : i32
      %scan3A_111 = arith.constant 1 : i32
      scf.for %scan3A_115 = %scan3A_108 to %scan3A_110 step %scan3A_111  : i32 {
        %mul3A_116 = arith.constant 2 : i32
        %mul3A_117 = arith.muli %mul3A_116, %scan3A_115 : i32
        %add3A_118 = arith.constant 0 : i32
        %add3A_119 = arith.addi %mul3A_117, %add3A_118 : i32
        %dma_wait3A_120 = arith.constant 0 : i32
        %dma_wait3A_121 = arith.constant 0 : i32
        %dma_wait3A_122 = tpu.memref_slice %arg4[%dma_wait3A_120, %dma_wait3A_121] : memref<2560x128xi32, #tpu.memory_space<hbm>> -> memref<1x128xi32, #tpu.memory_space<hbm>>
        %dma_wait3A_123 = tpu.memref_squeeze %dma_wait3A_122 : memref<1x128xi32, #tpu.memory_space<hbm>> -> memref<128xi32, #tpu.memory_space<hbm>>
        %dma_wait3A_124 = arith.constant 0 : i32
        %dma_wait3A_125 = tpu.memref_slice %arg4[%dma_wait3A_120, %dma_wait3A_124] : memref<2560x128xi32, #tpu.memory_space<hbm>> -> memref<1x128xi32, #tpu.memory_space<hbm>>
        %dma_wait3A_126 = tpu.memref_squeeze %dma_wait3A_125 : memref<1x128xi32, #tpu.memory_space<hbm>> -> memref<128xi32, #tpu.memory_space<hbm>>
        tpu.wait_dma2 semaphore(%arg12 : memref<!tpu.dma_semaphore, #tpu.memory_space<semaphore_mem>>) src(%dma_wait3A_126 : memref<128xi32, #tpu.memory_space<hbm>>) dst(%arg7 : memref<128xi32, #tpu.memory_space<vmem>>)
        %dma_wait3A_127 = arith.constant 0 : i32
        %dma_wait3A_128 = arith.constant 0 : i32
        %dma_wait3A_129 = tpu.memref_slice %arg6[%dma_wait3A_127, %dma_wait3A_128] : memref<80x128xi32, #tpu.memory_space<vmem>> -> memref<1x128xi32, #tpu.memory_space<vmem>>
        %dma_wait3A_130 = tpu.memref_squeeze %dma_wait3A_129 : memref<1x128xi32, #tpu.memory_space<vmem>> -> memref<128xi32, #tpu.memory_space<vmem>>
        %dma_wait3A_131 = arith.constant 0 : i32
        %dma_wait3A_132 = arith.constant 0 : i32
        %dma_wait3A_133 = tpu.memref_slice %arg2[%dma_wait3A_131, %dma_wait3A_132] : memref<10000x128xf32, #tpu.memory_space<hbm>> -> memref<10000x128xf32, #tpu.memory_space<hbm>>
        tpu.wait_indirect_dma semaphore(%arg13 : memref<!tpu.dma_semaphore, #tpu.memory_space<semaphore_mem>>) src(%dma_wait3A_133 : memref<10000x128xf32, #tpu.memory_space<hbm>>) dst(%arg9 : memref<128x128xf32, #tpu.memory_space<vmem>>)
        %dma_wait3A_134 = arith.constant 0 : i32
        %dma_wait3A_135 = arith.constant 0 : i32
        %dma_wait3A_136 = tpu.memref_slice %arg11[%dma_wait3A_134, %dma_wait3A_135] : memref<10112x128xf32, #tpu.memory_space<vmem_shared>> -> memref<10112x128xf32, #tpu.memory_space<vmem_shared>>
        tpu.wait_indirect_dma semaphore(%arg14 : memref<!tpu.dma_semaphore, #tpu.memory_space<semaphore_mem>>) src(%arg9 : memref<128x128xf32, #tpu.memory_space<vmem>>) dst(%dma_wait3A_136 : memref<10112x128xf32, #tpu.memory_space<vmem_shared>>)
        %dma_start3A_137 = arith.constant 0 : i32
        %dma_start3A_138 = arith.constant 0 : i32
        %dma_start3A_139 = tpu.memref_slice %arg11[%dma_start3A_137, %dma_start3A_138] : memref<10112x128xf32, #tpu.memory_space<vmem_shared>> -> memref<10112x128xf32, #tpu.memory_space<vmem_shared>>
        tpu.enqueue_indirect_dma source(%arg9 : memref<128x128xf32, #tpu.memory_space<vmem>>) target(%dma_start3A_139 : memref<10112x128xf32, #tpu.memory_space<vmem_shared>>) offsets(%arg7 : memref<128xi32, #tpu.memory_space<vmem>>) semaphore(%arg14 : memref<!tpu.dma_semaphore, #tpu.memory_space<semaphore_mem>>) {add = true}
        %add3A_140 = arith.addi %mul3A_91, %add3A_119 : i32
        %add3A_141 = arith.constant 1 : i32
        %add3A_142 = arith.addi %add3A_140, %add3A_141 : i32
        %dma_start3A_143 = arith.constant 0 : i32
        %dma_start3A_144 = tpu.memref_slice %arg4[%add3A_142, %dma_start3A_143] : memref<2560x128xi32, #tpu.memory_space<hbm>> -> memref<1x128xi32, #tpu.memory_space<hbm>>
        %dma_start3A_145 = tpu.memref_squeeze %dma_start3A_144 : memref<1x128xi32, #tpu.memory_space<hbm>> -> memref<128xi32, #tpu.memory_space<hbm>>
        %dma_start3A_146 = arith.constant 0 : i32
        %dma_start3A_147 = tpu.memref_slice %arg4[%add3A_142, %dma_start3A_146] : memref<2560x128xi32, #tpu.memory_space<hbm>> -> memref<1x128xi32, #tpu.memory_space<hbm>>
        %dma_start3A_148 = tpu.memref_squeeze %dma_start3A_147 : memref<1x128xi32, #tpu.memory_space<hbm>> -> memref<128xi32, #tpu.memory_space<hbm>>
        tpu.enqueue_dma source(%dma_start3A_148 : memref<128xi32, #tpu.memory_space<hbm>>) target(%arg8 : memref<128xi32, #tpu.memory_space<vmem>>) target_semaphore(%arg12 : memref<!tpu.dma_semaphore, #tpu.memory_space<semaphore_mem>>)
        %add3A_149 = arith.constant 1 : i32
        %add3A_150 = arith.addi %add3A_119, %add3A_149 : i32
        %dma_start3A_151 = arith.constant 0 : i32
        %dma_start3A_152 = tpu.memref_slice %arg6[%add3A_150, %dma_start3A_151] : memref<80x128xi32, #tpu.memory_space<vmem>> -> memref<1x128xi32, #tpu.memory_space<vmem>>
        %dma_start3A_153 = tpu.memref_squeeze %dma_start3A_152 : memref<1x128xi32, #tpu.memory_space<vmem>> -> memref<128xi32, #tpu.memory_space<vmem>>
        %dma_start3A_154 = arith.constant 0 : i32
        %dma_start3A_155 = arith.constant 0 : i32
        %dma_start3A_156 = tpu.memref_slice %arg2[%dma_start3A_154, %dma_start3A_155] : memref<10000x128xf32, #tpu.memory_space<hbm>> -> memref<10000x128xf32, #tpu.memory_space<hbm>>
        tpu.enqueue_indirect_dma source(%dma_start3A_156 : memref<10000x128xf32, #tpu.memory_space<hbm>>) target(%arg10 : memref<128x128xf32, #tpu.memory_space<vmem>>) offsets(%dma_start3A_153 : memref<128xi32, #tpu.memory_space<vmem>>) semaphore(%arg13 : memref<!tpu.dma_semaphore, #tpu.memory_space<semaphore_mem>>)
        %mul3A_157 = arith.constant 2 : i32
        %mul3A_158 = arith.muli %mul3A_157, %scan3A_115 : i32
        %add3A_159 = arith.constant 1 : i32
        %add3A_160 = arith.addi %mul3A_158, %add3A_159 : i32
        %dma_wait3A_161 = arith.constant 0 : i32
        %dma_wait3A_162 = arith.constant 0 : i32
        %dma_wait3A_163 = tpu.memref_slice %arg4[%dma_wait3A_161, %dma_wait3A_162] : memref<2560x128xi32, #tpu.memory_space<hbm>> -> memref<1x128xi32, #tpu.memory_space<hbm>>
        %dma_wait3A_164 = tpu.memref_squeeze %dma_wait3A_163 : memref<1x128xi32, #tpu.memory_space<hbm>> -> memref<128xi32, #tpu.memory_space<hbm>>
        %dma_wait3A_165 = arith.constant 0 : i32
        %dma_wait3A_166 = tpu.memref_slice %arg4[%dma_wait3A_161, %dma_wait3A_165] : memref<2560x128xi32, #tpu.memory_space<hbm>> -> memref<1x128xi32, #tpu.memory_space<hbm>>
        %dma_wait3A_167 = tpu.memref_squeeze %dma_wait3A_166 : memref<1x128xi32, #tpu.memory_space<hbm>> -> memref<128xi32, #tpu.memory_space<hbm>>
        tpu.wait_dma2 semaphore(%arg12 : memref<!tpu.dma_semaphore, #tpu.memory_space<semaphore_mem>>) src(%dma_wait3A_167 : memref<128xi32, #tpu.memory_space<hbm>>) dst(%arg8 : memref<128xi32, #tpu.memory_space<vmem>>)
        %dma_wait3A_168 = arith.constant 0 : i32
        %dma_wait3A_169 = arith.constant 0 : i32
        %dma_wait3A_170 = tpu.memref_slice %arg6[%dma_wait3A_168, %dma_wait3A_169] : memref<80x128xi32, #tpu.memory_space<vmem>> -> memref<1x128xi32, #tpu.memory_space<vmem>>
        %dma_wait3A_171 = tpu.memref_squeeze %dma_wait3A_170 : memref<1x128xi32, #tpu.memory_space<vmem>> -> memref<128xi32, #tpu.memory_space<vmem>>
        %dma_wait3A_172 = arith.constant 0 : i32
        %dma_wait3A_173 = arith.constant 0 : i32
        %dma_wait3A_174 = tpu.memref_slice %arg2[%dma_wait3A_172, %dma_wait3A_173] : memref<10000x128xf32, #tpu.memory_space<hbm>> -> memref<10000x128xf32, #tpu.memory_space<hbm>>
        tpu.wait_indirect_dma semaphore(%arg13 : memref<!tpu.dma_semaphore, #tpu.memory_space<semaphore_mem>>) src(%dma_wait3A_174 : memref<10000x128xf32, #tpu.memory_space<hbm>>) dst(%arg10 : memref<128x128xf32, #tpu.memory_space<vmem>>)
        %dma_wait3A_175 = arith.constant 0 : i32
        %dma_wait3A_176 = arith.constant 0 : i32
        %dma_wait3A_177 = tpu.memref_slice %arg11[%dma_wait3A_175, %dma_wait3A_176] : memref<10112x128xf32, #tpu.memory_space<vmem_shared>> -> memref<10112x128xf32, #tpu.memory_space<vmem_shared>>
        tpu.wait_indirect_dma semaphore(%arg14 : memref<!tpu.dma_semaphore, #tpu.memory_space<semaphore_mem>>) src(%arg10 : memref<128x128xf32, #tpu.memory_space<vmem>>) dst(%dma_wait3A_177 : memref<10112x128xf32, #tpu.memory_space<vmem_shared>>)
        %dma_start3A_178 = arith.constant 0 : i32
        %dma_start3A_179 = arith.constant 0 : i32
        %dma_start3A_180 = tpu.memref_slice %arg11[%dma_start3A_178, %dma_start3A_179] : memref<10112x128xf32, #tpu.memory_space<vmem_shared>> -> memref<10112x128xf32, #tpu.memory_space<vmem_shared>>
        tpu.enqueue_indirect_dma source(%arg10 : memref<128x128xf32, #tpu.memory_space<vmem>>) target(%dma_start3A_180 : memref<10112x128xf32, #tpu.memory_space<vmem_shared>>) offsets(%arg8 : memref<128xi32, #tpu.memory_space<vmem>>) semaphore(%arg14 : memref<!tpu.dma_semaphore, #tpu.memory_space<semaphore_mem>>) {add = true}
        %lt3A = arith.constant 39 : i32
        %lt3A_181 = arith.cmpi slt, %scan3A_115, %lt3A : i32
        %convert_element_type3A_182 = arith.extui %lt3A_181 : i1 to i32
        %cond3A_183 = arith.constant 0 : i32
        %cond3A_184 = arith.cmpi ne, %convert_element_type3A_182, %cond3A_183 : i32
        scf.if %cond3A_184 {
          %add3A_185 = arith.addi %mul3A_91, %add3A_160 : i32
          %add3A_186 = arith.constant 1 : i32
          %add3A_187 = arith.addi %add3A_185, %add3A_186 : i32
          %dma_start3A_188 = arith.constant 0 : i32
          %dma_start3A_189 = tpu.memref_slice %arg4[%add3A_187, %dma_start3A_188] : memref<2560x128xi32, #tpu.memory_space<hbm>> -> memref<1x128xi32, #tpu.memory_space<hbm>>
          %dma_start3A_190 = tpu.memref_squeeze %dma_start3A_189 : memref<1x128xi32, #tpu.memory_space<hbm>> -> memref<128xi32, #tpu.memory_space<hbm>>
          %dma_start3A_191 = arith.constant 0 : i32
          %dma_start3A_192 = tpu.memref_slice %arg4[%add3A_187, %dma_start3A_191] : memref<2560x128xi32, #tpu.memory_space<hbm>> -> memref<1x128xi32, #tpu.memory_space<hbm>>
          %dma_start3A_193 = tpu.memref_squeeze %dma_start3A_192 : memref<1x128xi32, #tpu.memory_space<hbm>> -> memref<128xi32, #tpu.memory_space<hbm>>
          tpu.enqueue_dma source(%dma_start3A_193 : memref<128xi32, #tpu.memory_space<hbm>>) target(%arg7 : memref<128xi32, #tpu.memory_space<vmem>>) target_semaphore(%arg12 : memref<!tpu.dma_semaphore, #tpu.memory_space<semaphore_mem>>)
          %add3A_194 = arith.constant 1 : i32
          %add3A_195 = arith.addi %add3A_160, %add3A_194 : i32
          %dma_start3A_196 = arith.constant 0 : i32
          %dma_start3A_197 = tpu.memref_slice %arg6[%add3A_195, %dma_start3A_196] : memref<80x128xi32, #tpu.memory_space<vmem>> -> memref<1x128xi32, #tpu.memory_space<vmem>>
          %dma_start3A_198 = tpu.memref_squeeze %dma_start3A_197 : memref<1x128xi32, #tpu.memory_space<vmem>> -> memref<128xi32, #tpu.memory_space<vmem>>
          %dma_start3A_199 = arith.constant 0 : i32
          %dma_start3A_200 = arith.constant 0 : i32
          %dma_start3A_201 = tpu.memref_slice %arg2[%dma_start3A_199, %dma_start3A_200] : memref<10000x128xf32, #tpu.memory_space<hbm>> -> memref<10000x128xf32, #tpu.memory_space<hbm>>
          tpu.enqueue_indirect_dma source(%dma_start3A_201 : memref<10000x128xf32, #tpu.memory_space<hbm>>) target(%arg9 : memref<128x128xf32, #tpu.memory_space<vmem>>) offsets(%dma_start3A_198 : memref<128xi32, #tpu.memory_space<vmem>>) semaphore(%arg13 : memref<!tpu.dma_semaphore, #tpu.memory_space<semaphore_mem>>)
        } else {
        }
      }
      %scan3A_112 = arith.constant 40 : i32
      %dma_wait3A = arith.constant 0 : i32
      %dma_wait3A_113 = arith.constant 0 : i32
      %dma_wait3A_114 = tpu.memref_slice %arg11[%dma_wait3A, %dma_wait3A_113] : memref<10112x128xf32, #tpu.memory_space<vmem_shared>> -> memref<10112x128xf32, #tpu.memory_space<vmem_shared>>
      tpu.wait_indirect_dma semaphore(%arg14 : memref<!tpu.dma_semaphore, #tpu.memory_space<semaphore_mem>>) src(%arg9 : memref<128x128xf32, #tpu.memory_space<vmem>>) dst(%dma_wait3A_114 : memref<10112x128xf32, #tpu.memory_space<vmem_shared>>)
    } else {
    }
    %eq3A_44 = arith.constant 1 : i32
    %eq3A_45 = arith.cmpi eq, %arg0, %eq3A_44 : i32
    %convert_element_type3A_46 = arith.extui %eq3A_45 : i1 to i32
    %cond3A_47 = arith.constant 0 : i32
    %cond3A_48 = arith.cmpi ne, %convert_element_type3A_46, %cond3A_47 : i32
    scf.if %cond3A_48 {
      %mul3A_90 = arith.constant 80 : i32
      %mul3A_91 = arith.muli %arg1, %mul3A_90 : i32
      %add3A_92 = arith.constant 1280 : i32
      %add3A_93 = arith.addi %add3A_92, %mul3A_91 : i32
      "tpu.region"() ({
        %run_scoped3A = tpu.sem_alloc : memref<!tpu.dma_semaphore, #tpu.memory_space<semaphore_mem>>
        %dma_start3A_117 = arith.constant 0 : i32
        %dma_start3A_118 = arith.constant 0 : i32
        %dma_start3A_119 = tpu.memref_slice %arg6[%dma_start3A_117, %dma_start3A_118] : memref<80x128xi32, #tpu.memory_space<vmem>> -> memref<80x128xi32, #tpu.memory_space<vmem>>
        %dma_start3A_120 = arith.constant 0 : i32
        %dma_start3A_121 = tpu.memref_slice %arg3[%add3A_93, %dma_start3A_120] : memref<2560x128xi32, #tpu.memory_space<hbm>> -> memref<80x128xi32, #tpu.memory_space<hbm>>
        %dma_start3A_122 = arith.constant 0 : i32
        %dma_start3A_123 = arith.constant 0 : i32
        %dma_start3A_124 = tpu.memref_slice %arg6[%dma_start3A_122, %dma_start3A_123] : memref<80x128xi32, #tpu.memory_space<vmem>> -> memref<80x128xi32, #tpu.memory_space<vmem>>
        %dma_start3A_125 = arith.constant 0 : i32
        %dma_start3A_126 = tpu.memref_slice %arg3[%add3A_93, %dma_start3A_125] : memref<2560x128xi32, #tpu.memory_space<hbm>> -> memref<80x128xi32, #tpu.memory_space<hbm>>
        tpu.enqueue_dma source(%dma_start3A_126 : memref<80x128xi32, #tpu.memory_space<hbm>>) target(%dma_start3A_124 : memref<80x128xi32, #tpu.memory_space<vmem>>) target_semaphore(%run_scoped3A : memref<!tpu.dma_semaphore, #tpu.memory_space<semaphore_mem>>)
        %dma_wait3A_127 = arith.constant 0 : i32
        %dma_wait3A_128 = arith.constant 0 : i32
        %dma_wait3A_129 = tpu.memref_slice %arg6[%dma_wait3A_127, %dma_wait3A_128] : memref<80x128xi32, #tpu.memory_space<vmem>> -> memref<80x128xi32, #tpu.memory_space<vmem>>
        %dma_wait3A_130 = arith.constant 0 : i32
        %dma_wait3A_131 = tpu.memref_slice %arg3[%add3A_93, %dma_wait3A_130] : memref<2560x128xi32, #tpu.memory_space<hbm>> -> memref<80x128xi32, #tpu.memory_space<hbm>>
        %dma_wait3A_132 = arith.constant 0 : i32
        %dma_wait3A_133 = arith.constant 0 : i32
        %dma_wait3A_134 = tpu.memref_slice %arg6[%dma_wait3A_132, %dma_wait3A_133] : memref<80x128xi32, #tpu.memory_space<vmem>> -> memref<80x128xi32, #tpu.memory_space<vmem>>
        %dma_wait3A_135 = arith.constant 0 : i32
        %dma_wait3A_136 = tpu.memref_slice %arg3[%add3A_93, %dma_wait3A_135] : memref<2560x128xi32, #tpu.memory_space<hbm>> -> memref<80x128xi32, #tpu.memory_space<hbm>>
        tpu.wait_dma2 semaphore(%run_scoped3A : memref<!tpu.dma_semaphore, #tpu.memory_space<semaphore_mem>>) src(%dma_wait3A_136 : memref<80x128xi32, #tpu.memory_space<hbm>>) dst(%dma_wait3A_134 : memref<80x128xi32, #tpu.memory_space<vmem>>)
        tpu.yield
      }) : () -> ()
      %dma_start3A = arith.constant 0 : i32
      %dma_start3A_94 = arith.constant 0 : i32
      %dma_start3A_95 = tpu.memref_slice %arg11[%dma_start3A, %dma_start3A_94] : memref<10112x128xf32, #tpu.memory_space<vmem_shared>> -> memref<10112x128xf32, #tpu.memory_space<vmem_shared>>
      tpu.enqueue_indirect_dma source(%arg10 : memref<128x128xf32, #tpu.memory_space<vmem>>) target(%dma_start3A_95 : memref<10112x128xf32, #tpu.memory_space<vmem_shared>>) offsets(%arg8 : memref<128xi32, #tpu.memory_space<vmem>>) semaphore(%arg14 : memref<!tpu.dma_semaphore, #tpu.memory_space<semaphore_mem>>) {add = true}
      %dma_start3A_96 = arith.constant 0 : i32
      %dma_start3A_97 = tpu.memref_slice %arg4[%add3A_93, %dma_start3A_96] : memref<2560x128xi32, #tpu.memory_space<hbm>> -> memref<1x128xi32, #tpu.memory_space<hbm>>
      %dma_start3A_98 = tpu.memref_squeeze %dma_start3A_97 : memref<1x128xi32, #tpu.memory_space<hbm>> -> memref<128xi32, #tpu.memory_space<hbm>>
      %dma_start3A_99 = arith.constant 0 : i32
      %dma_start3A_100 = tpu.memref_slice %arg4[%add3A_93, %dma_start3A_99] : memref<2560x128xi32, #tpu.memory_space<hbm>> -> memref<1x128xi32, #tpu.memory_space<hbm>>
      %dma_start3A_101 = tpu.memref_squeeze %dma_start3A_100 : memref<1x128xi32, #tpu.memory_space<hbm>> -> memref<128xi32, #tpu.memory_space<hbm>>
      tpu.enqueue_dma source(%dma_start3A_101 : memref<128xi32, #tpu.memory_space<hbm>>) target(%arg7 : memref<128xi32, #tpu.memory_space<vmem>>) target_semaphore(%arg12 : memref<!tpu.dma_semaphore, #tpu.memory_space<semaphore_mem>>)
      %dma_start3A_102 = arith.constant 0 : i32
      %dma_start3A_103 = arith.constant 0 : i32
      %dma_start3A_104 = tpu.memref_slice %arg6[%dma_start3A_102, %dma_start3A_103] : memref<80x128xi32, #tpu.memory_space<vmem>> -> memref<1x128xi32, #tpu.memory_space<vmem>>
      %dma_start3A_105 = tpu.memref_squeeze %dma_start3A_104 : memref<1x128xi32, #tpu.memory_space<vmem>> -> memref<128xi32, #tpu.memory_space<vmem>>
      %dma_start3A_106 = arith.constant 0 : i32
      %dma_start3A_107 = arith.constant 0 : i32
      %dma_start3A_108 = tpu.memref_slice %arg2[%dma_start3A_106, %dma_start3A_107] : memref<10000x128xf32, #tpu.memory_space<hbm>> -> memref<10000x128xf32, #tpu.memory_space<hbm>>
      tpu.enqueue_indirect_dma source(%dma_start3A_108 : memref<10000x128xf32, #tpu.memory_space<hbm>>) target(%arg9 : memref<128x128xf32, #tpu.memory_space<vmem>>) offsets(%dma_start3A_105 : memref<128xi32, #tpu.memory_space<vmem>>) semaphore(%arg13 : memref<!tpu.dma_semaphore, #tpu.memory_space<semaphore_mem>>)
      %scan3A_109 = arith.constant 0 : i32
      %scan3A_110 = arith.constant 0 : i32
      %scan3A_111 = arith.constant 40 : i32
      %scan3A_112 = arith.addi %scan3A_110, %scan3A_111 : i32
      %scan3A_113 = arith.constant 1 : i32
      scf.for %scan3A_117 = %scan3A_110 to %scan3A_112 step %scan3A_113  : i32 {
        %mul3A_118 = arith.constant 2 : i32
        %mul3A_119 = arith.muli %mul3A_118, %scan3A_117 : i32
        %add3A_120 = arith.constant 0 : i32
        %add3A_121 = arith.addi %mul3A_119, %add3A_120 : i32
        %dma_wait3A_122 = arith.constant 0 : i32
        %dma_wait3A_123 = arith.constant 0 : i32
        %dma_wait3A_124 = tpu.memref_slice %arg4[%dma_wait3A_122, %dma_wait3A_123] : memref<2560x128xi32, #tpu.memory_space<hbm>> -> memref<1x128xi32, #tpu.memory_space<hbm>>
        %dma_wait3A_125 = tpu.memref_squeeze %dma_wait3A_124 : memref<1x128xi32, #tpu.memory_space<hbm>> -> memref<128xi32, #tpu.memory_space<hbm>>
        %dma_wait3A_126 = arith.constant 0 : i32
        %dma_wait3A_127 = tpu.memref_slice %arg4[%dma_wait3A_122, %dma_wait3A_126] : memref<2560x128xi32, #tpu.memory_space<hbm>> -> memref<1x128xi32, #tpu.memory_space<hbm>>
        %dma_wait3A_128 = tpu.memref_squeeze %dma_wait3A_127 : memref<1x128xi32, #tpu.memory_space<hbm>> -> memref<128xi32, #tpu.memory_space<hbm>>
        tpu.wait_dma2 semaphore(%arg12 : memref<!tpu.dma_semaphore, #tpu.memory_space<semaphore_mem>>) src(%dma_wait3A_128 : memref<128xi32, #tpu.memory_space<hbm>>) dst(%arg7 : memref<128xi32, #tpu.memory_space<vmem>>)
        %dma_wait3A_129 = arith.constant 0 : i32
        %dma_wait3A_130 = arith.constant 0 : i32
        %dma_wait3A_131 = tpu.memref_slice %arg6[%dma_wait3A_129, %dma_wait3A_130] : memref<80x128xi32, #tpu.memory_space<vmem>> -> memref<1x128xi32, #tpu.memory_space<vmem>>
        %dma_wait3A_132 = tpu.memref_squeeze %dma_wait3A_131 : memref<1x128xi32, #tpu.memory_space<vmem>> -> memref<128xi32, #tpu.memory_space<vmem>>
        %dma_wait3A_133 = arith.constant 0 : i32
        %dma_wait3A_134 = arith.constant 0 : i32
        %dma_wait3A_135 = tpu.memref_slice %arg2[%dma_wait3A_133, %dma_wait3A_134] : memref<10000x128xf32, #tpu.memory_space<hbm>> -> memref<10000x128xf32, #tpu.memory_space<hbm>>
        tpu.wait_indirect_dma semaphore(%arg13 : memref<!tpu.dma_semaphore, #tpu.memory_space<semaphore_mem>>) src(%dma_wait3A_135 : memref<10000x128xf32, #tpu.memory_space<hbm>>) dst(%arg9 : memref<128x128xf32, #tpu.memory_space<vmem>>)
        %dma_wait3A_136 = arith.constant 0 : i32
        %dma_wait3A_137 = arith.constant 0 : i32
        %dma_wait3A_138 = tpu.memref_slice %arg11[%dma_wait3A_136, %dma_wait3A_137] : memref<10112x128xf32, #tpu.memory_space<vmem_shared>> -> memref<10112x128xf32, #tpu.memory_space<vmem_shared>>
        tpu.wait_indirect_dma semaphore(%arg14 : memref<!tpu.dma_semaphore, #tpu.memory_space<semaphore_mem>>) src(%arg9 : memref<128x128xf32, #tpu.memory_space<vmem>>) dst(%dma_wait3A_138 : memref<10112x128xf32, #tpu.memory_space<vmem_shared>>)
        %dma_start3A_139 = arith.constant 0 : i32
        %dma_start3A_140 = arith.constant 0 : i32
        %dma_start3A_141 = tpu.memref_slice %arg11[%dma_start3A_139, %dma_start3A_140] : memref<10112x128xf32, #tpu.memory_space<vmem_shared>> -> memref<10112x128xf32, #tpu.memory_space<vmem_shared>>
        tpu.enqueue_indirect_dma source(%arg9 : memref<128x128xf32, #tpu.memory_space<vmem>>) target(%dma_start3A_141 : memref<10112x128xf32, #tpu.memory_space<vmem_shared>>) offsets(%arg7 : memref<128xi32, #tpu.memory_space<vmem>>) semaphore(%arg14 : memref<!tpu.dma_semaphore, #tpu.memory_space<semaphore_mem>>) {add = true}
        %add3A_142 = arith.addi %add3A_93, %add3A_121 : i32
        %add3A_143 = arith.constant 1 : i32
        %add3A_144 = arith.addi %add3A_142, %add3A_143 : i32
        %dma_start3A_145 = arith.constant 0 : i32
        %dma_start3A_146 = tpu.memref_slice %arg4[%add3A_144, %dma_start3A_145] : memref<2560x128xi32, #tpu.memory_space<hbm>> -> memref<1x128xi32, #tpu.memory_space<hbm>>
        %dma_start3A_147 = tpu.memref_squeeze %dma_start3A_146 : memref<1x128xi32, #tpu.memory_space<hbm>> -> memref<128xi32, #tpu.memory_space<hbm>>
        %dma_start3A_148 = arith.constant 0 : i32
        %dma_start3A_149 = tpu.memref_slice %arg4[%add3A_144, %dma_start3A_148] : memref<2560x128xi32, #tpu.memory_space<hbm>> -> memref<1x128xi32, #tpu.memory_space<hbm>>
        %dma_start3A_150 = tpu.memref_squeeze %dma_start3A_149 : memref<1x128xi32, #tpu.memory_space<hbm>> -> memref<128xi32, #tpu.memory_space<hbm>>
        tpu.enqueue_dma source(%dma_start3A_150 : memref<128xi32, #tpu.memory_space<hbm>>) target(%arg8 : memref<128xi32, #tpu.memory_space<vmem>>) target_semaphore(%arg12 : memref<!tpu.dma_semaphore, #tpu.memory_space<semaphore_mem>>)
        %add3A_151 = arith.constant 1 : i32
        %add3A_152 = arith.addi %add3A_121, %add3A_151 : i32
        %dma_start3A_153 = arith.constant 0 : i32
        %dma_start3A_154 = tpu.memref_slice %arg6[%add3A_152, %dma_start3A_153] : memref<80x128xi32, #tpu.memory_space<vmem>> -> memref<1x128xi32, #tpu.memory_space<vmem>>
        %dma_start3A_155 = tpu.memref_squeeze %dma_start3A_154 : memref<1x128xi32, #tpu.memory_space<vmem>> -> memref<128xi32, #tpu.memory_space<vmem>>
        %dma_start3A_156 = arith.constant 0 : i32
        %dma_start3A_157 = arith.constant 0 : i32
        %dma_start3A_158 = tpu.memref_slice %arg2[%dma_start3A_156, %dma_start3A_157] : memref<10000x128xf32, #tpu.memory_space<hbm>> -> memref<10000x128xf32, #tpu.memory_space<hbm>>
        tpu.enqueue_indirect_dma source(%dma_start3A_158 : memref<10000x128xf32, #tpu.memory_space<hbm>>) target(%arg10 : memref<128x128xf32, #tpu.memory_space<vmem>>) offsets(%dma_start3A_155 : memref<128xi32, #tpu.memory_space<vmem>>) semaphore(%arg13 : memref<!tpu.dma_semaphore, #tpu.memory_space<semaphore_mem>>)
        %mul3A_159 = arith.constant 2 : i32
        %mul3A_160 = arith.muli %mul3A_159, %scan3A_117 : i32
        %add3A_161 = arith.constant 1 : i32
        %add3A_162 = arith.addi %mul3A_160, %add3A_161 : i32
        %dma_wait3A_163 = arith.constant 0 : i32
        %dma_wait3A_164 = arith.constant 0 : i32
        %dma_wait3A_165 = tpu.memref_slice %arg4[%dma_wait3A_163, %dma_wait3A_164] : memref<2560x128xi32, #tpu.memory_space<hbm>> -> memref<1x128xi32, #tpu.memory_space<hbm>>
        %dma_wait3A_166 = tpu.memref_squeeze %dma_wait3A_165 : memref<1x128xi32, #tpu.memory_space<hbm>> -> memref<128xi32, #tpu.memory_space<hbm>>
        %dma_wait3A_167 = arith.constant 0 : i32
        %dma_wait3A_168 = tpu.memref_slice %arg4[%dma_wait3A_163, %dma_wait3A_167] : memref<2560x128xi32, #tpu.memory_space<hbm>> -> memref<1x128xi32, #tpu.memory_space<hbm>>
        %dma_wait3A_169 = tpu.memref_squeeze %dma_wait3A_168 : memref<1x128xi32, #tpu.memory_space<hbm>> -> memref<128xi32, #tpu.memory_space<hbm>>
        tpu.wait_dma2 semaphore(%arg12 : memref<!tpu.dma_semaphore, #tpu.memory_space<semaphore_mem>>) src(%dma_wait3A_169 : memref<128xi32, #tpu.memory_space<hbm>>) dst(%arg8 : memref<128xi32, #tpu.memory_space<vmem>>)
        %dma_wait3A_170 = arith.constant 0 : i32
        %dma_wait3A_171 = arith.constant 0 : i32
        %dma_wait3A_172 = tpu.memref_slice %arg6[%dma_wait3A_170, %dma_wait3A_171] : memref<80x128xi32, #tpu.memory_space<vmem>> -> memref<1x128xi32, #tpu.memory_space<vmem>>
        %dma_wait3A_173 = tpu.memref_squeeze %dma_wait3A_172 : memref<1x128xi32, #tpu.memory_space<vmem>> -> memref<128xi32, #tpu.memory_space<vmem>>
        %dma_wait3A_174 = arith.constant 0 : i32
        %dma_wait3A_175 = arith.constant 0 : i32
        %dma_wait3A_176 = tpu.memref_slice %arg2[%dma_wait3A_174, %dma_wait3A_175] : memref<10000x128xf32, #tpu.memory_space<hbm>> -> memref<10000x128xf32, #tpu.memory_space<hbm>>
        tpu.wait_indirect_dma semaphore(%arg13 : memref<!tpu.dma_semaphore, #tpu.memory_space<semaphore_mem>>) src(%dma_wait3A_176 : memref<10000x128xf32, #tpu.memory_space<hbm>>) dst(%arg10 : memref<128x128xf32, #tpu.memory_space<vmem>>)
        %dma_wait3A_177 = arith.constant 0 : i32
        %dma_wait3A_178 = arith.constant 0 : i32
        %dma_wait3A_179 = tpu.memref_slice %arg11[%dma_wait3A_177, %dma_wait3A_178] : memref<10112x128xf32, #tpu.memory_space<vmem_shared>> -> memref<10112x128xf32, #tpu.memory_space<vmem_shared>>
        tpu.wait_indirect_dma semaphore(%arg14 : memref<!tpu.dma_semaphore, #tpu.memory_space<semaphore_mem>>) src(%arg10 : memref<128x128xf32, #tpu.memory_space<vmem>>) dst(%dma_wait3A_179 : memref<10112x128xf32, #tpu.memory_space<vmem_shared>>)
        %dma_start3A_180 = arith.constant 0 : i32
        %dma_start3A_181 = arith.constant 0 : i32
        %dma_start3A_182 = tpu.memref_slice %arg11[%dma_start3A_180, %dma_start3A_181] : memref<10112x128xf32, #tpu.memory_space<vmem_shared>> -> memref<10112x128xf32, #tpu.memory_space<vmem_shared>>
        tpu.enqueue_indirect_dma source(%arg10 : memref<128x128xf32, #tpu.memory_space<vmem>>) target(%dma_start3A_182 : memref<10112x128xf32, #tpu.memory_space<vmem_shared>>) offsets(%arg8 : memref<128xi32, #tpu.memory_space<vmem>>) semaphore(%arg14 : memref<!tpu.dma_semaphore, #tpu.memory_space<semaphore_mem>>) {add = true}
        %lt3A = arith.constant 39 : i32
        %lt3A_183 = arith.cmpi slt, %scan3A_117, %lt3A : i32
        %convert_element_type3A_184 = arith.extui %lt3A_183 : i1 to i32
        %cond3A_185 = arith.constant 0 : i32
        %cond3A_186 = arith.cmpi ne, %convert_element_type3A_184, %cond3A_185 : i32
        scf.if %cond3A_186 {
          %add3A_187 = arith.addi %add3A_93, %add3A_162 : i32
          %add3A_188 = arith.constant 1 : i32
          %add3A_189 = arith.addi %add3A_187, %add3A_188 : i32
          %dma_start3A_190 = arith.constant 0 : i32
          %dma_start3A_191 = tpu.memref_slice %arg4[%add3A_189, %dma_start3A_190] : memref<2560x128xi32, #tpu.memory_space<hbm>> -> memref<1x128xi32, #tpu.memory_space<hbm>>
          %dma_start3A_192 = tpu.memref_squeeze %dma_start3A_191 : memref<1x128xi32, #tpu.memory_space<hbm>> -> memref<128xi32, #tpu.memory_space<hbm>>
          %dma_start3A_193 = arith.constant 0 : i32
          %dma_start3A_194 = tpu.memref_slice %arg4[%add3A_189, %dma_start3A_193] : memref<2560x128xi32, #tpu.memory_space<hbm>> -> memref<1x128xi32, #tpu.memory_space<hbm>>
          %dma_start3A_195 = tpu.memref_squeeze %dma_start3A_194 : memref<1x128xi32, #tpu.memory_space<hbm>> -> memref<128xi32, #tpu.memory_space<hbm>>
          tpu.enqueue_dma source(%dma_start3A_195 : memref<128xi32, #tpu.memory_space<hbm>>) target(%arg7 : memref<128xi32, #tpu.memory_space<vmem>>) target_semaphore(%arg12 : memref<!tpu.dma_semaphore, #tpu.memory_space<semaphore_mem>>)
          %add3A_196 = arith.constant 1 : i32
          %add3A_197 = arith.addi %add3A_162, %add3A_196 : i32
          %dma_start3A_198 = arith.constant 0 : i32
          %dma_start3A_199 = tpu.memref_slice %arg6[%add3A_197, %dma_start3A_198] : memref<80x128xi32, #tpu.memory_space<vmem>> -> memref<1x128xi32, #tpu.memory_space<vmem>>
          %dma_start3A_200 = tpu.memref_squeeze %dma_start3A_199 : memref<1x128xi32, #tpu.memory_space<vmem>> -> memref<128xi32, #tpu.memory_space<vmem>>
          %dma_start3A_201 = arith.constant 0 : i32
          %dma_start3A_202 = arith.constant 0 : i32
          %dma_start3A_203 = tpu.memref_slice %arg2[%dma_start3A_201, %dma_start3A_202] : memref<10000x128xf32, #tpu.memory_space<hbm>> -> memref<10000x128xf32, #tpu.memory_space<hbm>>
          tpu.enqueue_indirect_dma source(%dma_start3A_203 : memref<10000x128xf32, #tpu.memory_space<hbm>>) target(%arg9 : memref<128x128xf32, #tpu.memory_space<vmem>>) offsets(%dma_start3A_200 : memref<128xi32, #tpu.memory_space<vmem>>) semaphore(%arg13 : memref<!tpu.dma_semaphore, #tpu.memory_space<semaphore_mem>>)
        } else {
        }
      }
      %scan3A_114 = arith.constant 40 : i32
      %dma_wait3A = arith.constant 0 : i32
      %dma_wait3A_115 = arith.constant 0 : i32
      %dma_wait3A_116 = tpu.memref_slice %arg11[%dma_wait3A, %dma_wait3A_115] : memref<10112x128xf32, #tpu.memory_space<vmem_shared>> -> memref<10112x128xf32, #tpu.memory_space<vmem_shared>>
      tpu.wait_indirect_dma semaphore(%arg14 : memref<!tpu.dma_semaphore, #tpu.memory_space<semaphore_mem>>) src(%arg9 : memref<128x128xf32, #tpu.memory_space<vmem>>) dst(%dma_wait3A_116 : memref<10112x128xf32, #tpu.memory_space<vmem_shared>>)
    } else {
    }
    %barrier3A_49 = arith.constant 0 : index
    tpu.barrier barrier_id(%barrier3A_49)
    "tpu.trace_stop"() : () -> ()
    "tpu.trace_start"() <{level = 10 : i32, message = "ph_out"}> : () -> ()
    %mul3A_50 = arith.constant 632 : i32
    %mul3A_51 = arith.muli %arg1, %mul3A_50 : i32
    %add3A_52 = arith.constant 0 : i32
    %add3A_53 = arith.addi %mul3A_51, %add3A_52 : i32
    "tpu.region"() ({
      %run_scoped3A = tpu.sem_alloc : memref<!tpu.dma_semaphore, #tpu.memory_space<semaphore_mem>>
      %dma_start3A = arith.constant 0 : i32
      %dma_start3A_90 = tpu.memref_slice %arg11[%add3A_53, %dma_start3A] : memref<10112x128xf32, #tpu.memory_space<vmem_shared>> -> memref<128x128xf32, #tpu.memory_space<vmem_shared>>
      %dma_start3A_91 = arith.constant 0 : i32
      %dma_start3A_92 = tpu.memref_slice %arg11[%add3A_53, %dma_start3A_91] : memref<10112x128xf32, #tpu.memory_space<vmem_shared>> -> memref<128x128xf32, #tpu.memory_space<vmem_shared>>
      tpu.enqueue_dma source(%dma_start3A_92 : memref<128x128xf32, #tpu.memory_space<vmem_shared>>) target(%arg9 : memref<128x128xf32, #tpu.memory_space<vmem>>) target_semaphore(%run_scoped3A : memref<!tpu.dma_semaphore, #tpu.memory_space<semaphore_mem>>)
      %dma_wait3A = arith.constant 0 : i32
      %dma_wait3A_93 = tpu.memref_slice %arg11[%add3A_53, %dma_wait3A] : memref<10112x128xf32, #tpu.memory_space<vmem_shared>> -> memref<128x128xf32, #tpu.memory_space<vmem_shared>>
      %dma_wait3A_94 = arith.constant 0 : i32
      %dma_wait3A_95 = tpu.memref_slice %arg11[%add3A_53, %dma_wait3A_94] : memref<10112x128xf32, #tpu.memory_space<vmem_shared>> -> memref<128x128xf32, #tpu.memory_space<vmem_shared>>
      tpu.wait_dma2 semaphore(%run_scoped3A : memref<!tpu.dma_semaphore, #tpu.memory_space<semaphore_mem>>) src(%dma_wait3A_95 : memref<128x128xf32, #tpu.memory_space<vmem_shared>>) dst(%arg9 : memref<128x128xf32, #tpu.memory_space<vmem>>)
      tpu.yield
    }) : () -> ()
    %mul3A_54 = arith.constant 632 : i32
    %mul3A_55 = arith.muli %arg1, %mul3A_54 : i32
    %add3A_56 = arith.constant 0 : i32
    %add3A_57 = arith.addi %mul3A_55, %add3A_56 : i32
    "tpu.region"() ({
      %run_scoped3A = tpu.sem_alloc : memref<!tpu.dma_semaphore, #tpu.memory_space<semaphore_mem>>
      %dma_start3A = arith.constant 0 : i32
      %dma_start3A_90 = tpu.memref_slice %arg5[%arg0, %add3A_57, %dma_start3A] : memref<2x10112x128xf32, #tpu.memory_space<hbm>> -> memref<1x128x128xf32, #tpu.memory_space<hbm>>
      %dma_start3A_91 = tpu.memref_squeeze %dma_start3A_90 : memref<1x128x128xf32, #tpu.memory_space<hbm>> -> memref<128x128xf32, #tpu.memory_space<hbm>>
      %dma_start3A_92 = arith.constant 0 : i32
      %dma_start3A_93 = tpu.memref_slice %arg5[%arg0, %add3A_57, %dma_start3A_92] : memref<2x10112x128xf32, #tpu.memory_space<hbm>> -> memref<1x128x128xf32, #tpu.memory_space<hbm>>
      %dma_start3A_94 = tpu.memref_squeeze %dma_start3A_93 : memref<1x128x128xf32, #tpu.memory_space<hbm>> -> memref<128x128xf32, #tpu.memory_space<hbm>>
      tpu.enqueue_dma source(%arg9 : memref<128x128xf32, #tpu.memory_space<vmem>>) target(%dma_start3A_94 : memref<128x128xf32, #tpu.memory_space<hbm>>) target_semaphore(%run_scoped3A : memref<!tpu.dma_semaphore, #tpu.memory_space<semaphore_mem>>)
      %dma_wait3A = arith.constant 0 : i32
      %dma_wait3A_95 = tpu.memref_slice %arg5[%arg0, %add3A_57, %dma_wait3A] : memref<2x10112x128xf32, #tpu.memory_space<hbm>> -> memref<1x128x128xf32, #tpu.memory_space<hbm>>
      %dma_wait3A_96 = tpu.memref_squeeze %dma_wait3A_95 : memref<1x128x128xf32, #tpu.memory_space<hbm>> -> memref<128x128xf32, #tpu.memory_space<hbm>>
      %dma_wait3A_97 = arith.constant 0 : i32
      %dma_wait3A_98 = tpu.memref_slice %arg5[%arg0, %add3A_57, %dma_wait3A_97] : memref<2x10112x128xf32, #tpu.memory_space<hbm>> -> memref<1x128x128xf32, #tpu.memory_space<hbm>>
      %dma_wait3A_99 = tpu.memref_squeeze %dma_wait3A_98 : memref<1x128x128xf32, #tpu.memory_space<hbm>> -> memref<128x128xf32, #tpu.memory_space<hbm>>
      tpu.wait_dma2 semaphore(%run_scoped3A : memref<!tpu.dma_semaphore, #tpu.memory_space<semaphore_mem>>) src(%arg9 : memref<128x128xf32, #tpu.memory_space<vmem>>) dst(%dma_wait3A_99 : memref<128x128xf32, #tpu.memory_space<hbm>>)
      tpu.yield
    }) : () -> ()
    %mul3A_58 = arith.constant 632 : i32
    %mul3A_59 = arith.muli %arg1, %mul3A_58 : i32
    %add3A_60 = arith.constant 128 : i32
    %add3A_61 = arith.addi %mul3A_59, %add3A_60 : i32
    "tpu.region"() ({
      %run_scoped3A = tpu.sem_alloc : memref<!tpu.dma_semaphore, #tpu.memory_space<semaphore_mem>>
      %dma_start3A = arith.constant 0 : i32
      %dma_start3A_90 = tpu.memref_slice %arg11[%add3A_61, %dma_start3A] : memref<10112x128xf32, #tpu.memory_space<vmem_shared>> -> memref<128x128xf32, #tpu.memory_space<vmem_shared>>
      %dma_start3A_91 = arith.constant 0 : i32
      %dma_start3A_92 = tpu.memref_slice %arg11[%add3A_61, %dma_start3A_91] : memref<10112x128xf32, #tpu.memory_space<vmem_shared>> -> memref<128x128xf32, #tpu.memory_space<vmem_shared>>
      tpu.enqueue_dma source(%dma_start3A_92 : memref<128x128xf32, #tpu.memory_space<vmem_shared>>) target(%arg9 : memref<128x128xf32, #tpu.memory_space<vmem>>) target_semaphore(%run_scoped3A : memref<!tpu.dma_semaphore, #tpu.memory_space<semaphore_mem>>)
      %dma_wait3A = arith.constant 0 : i32
      %dma_wait3A_93 = tpu.memref_slice %arg11[%add3A_61, %dma_wait3A] : memref<10112x128xf32, #tpu.memory_space<vmem_shared>> -> memref<128x128xf32, #tpu.memory_space<vmem_shared>>
      %dma_wait3A_94 = arith.constant 0 : i32
      %dma_wait3A_95 = tpu.memref_slice %arg11[%add3A_61, %dma_wait3A_94] : memref<10112x128xf32, #tpu.memory_space<vmem_shared>> -> memref<128x128xf32, #tpu.memory_space<vmem_shared>>
      tpu.wait_dma2 semaphore(%run_scoped3A : memref<!tpu.dma_semaphore, #tpu.memory_space<semaphore_mem>>) src(%dma_wait3A_95 : memref<128x128xf32, #tpu.memory_space<vmem_shared>>) dst(%arg9 : memref<128x128xf32, #tpu.memory_space<vmem>>)
      tpu.yield
    }) : () -> ()
    %mul3A_62 = arith.constant 632 : i32
    %mul3A_63 = arith.muli %arg1, %mul3A_62 : i32
    %add3A_64 = arith.constant 128 : i32
    %add3A_65 = arith.addi %mul3A_63, %add3A_64 : i32
    "tpu.region"() ({
      %run_scoped3A = tpu.sem_alloc : memref<!tpu.dma_semaphore, #tpu.memory_space<semaphore_mem>>
      %dma_start3A = arith.constant 0 : i32
      %dma_start3A_90 = tpu.memref_slice %arg5[%arg0, %add3A_65, %dma_start3A] : memref<2x10112x128xf32, #tpu.memory_space<hbm>> -> memref<1x128x128xf32, #tpu.memory_space<hbm>>
      %dma_start3A_91 = tpu.memref_squeeze %dma_start3A_90 : memref<1x128x128xf32, #tpu.memory_space<hbm>> -> memref<128x128xf32, #tpu.memory_space<hbm>>
      %dma_start3A_92 = arith.constant 0 : i32
      %dma_start3A_93 = tpu.memref_slice %arg5[%arg0, %add3A_65, %dma_start3A_92] : memref<2x10112x128xf32, #tpu.memory_space<hbm>> -> memref<1x128x128xf32, #tpu.memory_space<hbm>>
      %dma_start3A_94 = tpu.memref_squeeze %dma_start3A_93 : memref<1x128x128xf32, #tpu.memory_space<hbm>> -> memref<128x128xf32, #tpu.memory_space<hbm>>
      tpu.enqueue_dma source(%arg9 : memref<128x128xf32, #tpu.memory_space<vmem>>) target(%dma_start3A_94 : memref<128x128xf32, #tpu.memory_space<hbm>>) target_semaphore(%run_scoped3A : memref<!tpu.dma_semaphore, #tpu.memory_space<semaphore_mem>>)
      %dma_wait3A = arith.constant 0 : i32
      %dma_wait3A_95 = tpu.memref_slice %arg5[%arg0, %add3A_65, %dma_wait3A] : memref<2x10112x128xf32, #tpu.memory_space<hbm>> -> memref<1x128x128xf32, #tpu.memory_space<hbm>>
      %dma_wait3A_96 = tpu.memref_squeeze %dma_wait3A_95 : memref<1x128x128xf32, #tpu.memory_space<hbm>> -> memref<128x128xf32, #tpu.memory_space<hbm>>
      %dma_wait3A_97 = arith.constant 0 : i32
      %dma_wait3A_98 = tpu.memref_slice %arg5[%arg0, %add3A_65, %dma_wait3A_97] : memref<2x10112x128xf32, #tpu.memory_space<hbm>> -> memref<1x128x128xf32, #tpu.memory_space<hbm>>
      %dma_wait3A_99 = tpu.memref_squeeze %dma_wait3A_98 : memref<1x128x128xf32, #tpu.memory_space<hbm>> -> memref<128x128xf32, #tpu.memory_space<hbm>>
      tpu.wait_dma2 semaphore(%run_scoped3A : memref<!tpu.dma_semaphore, #tpu.memory_space<semaphore_mem>>) src(%arg9 : memref<128x128xf32, #tpu.memory_space<vmem>>) dst(%dma_wait3A_99 : memref<128x128xf32, #tpu.memory_space<hbm>>)
      tpu.yield
    }) : () -> ()
    %mul3A_66 = arith.constant 632 : i32
    %mul3A_67 = arith.muli %arg1, %mul3A_66 : i32
    %add3A_68 = arith.constant 256 : i32
    %add3A_69 = arith.addi %mul3A_67, %add3A_68 : i32
    "tpu.region"() ({
      %run_scoped3A = tpu.sem_alloc : memref<!tpu.dma_semaphore, #tpu.memory_space<semaphore_mem>>
      %dma_start3A = arith.constant 0 : i32
      %dma_start3A_90 = tpu.memref_slice %arg11[%add3A_69, %dma_start3A] : memref<10112x128xf32, #tpu.memory_space<vmem_shared>> -> memref<128x128xf32, #tpu.memory_space<vmem_shared>>
      %dma_start3A_91 = arith.constant 0 : i32
      %dma_start3A_92 = tpu.memref_slice %arg11[%add3A_69, %dma_start3A_91] : memref<10112x128xf32, #tpu.memory_space<vmem_shared>> -> memref<128x128xf32, #tpu.memory_space<vmem_shared>>
      tpu.enqueue_dma source(%dma_start3A_92 : memref<128x128xf32, #tpu.memory_space<vmem_shared>>) target(%arg9 : memref<128x128xf32, #tpu.memory_space<vmem>>) target_semaphore(%run_scoped3A : memref<!tpu.dma_semaphore, #tpu.memory_space<semaphore_mem>>)
      %dma_wait3A = arith.constant 0 : i32
      %dma_wait3A_93 = tpu.memref_slice %arg11[%add3A_69, %dma_wait3A] : memref<10112x128xf32, #tpu.memory_space<vmem_shared>> -> memref<128x128xf32, #tpu.memory_space<vmem_shared>>
      %dma_wait3A_94 = arith.constant 0 : i32
      %dma_wait3A_95 = tpu.memref_slice %arg11[%add3A_69, %dma_wait3A_94] : memref<10112x128xf32, #tpu.memory_space<vmem_shared>> -> memref<128x128xf32, #tpu.memory_space<vmem_shared>>
      tpu.wait_dma2 semaphore(%run_scoped3A : memref<!tpu.dma_semaphore, #tpu.memory_space<semaphore_mem>>) src(%dma_wait3A_95 : memref<128x128xf32, #tpu.memory_space<vmem_shared>>) dst(%arg9 : memref<128x128xf32, #tpu.memory_space<vmem>>)
      tpu.yield
    }) : () -> ()
    %mul3A_70 = arith.constant 632 : i32
    %mul3A_71 = arith.muli %arg1, %mul3A_70 : i32
    %add3A_72 = arith.constant 256 : i32
    %add3A_73 = arith.addi %mul3A_71, %add3A_72 : i32
    "tpu.region"() ({
      %run_scoped3A = tpu.sem_alloc : memref<!tpu.dma_semaphore, #tpu.memory_space<semaphore_mem>>
      %dma_start3A = arith.constant 0 : i32
      %dma_start3A_90 = tpu.memref_slice %arg5[%arg0, %add3A_73, %dma_start3A] : memref<2x10112x128xf32, #tpu.memory_space<hbm>> -> memref<1x128x128xf32, #tpu.memory_space<hbm>>
      %dma_start3A_91 = tpu.memref_squeeze %dma_start3A_90 : memref<1x128x128xf32, #tpu.memory_space<hbm>> -> memref<128x128xf32, #tpu.memory_space<hbm>>
      %dma_start3A_92 = arith.constant 0 : i32
      %dma_start3A_93 = tpu.memref_slice %arg5[%arg0, %add3A_73, %dma_start3A_92] : memref<2x10112x128xf32, #tpu.memory_space<hbm>> -> memref<1x128x128xf32, #tpu.memory_space<hbm>>
      %dma_start3A_94 = tpu.memref_squeeze %dma_start3A_93 : memref<1x128x128xf32, #tpu.memory_space<hbm>> -> memref<128x128xf32, #tpu.memory_space<hbm>>
      tpu.enqueue_dma source(%arg9 : memref<128x128xf32, #tpu.memory_space<vmem>>) target(%dma_start3A_94 : memref<128x128xf32, #tpu.memory_space<hbm>>) target_semaphore(%run_scoped3A : memref<!tpu.dma_semaphore, #tpu.memory_space<semaphore_mem>>)
      %dma_wait3A = arith.constant 0 : i32
      %dma_wait3A_95 = tpu.memref_slice %arg5[%arg0, %add3A_73, %dma_wait3A] : memref<2x10112x128xf32, #tpu.memory_space<hbm>> -> memref<1x128x128xf32, #tpu.memory_space<hbm>>
      %dma_wait3A_96 = tpu.memref_squeeze %dma_wait3A_95 : memref<1x128x128xf32, #tpu.memory_space<hbm>> -> memref<128x128xf32, #tpu.memory_space<hbm>>
      %dma_wait3A_97 = arith.constant 0 : i32
      %dma_wait3A_98 = tpu.memref_slice %arg5[%arg0, %add3A_73, %dma_wait3A_97] : memref<2x10112x128xf32, #tpu.memory_space<hbm>> -> memref<1x128x128xf32, #tpu.memory_space<hbm>>
      %dma_wait3A_99 = tpu.memref_squeeze %dma_wait3A_98 : memref<1x128x128xf32, #tpu.memory_space<hbm>> -> memref<128x128xf32, #tpu.memory_space<hbm>>
      tpu.wait_dma2 semaphore(%run_scoped3A : memref<!tpu.dma_semaphore, #tpu.memory_space<semaphore_mem>>) src(%arg9 : memref<128x128xf32, #tpu.memory_space<vmem>>) dst(%dma_wait3A_99 : memref<128x128xf32, #tpu.memory_space<hbm>>)
      tpu.yield
    }) : () -> ()
    %mul3A_74 = arith.constant 632 : i32
    %mul3A_75 = arith.muli %arg1, %mul3A_74 : i32
    %add3A_76 = arith.constant 384 : i32
    %add3A_77 = arith.addi %mul3A_75, %add3A_76 : i32
    "tpu.region"() ({
      %run_scoped3A = tpu.sem_alloc : memref<!tpu.dma_semaphore, #tpu.memory_space<semaphore_mem>>
      %dma_start3A = arith.constant 0 : i32
      %dma_start3A_90 = tpu.memref_slice %arg11[%add3A_77, %dma_start3A] : memref<10112x128xf32, #tpu.memory_space<vmem_shared>> -> memref<128x128xf32, #tpu.memory_space<vmem_shared>>
      %dma_start3A_91 = arith.constant 0 : i32
      %dma_start3A_92 = tpu.memref_slice %arg11[%add3A_77, %dma_start3A_91] : memref<10112x128xf32, #tpu.memory_space<vmem_shared>> -> memref<128x128xf32, #tpu.memory_space<vmem_shared>>
      tpu.enqueue_dma source(%dma_start3A_92 : memref<128x128xf32, #tpu.memory_space<vmem_shared>>) target(%arg9 : memref<128x128xf32, #tpu.memory_space<vmem>>) target_semaphore(%run_scoped3A : memref<!tpu.dma_semaphore, #tpu.memory_space<semaphore_mem>>)
      %dma_wait3A = arith.constant 0 : i32
      %dma_wait3A_93 = tpu.memref_slice %arg11[%add3A_77, %dma_wait3A] : memref<10112x128xf32, #tpu.memory_space<vmem_shared>> -> memref<128x128xf32, #tpu.memory_space<vmem_shared>>
      %dma_wait3A_94 = arith.constant 0 : i32
      %dma_wait3A_95 = tpu.memref_slice %arg11[%add3A_77, %dma_wait3A_94] : memref<10112x128xf32, #tpu.memory_space<vmem_shared>> -> memref<128x128xf32, #tpu.memory_space<vmem_shared>>
      tpu.wait_dma2 semaphore(%run_scoped3A : memref<!tpu.dma_semaphore, #tpu.memory_space<semaphore_mem>>) src(%dma_wait3A_95 : memref<128x128xf32, #tpu.memory_space<vmem_shared>>) dst(%arg9 : memref<128x128xf32, #tpu.memory_space<vmem>>)
      tpu.yield
    }) : () -> ()
    %mul3A_78 = arith.constant 632 : i32
    %mul3A_79 = arith.muli %arg1, %mul3A_78 : i32
    %add3A_80 = arith.constant 384 : i32
    %add3A_81 = arith.addi %mul3A_79, %add3A_80 : i32
    "tpu.region"() ({
      %run_scoped3A = tpu.sem_alloc : memref<!tpu.dma_semaphore, #tpu.memory_space<semaphore_mem>>
      %dma_start3A = arith.constant 0 : i32
      %dma_start3A_90 = tpu.memref_slice %arg5[%arg0, %add3A_81, %dma_start3A] : memref<2x10112x128xf32, #tpu.memory_space<hbm>> -> memref<1x128x128xf32, #tpu.memory_space<hbm>>
      %dma_start3A_91 = tpu.memref_squeeze %dma_start3A_90 : memref<1x128x128xf32, #tpu.memory_space<hbm>> -> memref<128x128xf32, #tpu.memory_space<hbm>>
      %dma_start3A_92 = arith.constant 0 : i32
      %dma_start3A_93 = tpu.memref_slice %arg5[%arg0, %add3A_81, %dma_start3A_92] : memref<2x10112x128xf32, #tpu.memory_space<hbm>> -> memref<1x128x128xf32, #tpu.memory_space<hbm>>
      %dma_start3A_94 = tpu.memref_squeeze %dma_start3A_93 : memref<1x128x128xf32, #tpu.memory_space<hbm>> -> memref<128x128xf32, #tpu.memory_space<hbm>>
      tpu.enqueue_dma source(%arg9 : memref<128x128xf32, #tpu.memory_space<vmem>>) target(%dma_start3A_94 : memref<128x128xf32, #tpu.memory_space<hbm>>) target_semaphore(%run_scoped3A : memref<!tpu.dma_semaphore, #tpu.memory_space<semaphore_mem>>)
      %dma_wait3A = arith.constant 0 : i32
      %dma_wait3A_95 = tpu.memref_slice %arg5[%arg0, %add3A_81, %dma_wait3A] : memref<2x10112x128xf32, #tpu.memory_space<hbm>> -> memref<1x128x128xf32, #tpu.memory_space<hbm>>
      %dma_wait3A_96 = tpu.memref_squeeze %dma_wait3A_95 : memref<1x128x128xf32, #tpu.memory_space<hbm>> -> memref<128x128xf32, #tpu.memory_space<hbm>>
      %dma_wait3A_97 = arith.constant 0 : i32
      %dma_wait3A_98 = tpu.memref_slice %arg5[%arg0, %add3A_81, %dma_wait3A_97] : memref<2x10112x128xf32, #tpu.memory_space<hbm>> -> memref<1x128x128xf32, #tpu.memory_space<hbm>>
      %dma_wait3A_99 = tpu.memref_squeeze %dma_wait3A_98 : memref<1x128x128xf32, #tpu.memory_space<hbm>> -> memref<128x128xf32, #tpu.memory_space<hbm>>
      tpu.wait_dma2 semaphore(%run_scoped3A : memref<!tpu.dma_semaphore, #tpu.memory_space<semaphore_mem>>) src(%arg9 : memref<128x128xf32, #tpu.memory_space<vmem>>) dst(%dma_wait3A_99 : memref<128x128xf32, #tpu.memory_space<hbm>>)
      tpu.yield
    }) : () -> ()
    %mul3A_82 = arith.constant 632 : i32
    %mul3A_83 = arith.muli %arg1, %mul3A_82 : i32
    %add3A_84 = arith.constant 512 : i32
    %add3A_85 = arith.addi %mul3A_83, %add3A_84 : i32
    "tpu.region"() ({
      %run_scoped3A = tpu.sem_alloc : memref<!tpu.dma_semaphore, #tpu.memory_space<semaphore_mem>>
      %dma_start3A = arith.constant 0 : i32
      %dma_start3A_90 = arith.constant 0 : i32
      %dma_start3A_91 = tpu.memref_slice %arg9[%dma_start3A, %dma_start3A_90] : memref<128x128xf32, #tpu.memory_space<vmem>> -> memref<120x128xf32, #tpu.memory_space<vmem>>
      %dma_start3A_92 = arith.constant 0 : i32
      %dma_start3A_93 = tpu.memref_slice %arg11[%add3A_85, %dma_start3A_92] : memref<10112x128xf32, #tpu.memory_space<vmem_shared>> -> memref<120x128xf32, #tpu.memory_space<vmem_shared>>
      %dma_start3A_94 = arith.constant 0 : i32
      %dma_start3A_95 = arith.constant 0 : i32
      %dma_start3A_96 = tpu.memref_slice %arg9[%dma_start3A_94, %dma_start3A_95] : memref<128x128xf32, #tpu.memory_space<vmem>> -> memref<120x128xf32, #tpu.memory_space<vmem>>
      %dma_start3A_97 = arith.constant 0 : i32
      %dma_start3A_98 = tpu.memref_slice %arg11[%add3A_85, %dma_start3A_97] : memref<10112x128xf32, #tpu.memory_space<vmem_shared>> -> memref<120x128xf32, #tpu.memory_space<vmem_shared>>
      tpu.enqueue_dma source(%dma_start3A_98 : memref<120x128xf32, #tpu.memory_space<vmem_shared>>) target(%dma_start3A_96 : memref<120x128xf32, #tpu.memory_space<vmem>>) target_semaphore(%run_scoped3A : memref<!tpu.dma_semaphore, #tpu.memory_space<semaphore_mem>>)
      %dma_wait3A = arith.constant 0 : i32
      %dma_wait3A_99 = arith.constant 0 : i32
      %dma_wait3A_100 = tpu.memref_slice %arg9[%dma_wait3A, %dma_wait3A_99] : memref<128x128xf32, #tpu.memory_space<vmem>> -> memref<120x128xf32, #tpu.memory_space<vmem>>
      %dma_wait3A_101 = arith.constant 0 : i32
      %dma_wait3A_102 = tpu.memref_slice %arg11[%add3A_85, %dma_wait3A_101] : memref<10112x128xf32, #tpu.memory_space<vmem_shared>> -> memref<120x128xf32, #tpu.memory_space<vmem_shared>>
      %dma_wait3A_103 = arith.constant 0 : i32
      %dma_wait3A_104 = arith.constant 0 : i32
      %dma_wait3A_105 = tpu.memref_slice %arg9[%dma_wait3A_103, %dma_wait3A_104] : memref<128x128xf32, #tpu.memory_space<vmem>> -> memref<120x128xf32, #tpu.memory_space<vmem>>
      %dma_wait3A_106 = arith.constant 0 : i32
      %dma_wait3A_107 = tpu.memref_slice %arg11[%add3A_85, %dma_wait3A_106] : memref<10112x128xf32, #tpu.memory_space<vmem_shared>> -> memref<120x128xf32, #tpu.memory_space<vmem_shared>>
      tpu.wait_dma2 semaphore(%run_scoped3A : memref<!tpu.dma_semaphore, #tpu.memory_space<semaphore_mem>>) src(%dma_wait3A_107 : memref<120x128xf32, #tpu.memory_space<vmem_shared>>) dst(%dma_wait3A_105 : memref<120x128xf32, #tpu.memory_space<vmem>>)
      tpu.yield
    }) : () -> ()
    %mul3A_86 = arith.constant 632 : i32
    %mul3A_87 = arith.muli %arg1, %mul3A_86 : i32
    %add3A_88 = arith.constant 512 : i32
    %add3A_89 = arith.addi %mul3A_87, %add3A_88 : i32
    "tpu.region"() ({
      %run_scoped3A = tpu.sem_alloc : memref<!tpu.dma_semaphore, #tpu.memory_space<semaphore_mem>>
      %dma_start3A = arith.constant 0 : i32
      %dma_start3A_90 = arith.constant 0 : i32
      %dma_start3A_91 = tpu.memref_slice %arg9[%dma_start3A, %dma_start3A_90] : memref<128x128xf32, #tpu.memory_space<vmem>> -> memref<120x128xf32, #tpu.memory_space<vmem>>
      %dma_start3A_92 = arith.constant 0 : i32
      %dma_start3A_93 = tpu.memref_slice %arg5[%arg0, %add3A_89, %dma_start3A_92] : memref<2x10112x128xf32, #tpu.memory_space<hbm>> -> memref<1x120x128xf32, #tpu.memory_space<hbm>>
      %dma_start3A_94 = tpu.memref_squeeze %dma_start3A_93 : memref<1x120x128xf32, #tpu.memory_space<hbm>> -> memref<120x128xf32, #tpu.memory_space<hbm>>
      %dma_start3A_95 = arith.constant 0 : i32
      %dma_start3A_96 = tpu.memref_slice %arg5[%arg0, %add3A_89, %dma_start3A_95] : memref<2x10112x128xf32, #tpu.memory_space<hbm>> -> memref<1x120x128xf32, #tpu.memory_space<hbm>>
      %dma_start3A_97 = tpu.memref_squeeze %dma_start3A_96 : memref<1x120x128xf32, #tpu.memory_space<hbm>> -> memref<120x128xf32, #tpu.memory_space<hbm>>
      %dma_start3A_98 = arith.constant 0 : i32
      %dma_start3A_99 = arith.constant 0 : i32
      %dma_start3A_100 = tpu.memref_slice %arg9[%dma_start3A_98, %dma_start3A_99] : memref<128x128xf32, #tpu.memory_space<vmem>> -> memref<120x128xf32, #tpu.memory_space<vmem>>
      tpu.enqueue_dma source(%dma_start3A_100 : memref<120x128xf32, #tpu.memory_space<vmem>>) target(%dma_start3A_97 : memref<120x128xf32, #tpu.memory_space<hbm>>) target_semaphore(%run_scoped3A : memref<!tpu.dma_semaphore, #tpu.memory_space<semaphore_mem>>)
      %dma_wait3A = arith.constant 0 : i32
      %dma_wait3A_101 = arith.constant 0 : i32
      %dma_wait3A_102 = tpu.memref_slice %arg9[%dma_wait3A, %dma_wait3A_101] : memref<128x128xf32, #tpu.memory_space<vmem>> -> memref<120x128xf32, #tpu.memory_space<vmem>>
      %dma_wait3A_103 = arith.constant 0 : i32
      %dma_wait3A_104 = tpu.memref_slice %arg5[%arg0, %add3A_89, %dma_wait3A_103] : memref<2x10112x128xf32, #tpu.memory_space<hbm>> -> memref<1x120x128xf32, #tpu.memory_space<hbm>>
      %dma_wait3A_105 = tpu.memref_squeeze %dma_wait3A_104 : memref<1x120x128xf32, #tpu.memory_space<hbm>> -> memref<120x128xf32, #tpu.memory_space<hbm>>
      %dma_wait3A_106 = arith.constant 0 : i32
      %dma_wait3A_107 = tpu.memref_slice %arg5[%arg0, %add3A_89, %dma_wait3A_106] : memref<2x10112x128xf32, #tpu.memory_space<hbm>> -> memref<1x120x128xf32, #tpu.memory_space<hbm>>
      %dma_wait3A_108 = tpu.memref_squeeze %dma_wait3A_107 : memref<1x120x128xf32, #tpu.memory_space<hbm>> -> memref<120x128xf32, #tpu.memory_space<hbm>>
      %dma_wait3A_109 = arith.constant 0 : i32
      %dma_wait3A_110 = arith.constant 0 : i32
      %dma_wait3A_111 = tpu.memref_slice %arg9[%dma_wait3A_109, %dma_wait3A_110] : memref<128x128xf32, #tpu.memory_space<vmem>> -> memref<120x128xf32, #tpu.memory_space<vmem>>
      tpu.wait_dma2 semaphore(%run_scoped3A : memref<!tpu.dma_semaphore, #tpu.memory_space<semaphore_mem>>) src(%dma_wait3A_111 : memref<120x128xf32, #tpu.memory_space<vmem>>) dst(%dma_wait3A_108 : memref<120x128xf32, #tpu.memory_space<hbm>>)
      tpu.yield
    }) : () -> ()
    "tpu.trace_stop"() : () -> ()
    return
  }
}

#map = affine_map<(d0, d1) -> (0, 0)>
module attributes {stable_mosaic.version = 14 : i64} {
  func.func @_deg_body(%arg0: i32, %arg1: i32, %arg2: memref<2560x128xi32, #tpu.memory_space<hbm>>, %arg3: memref<32x10112xf32, #tpu.memory_space<hbm>>, %arg4: memref<80x128xi32, #tpu.memory_space<vmem>>, %arg5: memref<10112xf32, #tpu.memory_space<vmem>>) attributes {dimension_semantics = [#tpu.dimension_semantics<core_parallel>, #tpu.dimension_semantics<subcore_parallel>], iteration_bounds = array<i64: 2, 16>, scalar_prefetch = 0 : i64, scratch_operands = 2 : i64, tpu.core_type = #tpu.core_type<sc_vector_subcore>, window_params = [{transform_indices = #map}, {transform_indices = #map}]} {
    %mul3A = arith.constant 2 : i32
    %mul3A_0 = arith.muli %arg1, %mul3A : i32
    %add3A = arith.addi %mul3A_0, %arg0 : i32
    %broadcast_in_dim3A = arith.constant 0.000000e+00 : f32
    %broadcast_in_dim3A_1 = vector.broadcast %broadcast_in_dim3A : f32 to vector<16xf32>
    %broadcast_in_dim3A_2 = arith.constant 1.000000e+00 : f32
    %broadcast_in_dim3A_3 = vector.broadcast %broadcast_in_dim3A_2 : f32 to vector<16xf32>
    %scan3A = arith.constant 0 : i32
    %scan3A_4 = arith.constant 0 : i32
    %scan3A_5 = arith.constant 632 : i32
    %scan3A_6 = arith.addi %scan3A_4, %scan3A_5 : i32
    %scan3A_7 = arith.constant 1 : i32
    scf.for %scan3A_16 = %scan3A_4 to %scan3A_6 step %scan3A_7  : i32 {
      %mul3A_17 = arith.constant 16 : i32
      %mul3A_18 = arith.muli %scan3A_16, %mul3A_17 : i32
      %swap3A = arith.index_cast %mul3A_18 : i32 to index
      %swap3A_19 = tpu.vector_load %arg5[%swap3A] {strides = array<i32>} : memref<10112xf32, #tpu.memory_space<vmem>>, vector<16xf32>,
      tpu.vector_store %arg5[%swap3A], %broadcast_in_dim3A_1 {strides = array<i32>} : memref<10112xf32, #tpu.memory_space<vmem>>, vector<16xf32>,
    }
    %scan3A_8 = arith.constant 632 : i32
    %eq3A = arith.constant 0 : i32
    %eq3A_9 = arith.cmpi eq, %arg0, %eq3A : i32
    %convert_element_type3A = arith.extui %eq3A_9 : i1 to i32
    %cond3A = arith.constant 0 : i32
    %cond3A_10 = arith.cmpi ne, %convert_element_type3A, %cond3A : i32
    scf.if %cond3A_10 {
      %mul3A_16 = arith.constant 80 : i32
      %mul3A_17 = arith.muli %arg1, %mul3A_16 : i32
      "tpu.region"() ({
        %run_scoped3A = tpu.sem_alloc : memref<!tpu.dma_semaphore, #tpu.memory_space<semaphore_mem>>
        %dma_start3A = arith.constant 0 : i32
        %dma_start3A_24 = arith.constant 0 : i32
        %dma_start3A_25 = tpu.memref_slice %arg4[%dma_start3A, %dma_start3A_24] : memref<80x128xi32, #tpu.memory_space<vmem>> -> memref<80x128xi32, #tpu.memory_space<vmem>>
        %dma_start3A_26 = arith.constant 0 : i32
        %dma_start3A_27 = tpu.memref_slice %arg2[%mul3A_17, %dma_start3A_26] : memref<2560x128xi32, #tpu.memory_space<hbm>> -> memref<80x128xi32, #tpu.memory_space<hbm>>
        %dma_start3A_28 = arith.constant 0 : i32
        %dma_start3A_29 = arith.constant 0 : i32
        %dma_start3A_30 = tpu.memref_slice %arg4[%dma_start3A_28, %dma_start3A_29] : memref<80x128xi32, #tpu.memory_space<vmem>> -> memref<80x128xi32, #tpu.memory_space<vmem>>
        %dma_start3A_31 = arith.constant 0 : i32
        %dma_start3A_32 = tpu.memref_slice %arg2[%mul3A_17, %dma_start3A_31] : memref<2560x128xi32, #tpu.memory_space<hbm>> -> memref<80x128xi32, #tpu.memory_space<hbm>>
        tpu.enqueue_dma source(%dma_start3A_32 : memref<80x128xi32, #tpu.memory_space<hbm>>) target(%dma_start3A_30 : memref<80x128xi32, #tpu.memory_space<vmem>>) target_semaphore(%run_scoped3A : memref<!tpu.dma_semaphore, #tpu.memory_space<semaphore_mem>>)
        %dma_wait3A = arith.constant 0 : i32
        %dma_wait3A_33 = arith.constant 0 : i32
        %dma_wait3A_34 = tpu.memref_slice %arg4[%dma_wait3A, %dma_wait3A_33] : memref<80x128xi32, #tpu.memory_space<vmem>> -> memref<80x128xi32, #tpu.memory_space<vmem>>
        %dma_wait3A_35 = arith.constant 0 : i32
        %dma_wait3A_36 = tpu.memref_slice %arg2[%mul3A_17, %dma_wait3A_35] : memref<2560x128xi32, #tpu.memory_space<hbm>> -> memref<80x128xi32, #tpu.memory_space<hbm>>
        %dma_wait3A_37 = arith.constant 0 : i32
        %dma_wait3A_38 = arith.constant 0 : i32
        %dma_wait3A_39 = tpu.memref_slice %arg4[%dma_wait3A_37, %dma_wait3A_38] : memref<80x128xi32, #tpu.memory_space<vmem>> -> memref<80x128xi32, #tpu.memory_space<vmem>>
        %dma_wait3A_40 = arith.constant 0 : i32
        %dma_wait3A_41 = tpu.memref_slice %arg2[%mul3A_17, %dma_wait3A_40] : memref<2560x128xi32, #tpu.memory_space<hbm>> -> memref<80x128xi32, #tpu.memory_space<hbm>>
        tpu.wait_dma2 semaphore(%run_scoped3A : memref<!tpu.dma_semaphore, #tpu.memory_space<semaphore_mem>>) src(%dma_wait3A_41 : memref<80x128xi32, #tpu.memory_space<hbm>>) dst(%dma_wait3A_39 : memref<80x128xi32, #tpu.memory_space<vmem>>)
        tpu.yield
      }) : () -> ()
      %scan3A_18 = arith.constant 0 : i32
      %scan3A_19 = arith.constant 0 : i32
      %scan3A_20 = arith.constant 80 : i32
      %scan3A_21 = arith.addi %scan3A_19, %scan3A_20 : i32
      %scan3A_22 = arith.constant 1 : i32
      scf.for %scan3A_24 = %scan3A_19 to %scan3A_21 step %scan3A_22  : i32 {
        %get3A = arith.index_cast %scan3A_24 : i32 to index
        %get3A_25 = arith.constant 0 : index
        %get3A_26 = tpu.vector_load %arg4[%get3A, %get3A_25] {strides = array<i32>} : memref<80x128xi32, #tpu.memory_space<vmem>>, vector<16xi32>,
        tpu.vector_store_idx %arg5[%get3A_26], %broadcast_in_dim3A_3 {add = true} : memref<10112xf32, #tpu.memory_space<vmem>>[vector<16xi32>], vector<16xf32>,
        %get3A_27 = arith.index_cast %scan3A_24 : i32 to index
        %get3A_28 = arith.constant 16 : index
        %get3A_29 = tpu.vector_load %arg4[%get3A_27, %get3A_28] {strides = array<i32>} : memref<80x128xi32, #tpu.memory_space<vmem>>, vector<16xi32>,
        tpu.vector_store_idx %arg5[%get3A_29], %broadcast_in_dim3A_3 {add = true} : memref<10112xf32, #tpu.memory_space<vmem>>[vector<16xi32>], vector<16xf32>,
        %get3A_30 = arith.index_cast %scan3A_24 : i32 to index
        %get3A_31 = arith.constant 32 : index
        %get3A_32 = tpu.vector_load %arg4[%get3A_30, %get3A_31] {strides = array<i32>} : memref<80x128xi32, #tpu.memory_space<vmem>>, vector<16xi32>,
        tpu.vector_store_idx %arg5[%get3A_32], %broadcast_in_dim3A_3 {add = true} : memref<10112xf32, #tpu.memory_space<vmem>>[vector<16xi32>], vector<16xf32>,
        %get3A_33 = arith.index_cast %scan3A_24 : i32 to index
        %get3A_34 = arith.constant 48 : index
        %get3A_35 = tpu.vector_load %arg4[%get3A_33, %get3A_34] {strides = array<i32>} : memref<80x128xi32, #tpu.memory_space<vmem>>, vector<16xi32>,
        tpu.vector_store_idx %arg5[%get3A_35], %broadcast_in_dim3A_3 {add = true} : memref<10112xf32, #tpu.memory_space<vmem>>[vector<16xi32>], vector<16xf32>,
        %get3A_36 = arith.index_cast %scan3A_24 : i32 to index
        %get3A_37 = arith.constant 64 : index
        %get3A_38 = tpu.vector_load %arg4[%get3A_36, %get3A_37] {strides = array<i32>} : memref<80x128xi32, #tpu.memory_space<vmem>>, vector<16xi32>,
        tpu.vector_store_idx %arg5[%get3A_38], %broadcast_in_dim3A_3 {add = true} : memref<10112xf32, #tpu.memory_space<vmem>>[vector<16xi32>], vector<16xf32>,
        %get3A_39 = arith.index_cast %scan3A_24 : i32 to index
        %get3A_40 = arith.constant 80 : index
        %get3A_41 = tpu.vector_load %arg4[%get3A_39, %get3A_40] {strides = array<i32>} : memref<80x128xi32, #tpu.memory_space<vmem>>, vector<16xi32>,
        tpu.vector_store_idx %arg5[%get3A_41], %broadcast_in_dim3A_3 {add = true} : memref<10112xf32, #tpu.memory_space<vmem>>[vector<16xi32>], vector<16xf32>,
        %get3A_42 = arith.index_cast %scan3A_24 : i32 to index
        %get3A_43 = arith.constant 96 : index
        %get3A_44 = tpu.vector_load %arg4[%get3A_42, %get3A_43] {strides = array<i32>} : memref<80x128xi32, #tpu.memory_space<vmem>>, vector<16xi32>,
        tpu.vector_store_idx %arg5[%get3A_44], %broadcast_in_dim3A_3 {add = true} : memref<10112xf32, #tpu.memory_space<vmem>>[vector<16xi32>], vector<16xf32>,
        %get3A_45 = arith.index_cast %scan3A_24 : i32 to index
        %get3A_46 = arith.constant 112 : index
        %get3A_47 = tpu.vector_load %arg4[%get3A_45, %get3A_46] {strides = array<i32>} : memref<80x128xi32, #tpu.memory_space<vmem>>, vector<16xi32>,
        tpu.vector_store_idx %arg5[%get3A_47], %broadcast_in_dim3A_3 {add = true} : memref<10112xf32, #tpu.memory_space<vmem>>[vector<16xi32>], vector<16xf32>,
      }
      %scan3A_23 = arith.constant 80 : i32
    } else {
    }
    %eq3A_11 = arith.constant 1 : i32
    %eq3A_12 = arith.cmpi eq, %arg0, %eq3A_11 : i32
    %convert_element_type3A_13 = arith.extui %eq3A_12 : i1 to i32
    %cond3A_14 = arith.constant 0 : i32
    %cond3A_15 = arith.cmpi ne, %convert_element_type3A_13, %cond3A_14 : i32
    scf.if %cond3A_15 {
      %mul3A_16 = arith.constant 80 : i32
      %mul3A_17 = arith.muli %arg1, %mul3A_16 : i32
      %add3A_18 = arith.constant 1280 : i32
      %add3A_19 = arith.addi %add3A_18, %mul3A_17 : i32
      "tpu.region"() ({
        %run_scoped3A = tpu.sem_alloc : memref<!tpu.dma_semaphore, #tpu.memory_space<semaphore_mem>>
        %dma_start3A = arith.constant 0 : i32
        %dma_start3A_26 = arith.constant 0 : i32
        %dma_start3A_27 = tpu.memref_slice %arg4[%dma_start3A, %dma_start3A_26] : memref<80x128xi32, #tpu.memory_space<vmem>> -> memref<80x128xi32, #tpu.memory_space<vmem>>
        %dma_start3A_28 = arith.constant 0 : i32
        %dma_start3A_29 = tpu.memref_slice %arg2[%add3A_19, %dma_start3A_28] : memref<2560x128xi32, #tpu.memory_space<hbm>> -> memref<80x128xi32, #tpu.memory_space<hbm>>
        %dma_start3A_30 = arith.constant 0 : i32
        %dma_start3A_31 = arith.constant 0 : i32
        %dma_start3A_32 = tpu.memref_slice %arg4[%dma_start3A_30, %dma_start3A_31] : memref<80x128xi32, #tpu.memory_space<vmem>> -> memref<80x128xi32, #tpu.memory_space<vmem>>
        %dma_start3A_33 = arith.constant 0 : i32
        %dma_start3A_34 = tpu.memref_slice %arg2[%add3A_19, %dma_start3A_33] : memref<2560x128xi32, #tpu.memory_space<hbm>> -> memref<80x128xi32, #tpu.memory_space<hbm>>
        tpu.enqueue_dma source(%dma_start3A_34 : memref<80x128xi32, #tpu.memory_space<hbm>>) target(%dma_start3A_32 : memref<80x128xi32, #tpu.memory_space<vmem>>) target_semaphore(%run_scoped3A : memref<!tpu.dma_semaphore, #tpu.memory_space<semaphore_mem>>)
        %dma_wait3A = arith.constant 0 : i32
        %dma_wait3A_35 = arith.constant 0 : i32
        %dma_wait3A_36 = tpu.memref_slice %arg4[%dma_wait3A, %dma_wait3A_35] : memref<80x128xi32, #tpu.memory_space<vmem>> -> memref<80x128xi32, #tpu.memory_space<vmem>>
        %dma_wait3A_37 = arith.constant 0 : i32
        %dma_wait3A_38 = tpu.memref_slice %arg2[%add3A_19, %dma_wait3A_37] : memref<2560x128xi32, #tpu.memory_space<hbm>> -> memref<80x128xi32, #tpu.memory_space<hbm>>
        %dma_wait3A_39 = arith.constant 0 : i32
        %dma_wait3A_40 = arith.constant 0 : i32
        %dma_wait3A_41 = tpu.memref_slice %arg4[%dma_wait3A_39, %dma_wait3A_40] : memref<80x128xi32, #tpu.memory_space<vmem>> -> memref<80x128xi32, #tpu.memory_space<vmem>>
        %dma_wait3A_42 = arith.constant 0 : i32
        %dma_wait3A_43 = tpu.memref_slice %arg2[%add3A_19, %dma_wait3A_42] : memref<2560x128xi32, #tpu.memory_space<hbm>> -> memref<80x128xi32, #tpu.memory_space<hbm>>
        tpu.wait_dma2 semaphore(%run_scoped3A : memref<!tpu.dma_semaphore, #tpu.memory_space<semaphore_mem>>) src(%dma_wait3A_43 : memref<80x128xi32, #tpu.memory_space<hbm>>) dst(%dma_wait3A_41 : memref<80x128xi32, #tpu.memory_space<vmem>>)
        tpu.yield
      }) : () -> ()
      %scan3A_20 = arith.constant 0 : i32
      %scan3A_21 = arith.constant 0 : i32
      %scan3A_22 = arith.constant 80 : i32
      %scan3A_23 = arith.addi %scan3A_21, %scan3A_22 : i32
      %scan3A_24 = arith.constant 1 : i32
      scf.for %scan3A_26 = %scan3A_21 to %scan3A_23 step %scan3A_24  : i32 {
        %get3A = arith.index_cast %scan3A_26 : i32 to index
        %get3A_27 = arith.constant 0 : index
        %get3A_28 = tpu.vector_load %arg4[%get3A, %get3A_27] {strides = array<i32>} : memref<80x128xi32, #tpu.memory_space<vmem>>, vector<16xi32>,
        tpu.vector_store_idx %arg5[%get3A_28], %broadcast_in_dim3A_3 {add = true} : memref<10112xf32, #tpu.memory_space<vmem>>[vector<16xi32>], vector<16xf32>,
        %get3A_29 = arith.index_cast %scan3A_26 : i32 to index
        %get3A_30 = arith.constant 16 : index
        %get3A_31 = tpu.vector_load %arg4[%get3A_29, %get3A_30] {strides = array<i32>} : memref<80x128xi32, #tpu.memory_space<vmem>>, vector<16xi32>,
        tpu.vector_store_idx %arg5[%get3A_31], %broadcast_in_dim3A_3 {add = true} : memref<10112xf32, #tpu.memory_space<vmem>>[vector<16xi32>], vector<16xf32>,
        %get3A_32 = arith.index_cast %scan3A_26 : i32 to index
        %get3A_33 = arith.constant 32 : index
        %get3A_34 = tpu.vector_load %arg4[%get3A_32, %get3A_33] {strides = array<i32>} : memref<80x128xi32, #tpu.memory_space<vmem>>, vector<16xi32>,
        tpu.vector_store_idx %arg5[%get3A_34], %broadcast_in_dim3A_3 {add = true} : memref<10112xf32, #tpu.memory_space<vmem>>[vector<16xi32>], vector<16xf32>,
        %get3A_35 = arith.index_cast %scan3A_26 : i32 to index
        %get3A_36 = arith.constant 48 : index
        %get3A_37 = tpu.vector_load %arg4[%get3A_35, %get3A_36] {strides = array<i32>} : memref<80x128xi32, #tpu.memory_space<vmem>>, vector<16xi32>,
        tpu.vector_store_idx %arg5[%get3A_37], %broadcast_in_dim3A_3 {add = true} : memref<10112xf32, #tpu.memory_space<vmem>>[vector<16xi32>], vector<16xf32>,
        %get3A_38 = arith.index_cast %scan3A_26 : i32 to index
        %get3A_39 = arith.constant 64 : index
        %get3A_40 = tpu.vector_load %arg4[%get3A_38, %get3A_39] {strides = array<i32>} : memref<80x128xi32, #tpu.memory_space<vmem>>, vector<16xi32>,
        tpu.vector_store_idx %arg5[%get3A_40], %broadcast_in_dim3A_3 {add = true} : memref<10112xf32, #tpu.memory_space<vmem>>[vector<16xi32>], vector<16xf32>,
        %get3A_41 = arith.index_cast %scan3A_26 : i32 to index
        %get3A_42 = arith.constant 80 : index
        %get3A_43 = tpu.vector_load %arg4[%get3A_41, %get3A_42] {strides = array<i32>} : memref<80x128xi32, #tpu.memory_space<vmem>>, vector<16xi32>,
        tpu.vector_store_idx %arg5[%get3A_43], %broadcast_in_dim3A_3 {add = true} : memref<10112xf32, #tpu.memory_space<vmem>>[vector<16xi32>], vector<16xf32>,
        %get3A_44 = arith.index_cast %scan3A_26 : i32 to index
        %get3A_45 = arith.constant 96 : index
        %get3A_46 = tpu.vector_load %arg4[%get3A_44, %get3A_45] {strides = array<i32>} : memref<80x128xi32, #tpu.memory_space<vmem>>, vector<16xi32>,
        tpu.vector_store_idx %arg5[%get3A_46], %broadcast_in_dim3A_3 {add = true} : memref<10112xf32, #tpu.memory_space<vmem>>[vector<16xi32>], vector<16xf32>,
        %get3A_47 = arith.index_cast %scan3A_26 : i32 to index
        %get3A_48 = arith.constant 112 : index
        %get3A_49 = tpu.vector_load %arg4[%get3A_47, %get3A_48] {strides = array<i32>} : memref<80x128xi32, #tpu.memory_space<vmem>>, vector<16xi32>,
        tpu.vector_store_idx %arg5[%get3A_49], %broadcast_in_dim3A_3 {add = true} : memref<10112xf32, #tpu.memory_space<vmem>>[vector<16xi32>], vector<16xf32>,
      }
      %scan3A_25 = arith.constant 80 : i32
    } else {
    }
    "tpu.region"() ({
      %run_scoped3A = tpu.sem_alloc : memref<!tpu.dma_semaphore, #tpu.memory_space<semaphore_mem>>
      %dma_start3A = arith.constant 0 : i32
      %dma_start3A_16 = tpu.memref_slice %arg3[%add3A, %dma_start3A] : memref<32x10112xf32, #tpu.memory_space<hbm>> -> memref<1x10112xf32, #tpu.memory_space<hbm>>
      %dma_start3A_17 = tpu.memref_squeeze %dma_start3A_16 : memref<1x10112xf32, #tpu.memory_space<hbm>> -> memref<10112xf32, #tpu.memory_space<hbm>>
      %dma_start3A_18 = arith.constant 0 : i32
      %dma_start3A_19 = tpu.memref_slice %arg3[%add3A, %dma_start3A_18] : memref<32x10112xf32, #tpu.memory_space<hbm>> -> memref<1x10112xf32, #tpu.memory_space<hbm>>
      %dma_start3A_20 = tpu.memref_squeeze %dma_start3A_19 : memref<1x10112xf32, #tpu.memory_space<hbm>> -> memref<10112xf32, #tpu.memory_space<hbm>>
      tpu.enqueue_dma source(%arg5 : memref<10112xf32, #tpu.memory_space<vmem>>) target(%dma_start3A_20 : memref<10112xf32, #tpu.memory_space<hbm>>) target_semaphore(%run_scoped3A : memref<!tpu.dma_semaphore, #tpu.memory_space<semaphore_mem>>)
      %dma_wait3A = arith.constant 0 : i32
      %dma_wait3A_21 = tpu.memref_slice %arg3[%add3A, %dma_wait3A] : memref<32x10112xf32, #tpu.memory_space<hbm>> -> memref<1x10112xf32, #tpu.memory_space<hbm>>
      %dma_wait3A_22 = tpu.memref_squeeze %dma_wait3A_21 : memref<1x10112xf32, #tpu.memory_space<hbm>> -> memref<10112xf32, #tpu.memory_space<hbm>>
      %dma_wait3A_23 = arith.constant 0 : i32
      %dma_wait3A_24 = tpu.memref_slice %arg3[%add3A, %dma_wait3A_23] : memref<32x10112xf32, #tpu.memory_space<hbm>> -> memref<1x10112xf32, #tpu.memory_space<hbm>>
      %dma_wait3A_25 = tpu.memref_squeeze %dma_wait3A_24 : memref<1x10112xf32, #tpu.memory_space<hbm>> -> memref<10112xf32, #tpu.memory_space<hbm>>
      tpu.wait_dma2 semaphore(%run_scoped3A : memref<!tpu.dma_semaphore, #tpu.memory_space<semaphore_mem>>) src(%arg5 : memref<10112xf32, #tpu.memory_space<vmem>>) dst(%dma_wait3A_25 : memref<10112xf32, #tpu.memory_space<hbm>>)
      tpu.yield
    }) : () -> ()
    return
  }
}

#map = affine_map<(d0, d1) -> (0, 0)>
#map1 = affine_map<(d0, d1) -> (0, 0, 0)>
module attributes {stable_mosaic.version = 14 : i64} {
  func.func @body(%arg0: i32, %arg1: i32, %arg2: memref<10000x32xf32, #tpu.memory_space<hbm>>, %arg3: memref<2560x128xi32, #tpu.memory_space<hbm>>, %arg4: memref<2560x128xi32, #tpu.memory_space<hbm>>, %arg5: memref<2x10112x32xf32, #tpu.memory_space<hbm>>, %arg6: memref<80x128xi32, #tpu.memory_space<vmem>>, %arg7: memref<128xi32, #tpu.memory_space<vmem>>, %arg8: memref<128xi32, #tpu.memory_space<vmem>>, %arg9: memref<128x32xf32, #tpu.memory_space<vmem>>, %arg10: memref<128x32xf32, #tpu.memory_space<vmem>>, %arg11: memref<10112x32xf32, #tpu.memory_space<vmem_shared>>, %arg12: memref<!tpu.dma_semaphore, #tpu.memory_space<semaphore_mem>>, %arg13: memref<!tpu.dma_semaphore, #tpu.memory_space<semaphore_mem>>, %arg14: memref<!tpu.dma_semaphore, #tpu.memory_space<semaphore_mem>>) attributes {dimension_semantics = [#tpu.dimension_semantics<core_parallel>, #tpu.dimension_semantics<subcore_parallel>], iteration_bounds = array<i64: 2, 16>, scalar_prefetch = 0 : i64, scratch_operands = 9 : i64, tpu.core_type = #tpu.core_type<sc_vector_subcore>, window_params = [{transform_indices = #map}, {transform_indices = #map}, {transform_indices = #map}, {transform_indices = #map1}]} {
    %broadcast_in_dim3A = arith.constant 0.000000e+00 : f32
    %broadcast_in_dim3A_0 = vector.broadcast %broadcast_in_dim3A : f32 to vector<16xf32>
    %broadcast_in_dim3A_1 = arith.constant 0 : i32
    %broadcast_in_dim3A_2 = vector.broadcast %broadcast_in_dim3A_1 : i32 to vector<16xi32>
    "tpu.trace_start"() <{level = 10 : i32, message = "ph_zero"}> : () -> ()
    %scan3A = arith.constant 0 : i32
    %scan3A_3 = arith.constant 0 : i32
    %scan3A_4 = arith.constant 128 : i32
    %scan3A_5 = arith.addi %scan3A_3, %scan3A_4 : i32
    %scan3A_6 = arith.constant 1 : i32
    scf.for %scan3A_90 = %scan3A_3 to %scan3A_5 step %scan3A_6  : i32 {
      %swap3A_91 = arith.index_cast %scan3A_90 : i32 to index
      %swap3A_92 = arith.constant 0 : index
      %swap3A_93 = tpu.vector_load %arg10[%swap3A_91, %swap3A_92] {strides = array<i32>} : memref<128x32xf32, #tpu.memory_space<vmem>>, vector<16xf32>,
      tpu.vector_store %arg10[%swap3A_91, %swap3A_92], %broadcast_in_dim3A_0 {strides = array<i32>} : memref<128x32xf32, #tpu.memory_space<vmem>>, vector<16xf32>,
      %swap3A_94 = arith.index_cast %scan3A_90 : i32 to index
      %swap3A_95 = arith.constant 16 : index
      %swap3A_96 = tpu.vector_load %arg10[%swap3A_94, %swap3A_95] {strides = array<i32>} : memref<128x32xf32, #tpu.memory_space<vmem>>, vector<16xf32>,
      tpu.vector_store %arg10[%swap3A_94, %swap3A_95], %broadcast_in_dim3A_0 {strides = array<i32>} : memref<128x32xf32, #tpu.memory_space<vmem>>, vector<16xf32>,
    }
    %scan3A_7 = arith.constant 128 : i32
    %swap3A = arith.constant 0 : index
    %swap3A_8 = tpu.vector_load %arg8[%swap3A] {strides = array<i32>} : memref<128xi32, #tpu.memory_space<vmem>>, vector<16xi32>,
    tpu.vector_store %arg8[%swap3A], %broadcast_in_dim3A_2 {strides = array<i32>} : memref<128xi32, #tpu.memory_space<vmem>>, vector<16xi32>,
    %swap3A_9 = arith.constant 16 : index
    %swap3A_10 = tpu.vector_load %arg8[%swap3A_9] {strides = array<i32>} : memref<128xi32, #tpu.memory_space<vmem>>, vector<16xi32>,
    tpu.vector_store %arg8[%swap3A_9], %broadcast_in_dim3A_2 {strides = array<i32>} : memref<128xi32, #tpu.memory_space<vmem>>, vector<16xi32>,
    %swap3A_11 = arith.constant 32 : index
    %swap3A_12 = tpu.vector_load %arg8[%swap3A_11] {strides = array<i32>} : memref<128xi32, #tpu.memory_space<vmem>>, vector<16xi32>,
    tpu.vector_store %arg8[%swap3A_11], %broadcast_in_dim3A_2 {strides = array<i32>} : memref<128xi32, #tpu.memory_space<vmem>>, vector<16xi32>,
    %swap3A_13 = arith.constant 48 : index
    %swap3A_14 = tpu.vector_load %arg8[%swap3A_13] {strides = array<i32>} : memref<128xi32, #tpu.memory_space<vmem>>, vector<16xi32>,
    tpu.vector_store %arg8[%swap3A_13], %broadcast_in_dim3A_2 {strides = array<i32>} : memref<128xi32, #tpu.memory_space<vmem>>, vector<16xi32>,
    %swap3A_15 = arith.constant 64 : index
    %swap3A_16 = tpu.vector_load %arg8[%swap3A_15] {strides = array<i32>} : memref<128xi32, #tpu.memory_space<vmem>>, vector<16xi32>,
    tpu.vector_store %arg8[%swap3A_15], %broadcast_in_dim3A_2 {strides = array<i32>} : memref<128xi32, #tpu.memory_space<vmem>>, vector<16xi32>,
    %swap3A_17 = arith.constant 80 : index
    %swap3A_18 = tpu.vector_load %arg8[%swap3A_17] {strides = array<i32>} : memref<128xi32, #tpu.memory_space<vmem>>, vector<16xi32>,
    tpu.vector_store %arg8[%swap3A_17], %broadcast_in_dim3A_2 {strides = array<i32>} : memref<128xi32, #tpu.memory_space<vmem>>, vector<16xi32>,
    %swap3A_19 = arith.constant 96 : index
    %swap3A_20 = tpu.vector_load %arg8[%swap3A_19] {strides = array<i32>} : memref<128xi32, #tpu.memory_space<vmem>>, vector<16xi32>,
    tpu.vector_store %arg8[%swap3A_19], %broadcast_in_dim3A_2 {strides = array<i32>} : memref<128xi32, #tpu.memory_space<vmem>>, vector<16xi32>,
    %swap3A_21 = arith.constant 112 : index
    %swap3A_22 = tpu.vector_load %arg8[%swap3A_21] {strides = array<i32>} : memref<128xi32, #tpu.memory_space<vmem>>, vector<16xi32>,
    tpu.vector_store %arg8[%swap3A_21], %broadcast_in_dim3A_2 {strides = array<i32>} : memref<128xi32, #tpu.memory_space<vmem>>, vector<16xi32>,
    %mul3A = arith.constant 632 : i32
    %mul3A_23 = arith.muli %arg1, %mul3A : i32
    %add3A = arith.constant 0 : i32
    %add3A_24 = arith.addi %mul3A_23, %add3A : i32
    "tpu.region"() ({
      %run_scoped3A = tpu.sem_alloc : memref<!tpu.dma_semaphore, #tpu.memory_space<semaphore_mem>>
      %dma_start3A = arith.constant 0 : i32
      %dma_start3A_90 = tpu.memref_slice %arg11[%add3A_24, %dma_start3A] : memref<10112x32xf32, #tpu.memory_space<vmem_shared>> -> memref<128x32xf32, #tpu.memory_space<vmem_shared>>
      %dma_start3A_91 = arith.constant 0 : i32
      %dma_start3A_92 = tpu.memref_slice %arg11[%add3A_24, %dma_start3A_91] : memref<10112x32xf32, #tpu.memory_space<vmem_shared>> -> memref<128x32xf32, #tpu.memory_space<vmem_shared>>
      tpu.enqueue_dma source(%arg10 : memref<128x32xf32, #tpu.memory_space<vmem>>) target(%dma_start3A_92 : memref<128x32xf32, #tpu.memory_space<vmem_shared>>) target_semaphore(%run_scoped3A : memref<!tpu.dma_semaphore, #tpu.memory_space<semaphore_mem>>)
      %dma_wait3A = arith.constant 0 : i32
      %dma_wait3A_93 = tpu.memref_slice %arg11[%add3A_24, %dma_wait3A] : memref<10112x32xf32, #tpu.memory_space<vmem_shared>> -> memref<128x32xf32, #tpu.memory_space<vmem_shared>>
      %dma_wait3A_94 = arith.constant 0 : i32
      %dma_wait3A_95 = tpu.memref_slice %arg11[%add3A_24, %dma_wait3A_94] : memref<10112x32xf32, #tpu.memory_space<vmem_shared>> -> memref<128x32xf32, #tpu.memory_space<vmem_shared>>
      tpu.wait_dma2 semaphore(%run_scoped3A : memref<!tpu.dma_semaphore, #tpu.memory_space<semaphore_mem>>) src(%arg10 : memref<128x32xf32, #tpu.memory_space<vmem>>) dst(%dma_wait3A_95 : memref<128x32xf32, #tpu.memory_space<vmem_shared>>)
      tpu.yield
    }) : () -> ()
    %mul3A_25 = arith.constant 632 : i32
    %mul3A_26 = arith.muli %arg1, %mul3A_25 : i32
    %add3A_27 = arith.constant 128 : i32
    %add3A_28 = arith.addi %mul3A_26, %add3A_27 : i32
    "tpu.region"() ({
      %run_scoped3A = tpu.sem_alloc : memref<!tpu.dma_semaphore, #tpu.memory_space<semaphore_mem>>
      %dma_start3A = arith.constant 0 : i32
      %dma_start3A_90 = tpu.memref_slice %arg11[%add3A_28, %dma_start3A] : memref<10112x32xf32, #tpu.memory_space<vmem_shared>> -> memref<128x32xf32, #tpu.memory_space<vmem_shared>>
      %dma_start3A_91 = arith.constant 0 : i32
      %dma_start3A_92 = tpu.memref_slice %arg11[%add3A_28, %dma_start3A_91] : memref<10112x32xf32, #tpu.memory_space<vmem_shared>> -> memref<128x32xf32, #tpu.memory_space<vmem_shared>>
      tpu.enqueue_dma source(%arg10 : memref<128x32xf32, #tpu.memory_space<vmem>>) target(%dma_start3A_92 : memref<128x32xf32, #tpu.memory_space<vmem_shared>>) target_semaphore(%run_scoped3A : memref<!tpu.dma_semaphore, #tpu.memory_space<semaphore_mem>>)
      %dma_wait3A = arith.constant 0 : i32
      %dma_wait3A_93 = tpu.memref_slice %arg11[%add3A_28, %dma_wait3A] : memref<10112x32xf32, #tpu.memory_space<vmem_shared>> -> memref<128x32xf32, #tpu.memory_space<vmem_shared>>
      %dma_wait3A_94 = arith.constant 0 : i32
      %dma_wait3A_95 = tpu.memref_slice %arg11[%add3A_28, %dma_wait3A_94] : memref<10112x32xf32, #tpu.memory_space<vmem_shared>> -> memref<128x32xf32, #tpu.memory_space<vmem_shared>>
      tpu.wait_dma2 semaphore(%run_scoped3A : memref<!tpu.dma_semaphore, #tpu.memory_space<semaphore_mem>>) src(%arg10 : memref<128x32xf32, #tpu.memory_space<vmem>>) dst(%dma_wait3A_95 : memref<128x32xf32, #tpu.memory_space<vmem_shared>>)
      tpu.yield
    }) : () -> ()
    %mul3A_29 = arith.constant 632 : i32
    %mul3A_30 = arith.muli %arg1, %mul3A_29 : i32
    %add3A_31 = arith.constant 256 : i32
    %add3A_32 = arith.addi %mul3A_30, %add3A_31 : i32
    "tpu.region"() ({
      %run_scoped3A = tpu.sem_alloc : memref<!tpu.dma_semaphore, #tpu.memory_space<semaphore_mem>>
      %dma_start3A = arith.constant 0 : i32
      %dma_start3A_90 = tpu.memref_slice %arg11[%add3A_32, %dma_start3A] : memref<10112x32xf32, #tpu.memory_space<vmem_shared>> -> memref<128x32xf32, #tpu.memory_space<vmem_shared>>
      %dma_start3A_91 = arith.constant 0 : i32
      %dma_start3A_92 = tpu.memref_slice %arg11[%add3A_32, %dma_start3A_91] : memref<10112x32xf32, #tpu.memory_space<vmem_shared>> -> memref<128x32xf32, #tpu.memory_space<vmem_shared>>
      tpu.enqueue_dma source(%arg10 : memref<128x32xf32, #tpu.memory_space<vmem>>) target(%dma_start3A_92 : memref<128x32xf32, #tpu.memory_space<vmem_shared>>) target_semaphore(%run_scoped3A : memref<!tpu.dma_semaphore, #tpu.memory_space<semaphore_mem>>)
      %dma_wait3A = arith.constant 0 : i32
      %dma_wait3A_93 = tpu.memref_slice %arg11[%add3A_32, %dma_wait3A] : memref<10112x32xf32, #tpu.memory_space<vmem_shared>> -> memref<128x32xf32, #tpu.memory_space<vmem_shared>>
      %dma_wait3A_94 = arith.constant 0 : i32
      %dma_wait3A_95 = tpu.memref_slice %arg11[%add3A_32, %dma_wait3A_94] : memref<10112x32xf32, #tpu.memory_space<vmem_shared>> -> memref<128x32xf32, #tpu.memory_space<vmem_shared>>
      tpu.wait_dma2 semaphore(%run_scoped3A : memref<!tpu.dma_semaphore, #tpu.memory_space<semaphore_mem>>) src(%arg10 : memref<128x32xf32, #tpu.memory_space<vmem>>) dst(%dma_wait3A_95 : memref<128x32xf32, #tpu.memory_space<vmem_shared>>)
      tpu.yield
    }) : () -> ()
    %mul3A_33 = arith.constant 632 : i32
    %mul3A_34 = arith.muli %arg1, %mul3A_33 : i32
    %add3A_35 = arith.constant 384 : i32
    %add3A_36 = arith.addi %mul3A_34, %add3A_35 : i32
    "tpu.region"() ({
      %run_scoped3A = tpu.sem_alloc : memref<!tpu.dma_semaphore, #tpu.memory_space<semaphore_mem>>
      %dma_start3A = arith.constant 0 : i32
      %dma_start3A_90 = tpu.memref_slice %arg11[%add3A_36, %dma_start3A] : memref<10112x32xf32, #tpu.memory_space<vmem_shared>> -> memref<128x32xf32, #tpu.memory_space<vmem_shared>>
      %dma_start3A_91 = arith.constant 0 : i32
      %dma_start3A_92 = tpu.memref_slice %arg11[%add3A_36, %dma_start3A_91] : memref<10112x32xf32, #tpu.memory_space<vmem_shared>> -> memref<128x32xf32, #tpu.memory_space<vmem_shared>>
      tpu.enqueue_dma source(%arg10 : memref<128x32xf32, #tpu.memory_space<vmem>>) target(%dma_start3A_92 : memref<128x32xf32, #tpu.memory_space<vmem_shared>>) target_semaphore(%run_scoped3A : memref<!tpu.dma_semaphore, #tpu.memory_space<semaphore_mem>>)
      %dma_wait3A = arith.constant 0 : i32
      %dma_wait3A_93 = tpu.memref_slice %arg11[%add3A_36, %dma_wait3A] : memref<10112x32xf32, #tpu.memory_space<vmem_shared>> -> memref<128x32xf32, #tpu.memory_space<vmem_shared>>
      %dma_wait3A_94 = arith.constant 0 : i32
      %dma_wait3A_95 = tpu.memref_slice %arg11[%add3A_36, %dma_wait3A_94] : memref<10112x32xf32, #tpu.memory_space<vmem_shared>> -> memref<128x32xf32, #tpu.memory_space<vmem_shared>>
      tpu.wait_dma2 semaphore(%run_scoped3A : memref<!tpu.dma_semaphore, #tpu.memory_space<semaphore_mem>>) src(%arg10 : memref<128x32xf32, #tpu.memory_space<vmem>>) dst(%dma_wait3A_95 : memref<128x32xf32, #tpu.memory_space<vmem_shared>>)
      tpu.yield
    }) : () -> ()
    %mul3A_37 = arith.constant 632 : i32
    %mul3A_38 = arith.muli %arg1, %mul3A_37 : i32
    %add3A_39 = arith.constant 632 : i32
    %add3A_40 = arith.addi %mul3A_38, %add3A_39 : i32
    %sub3A = arith.constant 120 : i32
    %sub3A_41 = arith.subi %add3A_40, %sub3A : i32
    "tpu.region"() ({
      %run_scoped3A = tpu.sem_alloc : memref<!tpu.dma_semaphore, #tpu.memory_space<semaphore_mem>>
      %dma_start3A = arith.constant 0 : i32
      %dma_start3A_90 = arith.constant 0 : i32
      %dma_start3A_91 = tpu.memref_slice %arg10[%dma_start3A, %dma_start3A_90] : memref<128x32xf32, #tpu.memory_space<vmem>> -> memref<120x32xf32, #tpu.memory_space<vmem>>
      %dma_start3A_92 = arith.constant 0 : i32
      %dma_start3A_93 = tpu.memref_slice %arg11[%sub3A_41, %dma_start3A_92] : memref<10112x32xf32, #tpu.memory_space<vmem_shared>> -> memref<120x32xf32, #tpu.memory_space<vmem_shared>>
      %dma_start3A_94 = arith.constant 0 : i32
      %dma_start3A_95 = tpu.memref_slice %arg11[%sub3A_41, %dma_start3A_94] : memref<10112x32xf32, #tpu.memory_space<vmem_shared>> -> memref<120x32xf32, #tpu.memory_space<vmem_shared>>
      %dma_start3A_96 = arith.constant 0 : i32
      %dma_start3A_97 = arith.constant 0 : i32
      %dma_start3A_98 = tpu.memref_slice %arg10[%dma_start3A_96, %dma_start3A_97] : memref<128x32xf32, #tpu.memory_space<vmem>> -> memref<120x32xf32, #tpu.memory_space<vmem>>
      tpu.enqueue_dma source(%dma_start3A_98 : memref<120x32xf32, #tpu.memory_space<vmem>>) target(%dma_start3A_95 : memref<120x32xf32, #tpu.memory_space<vmem_shared>>) target_semaphore(%run_scoped3A : memref<!tpu.dma_semaphore, #tpu.memory_space<semaphore_mem>>)
      %dma_wait3A = arith.constant 0 : i32
      %dma_wait3A_99 = arith.constant 0 : i32
      %dma_wait3A_100 = tpu.memref_slice %arg10[%dma_wait3A, %dma_wait3A_99] : memref<128x32xf32, #tpu.memory_space<vmem>> -> memref<120x32xf32, #tpu.memory_space<vmem>>
      %dma_wait3A_101 = arith.constant 0 : i32
      %dma_wait3A_102 = tpu.memref_slice %arg11[%sub3A_41, %dma_wait3A_101] : memref<10112x32xf32, #tpu.memory_space<vmem_shared>> -> memref<120x32xf32, #tpu.memory_space<vmem_shared>>
      %dma_wait3A_103 = arith.constant 0 : i32
      %dma_wait3A_104 = tpu.memref_slice %arg11[%sub3A_41, %dma_wait3A_103] : memref<10112x32xf32, #tpu.memory_space<vmem_shared>> -> memref<120x32xf32, #tpu.memory_space<vmem_shared>>
      %dma_wait3A_105 = arith.constant 0 : i32
      %dma_wait3A_106 = arith.constant 0 : i32
      %dma_wait3A_107 = tpu.memref_slice %arg10[%dma_wait3A_105, %dma_wait3A_106] : memref<128x32xf32, #tpu.memory_space<vmem>> -> memref<120x32xf32, #tpu.memory_space<vmem>>
      tpu.wait_dma2 semaphore(%run_scoped3A : memref<!tpu.dma_semaphore, #tpu.memory_space<semaphore_mem>>) src(%dma_wait3A_107 : memref<120x32xf32, #tpu.memory_space<vmem>>) dst(%dma_wait3A_104 : memref<120x32xf32, #tpu.memory_space<vmem_shared>>)
      tpu.yield
    }) : () -> ()
    %barrier3A = arith.constant 0 : index
    tpu.barrier barrier_id(%barrier3A)
    %eq3A = arith.constant 0 : i32
    "tpu.trace_stop"() : () -> ()
    "tpu.trace_start"() <{level = 10 : i32, message = "ph_edges"}> : () -> ()
    %eq3A_42 = arith.cmpi eq, %arg0, %eq3A : i32
    %convert_element_type3A = arith.extui %eq3A_42 : i1 to i32
    %cond3A = arith.constant 0 : i32
    %cond3A_43 = arith.cmpi ne, %convert_element_type3A, %cond3A : i32
    scf.if %cond3A_43 {
      %mul3A_90 = arith.constant 80 : i32
      %mul3A_91 = arith.muli %arg1, %mul3A_90 : i32
      "tpu.region"() ({
        %run_scoped3A = tpu.sem_alloc : memref<!tpu.dma_semaphore, #tpu.memory_space<semaphore_mem>>
        %dma_start3A_115 = arith.constant 0 : i32
        %dma_start3A_116 = arith.constant 0 : i32
        %dma_start3A_117 = tpu.memref_slice %arg6[%dma_start3A_115, %dma_start3A_116] : memref<80x128xi32, #tpu.memory_space<vmem>> -> memref<80x128xi32, #tpu.memory_space<vmem>>
        %dma_start3A_118 = arith.constant 0 : i32
        %dma_start3A_119 = tpu.memref_slice %arg3[%mul3A_91, %dma_start3A_118] : memref<2560x128xi32, #tpu.memory_space<hbm>> -> memref<80x128xi32, #tpu.memory_space<hbm>>
        %dma_start3A_120 = arith.constant 0 : i32
        %dma_start3A_121 = arith.constant 0 : i32
        %dma_start3A_122 = tpu.memref_slice %arg6[%dma_start3A_120, %dma_start3A_121] : memref<80x128xi32, #tpu.memory_space<vmem>> -> memref<80x128xi32, #tpu.memory_space<vmem>>
        %dma_start3A_123 = arith.constant 0 : i32
        %dma_start3A_124 = tpu.memref_slice %arg3[%mul3A_91, %dma_start3A_123] : memref<2560x128xi32, #tpu.memory_space<hbm>> -> memref<80x128xi32, #tpu.memory_space<hbm>>
        tpu.enqueue_dma source(%dma_start3A_124 : memref<80x128xi32, #tpu.memory_space<hbm>>) target(%dma_start3A_122 : memref<80x128xi32, #tpu.memory_space<vmem>>) target_semaphore(%run_scoped3A : memref<!tpu.dma_semaphore, #tpu.memory_space<semaphore_mem>>)
        %dma_wait3A_125 = arith.constant 0 : i32
        %dma_wait3A_126 = arith.constant 0 : i32
        %dma_wait3A_127 = tpu.memref_slice %arg6[%dma_wait3A_125, %dma_wait3A_126] : memref<80x128xi32, #tpu.memory_space<vmem>> -> memref<80x128xi32, #tpu.memory_space<vmem>>
        %dma_wait3A_128 = arith.constant 0 : i32
        %dma_wait3A_129 = tpu.memref_slice %arg3[%mul3A_91, %dma_wait3A_128] : memref<2560x128xi32, #tpu.memory_space<hbm>> -> memref<80x128xi32, #tpu.memory_space<hbm>>
        %dma_wait3A_130 = arith.constant 0 : i32
        %dma_wait3A_131 = arith.constant 0 : i32
        %dma_wait3A_132 = tpu.memref_slice %arg6[%dma_wait3A_130, %dma_wait3A_131] : memref<80x128xi32, #tpu.memory_space<vmem>> -> memref<80x128xi32, #tpu.memory_space<vmem>>
        %dma_wait3A_133 = arith.constant 0 : i32
        %dma_wait3A_134 = tpu.memref_slice %arg3[%mul3A_91, %dma_wait3A_133] : memref<2560x128xi32, #tpu.memory_space<hbm>> -> memref<80x128xi32, #tpu.memory_space<hbm>>
        tpu.wait_dma2 semaphore(%run_scoped3A : memref<!tpu.dma_semaphore, #tpu.memory_space<semaphore_mem>>) src(%dma_wait3A_134 : memref<80x128xi32, #tpu.memory_space<hbm>>) dst(%dma_wait3A_132 : memref<80x128xi32, #tpu.memory_space<vmem>>)
        tpu.yield
      }) : () -> ()
      %dma_start3A = arith.constant 0 : i32
      %dma_start3A_92 = arith.constant 0 : i32
      %dma_start3A_93 = tpu.memref_slice %arg11[%dma_start3A, %dma_start3A_92] : memref<10112x32xf32, #tpu.memory_space<vmem_shared>> -> memref<10112x32xf32, #tpu.memory_space<vmem_shared>>
      tpu.enqueue_indirect_dma source(%arg10 : memref<128x32xf32, #tpu.memory_space<vmem>>) target(%dma_start3A_93 : memref<10112x32xf32, #tpu.memory_space<vmem_shared>>) offsets(%arg8 : memref<128xi32, #tpu.memory_space<vmem>>) semaphore(%arg14 : memref<!tpu.dma_semaphore, #tpu.memory_space<semaphore_mem>>) {add = true}
      %dma_start3A_94 = arith.constant 0 : i32
      %dma_start3A_95 = tpu.memref_slice %arg4[%mul3A_91, %dma_start3A_94] : memref<2560x128xi32, #tpu.memory_space<hbm>> -> memref<1x128xi32, #tpu.memory_space<hbm>>
      %dma_start3A_96 = tpu.memref_squeeze %dma_start3A_95 : memref<1x128xi32, #tpu.memory_space<hbm>> -> memref<128xi32, #tpu.memory_space<hbm>>
      %dma_start3A_97 = arith.constant 0 : i32
      %dma_start3A_98 = tpu.memref_slice %arg4[%mul3A_91, %dma_start3A_97] : memref<2560x128xi32, #tpu.memory_space<hbm>> -> memref<1x128xi32, #tpu.memory_space<hbm>>
      %dma_start3A_99 = tpu.memref_squeeze %dma_start3A_98 : memref<1x128xi32, #tpu.memory_space<hbm>> -> memref<128xi32, #tpu.memory_space<hbm>>
      tpu.enqueue_dma source(%dma_start3A_99 : memref<128xi32, #tpu.memory_space<hbm>>) target(%arg7 : memref<128xi32, #tpu.memory_space<vmem>>) target_semaphore(%arg12 : memref<!tpu.dma_semaphore, #tpu.memory_space<semaphore_mem>>)
      %dma_start3A_100 = arith.constant 0 : i32
      %dma_start3A_101 = arith.constant 0 : i32
      %dma_start3A_102 = tpu.memref_slice %arg6[%dma_start3A_100, %dma_start3A_101] : memref<80x128xi32, #tpu.memory_space<vmem>> -> memref<1x128xi32, #tpu.memory_space<vmem>>
      %dma_start3A_103 = tpu.memref_squeeze %dma_start3A_102 : memref<1x128xi32, #tpu.memory_space<vmem>> -> memref<128xi32, #tpu.memory_space<vmem>>
      %dma_start3A_104 = arith.constant 0 : i32
      %dma_start3A_105 = arith.constant 0 : i32
      %dma_start3A_106 = tpu.memref_slice %arg2[%dma_start3A_104, %dma_start3A_105] : memref<10000x32xf32, #tpu.memory_space<hbm>> -> memref<10000x32xf32, #tpu.memory_space<hbm>>
      tpu.enqueue_indirect_dma source(%dma_start3A_106 : memref<10000x32xf32, #tpu.memory_space<hbm>>) target(%arg9 : memref<128x32xf32, #tpu.memory_space<vmem>>) offsets(%dma_start3A_103 : memref<128xi32, #tpu.memory_space<vmem>>) semaphore(%arg13 : memref<!tpu.dma_semaphore, #tpu.memory_space<semaphore_mem>>)
      %scan3A_107 = arith.constant 0 : i32
      %scan3A_108 = arith.constant 0 : i32
      %scan3A_109 = arith.constant 40 : i32
      %scan3A_110 = arith.addi %scan3A_108, %scan3A_109 : i32
      %scan3A_111 = arith.constant 1 : i32
      scf.for %scan3A_115 = %scan3A_108 to %scan3A_110 step %scan3A_111  : i32 {
        %mul3A_116 = arith.constant 2 : i32
        %mul3A_117 = arith.muli %mul3A_116, %scan3A_115 : i32
        %add3A_118 = arith.constant 0 : i32
        %add3A_119 = arith.addi %mul3A_117, %add3A_118 : i32
        %dma_wait3A_120 = arith.constant 0 : i32
        %dma_wait3A_121 = arith.constant 0 : i32
        %dma_wait3A_122 = tpu.memref_slice %arg4[%dma_wait3A_120, %dma_wait3A_121] : memref<2560x128xi32, #tpu.memory_space<hbm>> -> memref<1x128xi32, #tpu.memory_space<hbm>>
        %dma_wait3A_123 = tpu.memref_squeeze %dma_wait3A_122 : memref<1x128xi32, #tpu.memory_space<hbm>> -> memref<128xi32, #tpu.memory_space<hbm>>
        %dma_wait3A_124 = arith.constant 0 : i32
        %dma_wait3A_125 = tpu.memref_slice %arg4[%dma_wait3A_120, %dma_wait3A_124] : memref<2560x128xi32, #tpu.memory_space<hbm>> -> memref<1x128xi32, #tpu.memory_space<hbm>>
        %dma_wait3A_126 = tpu.memref_squeeze %dma_wait3A_125 : memref<1x128xi32, #tpu.memory_space<hbm>> -> memref<128xi32, #tpu.memory_space<hbm>>
        tpu.wait_dma2 semaphore(%arg12 : memref<!tpu.dma_semaphore, #tpu.memory_space<semaphore_mem>>) src(%dma_wait3A_126 : memref<128xi32, #tpu.memory_space<hbm>>) dst(%arg7 : memref<128xi32, #tpu.memory_space<vmem>>)
        %dma_wait3A_127 = arith.constant 0 : i32
        %dma_wait3A_128 = arith.constant 0 : i32
        %dma_wait3A_129 = tpu.memref_slice %arg6[%dma_wait3A_127, %dma_wait3A_128] : memref<80x128xi32, #tpu.memory_space<vmem>> -> memref<1x128xi32, #tpu.memory_space<vmem>>
        %dma_wait3A_130 = tpu.memref_squeeze %dma_wait3A_129 : memref<1x128xi32, #tpu.memory_space<vmem>> -> memref<128xi32, #tpu.memory_space<vmem>>
        %dma_wait3A_131 = arith.constant 0 : i32
        %dma_wait3A_132 = arith.constant 0 : i32
        %dma_wait3A_133 = tpu.memref_slice %arg2[%dma_wait3A_131, %dma_wait3A_132] : memref<10000x32xf32, #tpu.memory_space<hbm>> -> memref<10000x32xf32, #tpu.memory_space<hbm>>
        tpu.wait_indirect_dma semaphore(%arg13 : memref<!tpu.dma_semaphore, #tpu.memory_space<semaphore_mem>>) src(%dma_wait3A_133 : memref<10000x32xf32, #tpu.memory_space<hbm>>) dst(%arg9 : memref<128x32xf32, #tpu.memory_space<vmem>>)
        %dma_wait3A_134 = arith.constant 0 : i32
        %dma_wait3A_135 = arith.constant 0 : i32
        %dma_wait3A_136 = tpu.memref_slice %arg11[%dma_wait3A_134, %dma_wait3A_135] : memref<10112x32xf32, #tpu.memory_space<vmem_shared>> -> memref<10112x32xf32, #tpu.memory_space<vmem_shared>>
        tpu.wait_indirect_dma semaphore(%arg14 : memref<!tpu.dma_semaphore, #tpu.memory_space<semaphore_mem>>) src(%arg9 : memref<128x32xf32, #tpu.memory_space<vmem>>) dst(%dma_wait3A_136 : memref<10112x32xf32, #tpu.memory_space<vmem_shared>>)
        %dma_start3A_137 = arith.constant 0 : i32
        %dma_start3A_138 = arith.constant 0 : i32
        %dma_start3A_139 = tpu.memref_slice %arg11[%dma_start3A_137, %dma_start3A_138] : memref<10112x32xf32, #tpu.memory_space<vmem_shared>> -> memref<10112x32xf32, #tpu.memory_space<vmem_shared>>
        tpu.enqueue_indirect_dma source(%arg9 : memref<128x32xf32, #tpu.memory_space<vmem>>) target(%dma_start3A_139 : memref<10112x32xf32, #tpu.memory_space<vmem_shared>>) offsets(%arg7 : memref<128xi32, #tpu.memory_space<vmem>>) semaphore(%arg14 : memref<!tpu.dma_semaphore, #tpu.memory_space<semaphore_mem>>) {add = true}
        %add3A_140 = arith.addi %mul3A_91, %add3A_119 : i32
        %add3A_141 = arith.constant 1 : i32
        %add3A_142 = arith.addi %add3A_140, %add3A_141 : i32
        %dma_start3A_143 = arith.constant 0 : i32
        %dma_start3A_144 = tpu.memref_slice %arg4[%add3A_142, %dma_start3A_143] : memref<2560x128xi32, #tpu.memory_space<hbm>> -> memref<1x128xi32, #tpu.memory_space<hbm>>
        %dma_start3A_145 = tpu.memref_squeeze %dma_start3A_144 : memref<1x128xi32, #tpu.memory_space<hbm>> -> memref<128xi32, #tpu.memory_space<hbm>>
        %dma_start3A_146 = arith.constant 0 : i32
        %dma_start3A_147 = tpu.memref_slice %arg4[%add3A_142, %dma_start3A_146] : memref<2560x128xi32, #tpu.memory_space<hbm>> -> memref<1x128xi32, #tpu.memory_space<hbm>>
        %dma_start3A_148 = tpu.memref_squeeze %dma_start3A_147 : memref<1x128xi32, #tpu.memory_space<hbm>> -> memref<128xi32, #tpu.memory_space<hbm>>
        tpu.enqueue_dma source(%dma_start3A_148 : memref<128xi32, #tpu.memory_space<hbm>>) target(%arg8 : memref<128xi32, #tpu.memory_space<vmem>>) target_semaphore(%arg12 : memref<!tpu.dma_semaphore, #tpu.memory_space<semaphore_mem>>)
        %add3A_149 = arith.constant 1 : i32
        %add3A_150 = arith.addi %add3A_119, %add3A_149 : i32
        %dma_start3A_151 = arith.constant 0 : i32
        %dma_start3A_152 = tpu.memref_slice %arg6[%add3A_150, %dma_start3A_151] : memref<80x128xi32, #tpu.memory_space<vmem>> -> memref<1x128xi32, #tpu.memory_space<vmem>>
        %dma_start3A_153 = tpu.memref_squeeze %dma_start3A_152 : memref<1x128xi32, #tpu.memory_space<vmem>> -> memref<128xi32, #tpu.memory_space<vmem>>
        %dma_start3A_154 = arith.constant 0 : i32
        %dma_start3A_155 = arith.constant 0 : i32
        %dma_start3A_156 = tpu.memref_slice %arg2[%dma_start3A_154, %dma_start3A_155] : memref<10000x32xf32, #tpu.memory_space<hbm>> -> memref<10000x32xf32, #tpu.memory_space<hbm>>
        tpu.enqueue_indirect_dma source(%dma_start3A_156 : memref<10000x32xf32, #tpu.memory_space<hbm>>) target(%arg10 : memref<128x32xf32, #tpu.memory_space<vmem>>) offsets(%dma_start3A_153 : memref<128xi32, #tpu.memory_space<vmem>>) semaphore(%arg13 : memref<!tpu.dma_semaphore, #tpu.memory_space<semaphore_mem>>)
        %mul3A_157 = arith.constant 2 : i32
        %mul3A_158 = arith.muli %mul3A_157, %scan3A_115 : i32
        %add3A_159 = arith.constant 1 : i32
        %add3A_160 = arith.addi %mul3A_158, %add3A_159 : i32
        %dma_wait3A_161 = arith.constant 0 : i32
        %dma_wait3A_162 = arith.constant 0 : i32
        %dma_wait3A_163 = tpu.memref_slice %arg4[%dma_wait3A_161, %dma_wait3A_162] : memref<2560x128xi32, #tpu.memory_space<hbm>> -> memref<1x128xi32, #tpu.memory_space<hbm>>
        %dma_wait3A_164 = tpu.memref_squeeze %dma_wait3A_163 : memref<1x128xi32, #tpu.memory_space<hbm>> -> memref<128xi32, #tpu.memory_space<hbm>>
        %dma_wait3A_165 = arith.constant 0 : i32
        %dma_wait3A_166 = tpu.memref_slice %arg4[%dma_wait3A_161, %dma_wait3A_165] : memref<2560x128xi32, #tpu.memory_space<hbm>> -> memref<1x128xi32, #tpu.memory_space<hbm>>
        %dma_wait3A_167 = tpu.memref_squeeze %dma_wait3A_166 : memref<1x128xi32, #tpu.memory_space<hbm>> -> memref<128xi32, #tpu.memory_space<hbm>>
        tpu.wait_dma2 semaphore(%arg12 : memref<!tpu.dma_semaphore, #tpu.memory_space<semaphore_mem>>) src(%dma_wait3A_167 : memref<128xi32, #tpu.memory_space<hbm>>) dst(%arg8 : memref<128xi32, #tpu.memory_space<vmem>>)
        %dma_wait3A_168 = arith.constant 0 : i32
        %dma_wait3A_169 = arith.constant 0 : i32
        %dma_wait3A_170 = tpu.memref_slice %arg6[%dma_wait3A_168, %dma_wait3A_169] : memref<80x128xi32, #tpu.memory_space<vmem>> -> memref<1x128xi32, #tpu.memory_space<vmem>>
        %dma_wait3A_171 = tpu.memref_squeeze %dma_wait3A_170 : memref<1x128xi32, #tpu.memory_space<vmem>> -> memref<128xi32, #tpu.memory_space<vmem>>
        %dma_wait3A_172 = arith.constant 0 : i32
        %dma_wait3A_173 = arith.constant 0 : i32
        %dma_wait3A_174 = tpu.memref_slice %arg2[%dma_wait3A_172, %dma_wait3A_173] : memref<10000x32xf32, #tpu.memory_space<hbm>> -> memref<10000x32xf32, #tpu.memory_space<hbm>>
        tpu.wait_indirect_dma semaphore(%arg13 : memref<!tpu.dma_semaphore, #tpu.memory_space<semaphore_mem>>) src(%dma_wait3A_174 : memref<10000x32xf32, #tpu.memory_space<hbm>>) dst(%arg10 : memref<128x32xf32, #tpu.memory_space<vmem>>)
        %dma_wait3A_175 = arith.constant 0 : i32
        %dma_wait3A_176 = arith.constant 0 : i32
        %dma_wait3A_177 = tpu.memref_slice %arg11[%dma_wait3A_175, %dma_wait3A_176] : memref<10112x32xf32, #tpu.memory_space<vmem_shared>> -> memref<10112x32xf32, #tpu.memory_space<vmem_shared>>
        tpu.wait_indirect_dma semaphore(%arg14 : memref<!tpu.dma_semaphore, #tpu.memory_space<semaphore_mem>>) src(%arg10 : memref<128x32xf32, #tpu.memory_space<vmem>>) dst(%dma_wait3A_177 : memref<10112x32xf32, #tpu.memory_space<vmem_shared>>)
        %dma_start3A_178 = arith.constant 0 : i32
        %dma_start3A_179 = arith.constant 0 : i32
        %dma_start3A_180 = tpu.memref_slice %arg11[%dma_start3A_178, %dma_start3A_179] : memref<10112x32xf32, #tpu.memory_space<vmem_shared>> -> memref<10112x32xf32, #tpu.memory_space<vmem_shared>>
        tpu.enqueue_indirect_dma source(%arg10 : memref<128x32xf32, #tpu.memory_space<vmem>>) target(%dma_start3A_180 : memref<10112x32xf32, #tpu.memory_space<vmem_shared>>) offsets(%arg8 : memref<128xi32, #tpu.memory_space<vmem>>) semaphore(%arg14 : memref<!tpu.dma_semaphore, #tpu.memory_space<semaphore_mem>>) {add = true}
        %lt3A = arith.constant 39 : i32
        %lt3A_181 = arith.cmpi slt, %scan3A_115, %lt3A : i32
        %convert_element_type3A_182 = arith.extui %lt3A_181 : i1 to i32
        %cond3A_183 = arith.constant 0 : i32
        %cond3A_184 = arith.cmpi ne, %convert_element_type3A_182, %cond3A_183 : i32
        scf.if %cond3A_184 {
          %add3A_185 = arith.addi %mul3A_91, %add3A_160 : i32
          %add3A_186 = arith.constant 1 : i32
          %add3A_187 = arith.addi %add3A_185, %add3A_186 : i32
          %dma_start3A_188 = arith.constant 0 : i32
          %dma_start3A_189 = tpu.memref_slice %arg4[%add3A_187, %dma_start3A_188] : memref<2560x128xi32, #tpu.memory_space<hbm>> -> memref<1x128xi32, #tpu.memory_space<hbm>>
          %dma_start3A_190 = tpu.memref_squeeze %dma_start3A_189 : memref<1x128xi32, #tpu.memory_space<hbm>> -> memref<128xi32, #tpu.memory_space<hbm>>
          %dma_start3A_191 = arith.constant 0 : i32
          %dma_start3A_192 = tpu.memref_slice %arg4[%add3A_187, %dma_start3A_191] : memref<2560x128xi32, #tpu.memory_space<hbm>> -> memref<1x128xi32, #tpu.memory_space<hbm>>
          %dma_start3A_193 = tpu.memref_squeeze %dma_start3A_192 : memref<1x128xi32, #tpu.memory_space<hbm>> -> memref<128xi32, #tpu.memory_space<hbm>>
          tpu.enqueue_dma source(%dma_start3A_193 : memref<128xi32, #tpu.memory_space<hbm>>) target(%arg7 : memref<128xi32, #tpu.memory_space<vmem>>) target_semaphore(%arg12 : memref<!tpu.dma_semaphore, #tpu.memory_space<semaphore_mem>>)
          %add3A_194 = arith.constant 1 : i32
          %add3A_195 = arith.addi %add3A_160, %add3A_194 : i32
          %dma_start3A_196 = arith.constant 0 : i32
          %dma_start3A_197 = tpu.memref_slice %arg6[%add3A_195, %dma_start3A_196] : memref<80x128xi32, #tpu.memory_space<vmem>> -> memref<1x128xi32, #tpu.memory_space<vmem>>
          %dma_start3A_198 = tpu.memref_squeeze %dma_start3A_197 : memref<1x128xi32, #tpu.memory_space<vmem>> -> memref<128xi32, #tpu.memory_space<vmem>>
          %dma_start3A_199 = arith.constant 0 : i32
          %dma_start3A_200 = arith.constant 0 : i32
          %dma_start3A_201 = tpu.memref_slice %arg2[%dma_start3A_199, %dma_start3A_200] : memref<10000x32xf32, #tpu.memory_space<hbm>> -> memref<10000x32xf32, #tpu.memory_space<hbm>>
          tpu.enqueue_indirect_dma source(%dma_start3A_201 : memref<10000x32xf32, #tpu.memory_space<hbm>>) target(%arg9 : memref<128x32xf32, #tpu.memory_space<vmem>>) offsets(%dma_start3A_198 : memref<128xi32, #tpu.memory_space<vmem>>) semaphore(%arg13 : memref<!tpu.dma_semaphore, #tpu.memory_space<semaphore_mem>>)
        } else {
        }
      }
      %scan3A_112 = arith.constant 40 : i32
      %dma_wait3A = arith.constant 0 : i32
      %dma_wait3A_113 = arith.constant 0 : i32
      %dma_wait3A_114 = tpu.memref_slice %arg11[%dma_wait3A, %dma_wait3A_113] : memref<10112x32xf32, #tpu.memory_space<vmem_shared>> -> memref<10112x32xf32, #tpu.memory_space<vmem_shared>>
      tpu.wait_indirect_dma semaphore(%arg14 : memref<!tpu.dma_semaphore, #tpu.memory_space<semaphore_mem>>) src(%arg9 : memref<128x32xf32, #tpu.memory_space<vmem>>) dst(%dma_wait3A_114 : memref<10112x32xf32, #tpu.memory_space<vmem_shared>>)
    } else {
    }
    %eq3A_44 = arith.constant 1 : i32
    %eq3A_45 = arith.cmpi eq, %arg0, %eq3A_44 : i32
    %convert_element_type3A_46 = arith.extui %eq3A_45 : i1 to i32
    %cond3A_47 = arith.constant 0 : i32
    %cond3A_48 = arith.cmpi ne, %convert_element_type3A_46, %cond3A_47 : i32
    scf.if %cond3A_48 {
      %mul3A_90 = arith.constant 80 : i32
      %mul3A_91 = arith.muli %arg1, %mul3A_90 : i32
      %add3A_92 = arith.constant 1280 : i32
      %add3A_93 = arith.addi %add3A_92, %mul3A_91 : i32
      "tpu.region"() ({
        %run_scoped3A = tpu.sem_alloc : memref<!tpu.dma_semaphore, #tpu.memory_space<semaphore_mem>>
        %dma_start3A_117 = arith.constant 0 : i32
        %dma_start3A_118 = arith.constant 0 : i32
        %dma_start3A_119 = tpu.memref_slice %arg6[%dma_start3A_117, %dma_start3A_118] : memref<80x128xi32, #tpu.memory_space<vmem>> -> memref<80x128xi32, #tpu.memory_space<vmem>>
        %dma_start3A_120 = arith.constant 0 : i32
        %dma_start3A_121 = tpu.memref_slice %arg3[%add3A_93, %dma_start3A_120] : memref<2560x128xi32, #tpu.memory_space<hbm>> -> memref<80x128xi32, #tpu.memory_space<hbm>>
        %dma_start3A_122 = arith.constant 0 : i32
        %dma_start3A_123 = arith.constant 0 : i32
        %dma_start3A_124 = tpu.memref_slice %arg6[%dma_start3A_122, %dma_start3A_123] : memref<80x128xi32, #tpu.memory_space<vmem>> -> memref<80x128xi32, #tpu.memory_space<vmem>>
        %dma_start3A_125 = arith.constant 0 : i32
        %dma_start3A_126 = tpu.memref_slice %arg3[%add3A_93, %dma_start3A_125] : memref<2560x128xi32, #tpu.memory_space<hbm>> -> memref<80x128xi32, #tpu.memory_space<hbm>>
        tpu.enqueue_dma source(%dma_start3A_126 : memref<80x128xi32, #tpu.memory_space<hbm>>) target(%dma_start3A_124 : memref<80x128xi32, #tpu.memory_space<vmem>>) target_semaphore(%run_scoped3A : memref<!tpu.dma_semaphore, #tpu.memory_space<semaphore_mem>>)
        %dma_wait3A_127 = arith.constant 0 : i32
        %dma_wait3A_128 = arith.constant 0 : i32
        %dma_wait3A_129 = tpu.memref_slice %arg6[%dma_wait3A_127, %dma_wait3A_128] : memref<80x128xi32, #tpu.memory_space<vmem>> -> memref<80x128xi32, #tpu.memory_space<vmem>>
        %dma_wait3A_130 = arith.constant 0 : i32
        %dma_wait3A_131 = tpu.memref_slice %arg3[%add3A_93, %dma_wait3A_130] : memref<2560x128xi32, #tpu.memory_space<hbm>> -> memref<80x128xi32, #tpu.memory_space<hbm>>
        %dma_wait3A_132 = arith.constant 0 : i32
        %dma_wait3A_133 = arith.constant 0 : i32
        %dma_wait3A_134 = tpu.memref_slice %arg6[%dma_wait3A_132, %dma_wait3A_133] : memref<80x128xi32, #tpu.memory_space<vmem>> -> memref<80x128xi32, #tpu.memory_space<vmem>>
        %dma_wait3A_135 = arith.constant 0 : i32
        %dma_wait3A_136 = tpu.memref_slice %arg3[%add3A_93, %dma_wait3A_135] : memref<2560x128xi32, #tpu.memory_space<hbm>> -> memref<80x128xi32, #tpu.memory_space<hbm>>
        tpu.wait_dma2 semaphore(%run_scoped3A : memref<!tpu.dma_semaphore, #tpu.memory_space<semaphore_mem>>) src(%dma_wait3A_136 : memref<80x128xi32, #tpu.memory_space<hbm>>) dst(%dma_wait3A_134 : memref<80x128xi32, #tpu.memory_space<vmem>>)
        tpu.yield
      }) : () -> ()
      %dma_start3A = arith.constant 0 : i32
      %dma_start3A_94 = arith.constant 0 : i32
      %dma_start3A_95 = tpu.memref_slice %arg11[%dma_start3A, %dma_start3A_94] : memref<10112x32xf32, #tpu.memory_space<vmem_shared>> -> memref<10112x32xf32, #tpu.memory_space<vmem_shared>>
      tpu.enqueue_indirect_dma source(%arg10 : memref<128x32xf32, #tpu.memory_space<vmem>>) target(%dma_start3A_95 : memref<10112x32xf32, #tpu.memory_space<vmem_shared>>) offsets(%arg8 : memref<128xi32, #tpu.memory_space<vmem>>) semaphore(%arg14 : memref<!tpu.dma_semaphore, #tpu.memory_space<semaphore_mem>>) {add = true}
      %dma_start3A_96 = arith.constant 0 : i32
      %dma_start3A_97 = tpu.memref_slice %arg4[%add3A_93, %dma_start3A_96] : memref<2560x128xi32, #tpu.memory_space<hbm>> -> memref<1x128xi32, #tpu.memory_space<hbm>>
      %dma_start3A_98 = tpu.memref_squeeze %dma_start3A_97 : memref<1x128xi32, #tpu.memory_space<hbm>> -> memref<128xi32, #tpu.memory_space<hbm>>
      %dma_start3A_99 = arith.constant 0 : i32
      %dma_start3A_100 = tpu.memref_slice %arg4[%add3A_93, %dma_start3A_99] : memref<2560x128xi32, #tpu.memory_space<hbm>> -> memref<1x128xi32, #tpu.memory_space<hbm>>
      %dma_start3A_101 = tpu.memref_squeeze %dma_start3A_100 : memref<1x128xi32, #tpu.memory_space<hbm>> -> memref<128xi32, #tpu.memory_space<hbm>>
      tpu.enqueue_dma source(%dma_start3A_101 : memref<128xi32, #tpu.memory_space<hbm>>) target(%arg7 : memref<128xi32, #tpu.memory_space<vmem>>) target_semaphore(%arg12 : memref<!tpu.dma_semaphore, #tpu.memory_space<semaphore_mem>>)
      %dma_start3A_102 = arith.constant 0 : i32
      %dma_start3A_103 = arith.constant 0 : i32
      %dma_start3A_104 = tpu.memref_slice %arg6[%dma_start3A_102, %dma_start3A_103] : memref<80x128xi32, #tpu.memory_space<vmem>> -> memref<1x128xi32, #tpu.memory_space<vmem>>
      %dma_start3A_105 = tpu.memref_squeeze %dma_start3A_104 : memref<1x128xi32, #tpu.memory_space<vmem>> -> memref<128xi32, #tpu.memory_space<vmem>>
      %dma_start3A_106 = arith.constant 0 : i32
      %dma_start3A_107 = arith.constant 0 : i32
      %dma_start3A_108 = tpu.memref_slice %arg2[%dma_start3A_106, %dma_start3A_107] : memref<10000x32xf32, #tpu.memory_space<hbm>> -> memref<10000x32xf32, #tpu.memory_space<hbm>>
      tpu.enqueue_indirect_dma source(%dma_start3A_108 : memref<10000x32xf32, #tpu.memory_space<hbm>>) target(%arg9 : memref<128x32xf32, #tpu.memory_space<vmem>>) offsets(%dma_start3A_105 : memref<128xi32, #tpu.memory_space<vmem>>) semaphore(%arg13 : memref<!tpu.dma_semaphore, #tpu.memory_space<semaphore_mem>>)
      %scan3A_109 = arith.constant 0 : i32
      %scan3A_110 = arith.constant 0 : i32
      %scan3A_111 = arith.constant 40 : i32
      %scan3A_112 = arith.addi %scan3A_110, %scan3A_111 : i32
      %scan3A_113 = arith.constant 1 : i32
      scf.for %scan3A_117 = %scan3A_110 to %scan3A_112 step %scan3A_113  : i32 {
        %mul3A_118 = arith.constant 2 : i32
        %mul3A_119 = arith.muli %mul3A_118, %scan3A_117 : i32
        %add3A_120 = arith.constant 0 : i32
        %add3A_121 = arith.addi %mul3A_119, %add3A_120 : i32
        %dma_wait3A_122 = arith.constant 0 : i32
        %dma_wait3A_123 = arith.constant 0 : i32
        %dma_wait3A_124 = tpu.memref_slice %arg4[%dma_wait3A_122, %dma_wait3A_123] : memref<2560x128xi32, #tpu.memory_space<hbm>> -> memref<1x128xi32, #tpu.memory_space<hbm>>
        %dma_wait3A_125 = tpu.memref_squeeze %dma_wait3A_124 : memref<1x128xi32, #tpu.memory_space<hbm>> -> memref<128xi32, #tpu.memory_space<hbm>>
        %dma_wait3A_126 = arith.constant 0 : i32
        %dma_wait3A_127 = tpu.memref_slice %arg4[%dma_wait3A_122, %dma_wait3A_126] : memref<2560x128xi32, #tpu.memory_space<hbm>> -> memref<1x128xi32, #tpu.memory_space<hbm>>
        %dma_wait3A_128 = tpu.memref_squeeze %dma_wait3A_127 : memref<1x128xi32, #tpu.memory_space<hbm>> -> memref<128xi32, #tpu.memory_space<hbm>>
        tpu.wait_dma2 semaphore(%arg12 : memref<!tpu.dma_semaphore, #tpu.memory_space<semaphore_mem>>) src(%dma_wait3A_128 : memref<128xi32, #tpu.memory_space<hbm>>) dst(%arg7 : memref<128xi32, #tpu.memory_space<vmem>>)
        %dma_wait3A_129 = arith.constant 0 : i32
        %dma_wait3A_130 = arith.constant 0 : i32
        %dma_wait3A_131 = tpu.memref_slice %arg6[%dma_wait3A_129, %dma_wait3A_130] : memref<80x128xi32, #tpu.memory_space<vmem>> -> memref<1x128xi32, #tpu.memory_space<vmem>>
        %dma_wait3A_132 = tpu.memref_squeeze %dma_wait3A_131 : memref<1x128xi32, #tpu.memory_space<vmem>> -> memref<128xi32, #tpu.memory_space<vmem>>
        %dma_wait3A_133 = arith.constant 0 : i32
        %dma_wait3A_134 = arith.constant 0 : i32
        %dma_wait3A_135 = tpu.memref_slice %arg2[%dma_wait3A_133, %dma_wait3A_134] : memref<10000x32xf32, #tpu.memory_space<hbm>> -> memref<10000x32xf32, #tpu.memory_space<hbm>>
        tpu.wait_indirect_dma semaphore(%arg13 : memref<!tpu.dma_semaphore, #tpu.memory_space<semaphore_mem>>) src(%dma_wait3A_135 : memref<10000x32xf32, #tpu.memory_space<hbm>>) dst(%arg9 : memref<128x32xf32, #tpu.memory_space<vmem>>)
        %dma_wait3A_136 = arith.constant 0 : i32
        %dma_wait3A_137 = arith.constant 0 : i32
        %dma_wait3A_138 = tpu.memref_slice %arg11[%dma_wait3A_136, %dma_wait3A_137] : memref<10112x32xf32, #tpu.memory_space<vmem_shared>> -> memref<10112x32xf32, #tpu.memory_space<vmem_shared>>
        tpu.wait_indirect_dma semaphore(%arg14 : memref<!tpu.dma_semaphore, #tpu.memory_space<semaphore_mem>>) src(%arg9 : memref<128x32xf32, #tpu.memory_space<vmem>>) dst(%dma_wait3A_138 : memref<10112x32xf32, #tpu.memory_space<vmem_shared>>)
        %dma_start3A_139 = arith.constant 0 : i32
        %dma_start3A_140 = arith.constant 0 : i32
        %dma_start3A_141 = tpu.memref_slice %arg11[%dma_start3A_139, %dma_start3A_140] : memref<10112x32xf32, #tpu.memory_space<vmem_shared>> -> memref<10112x32xf32, #tpu.memory_space<vmem_shared>>
        tpu.enqueue_indirect_dma source(%arg9 : memref<128x32xf32, #tpu.memory_space<vmem>>) target(%dma_start3A_141 : memref<10112x32xf32, #tpu.memory_space<vmem_shared>>) offsets(%arg7 : memref<128xi32, #tpu.memory_space<vmem>>) semaphore(%arg14 : memref<!tpu.dma_semaphore, #tpu.memory_space<semaphore_mem>>) {add = true}
        %add3A_142 = arith.addi %add3A_93, %add3A_121 : i32
        %add3A_143 = arith.constant 1 : i32
        %add3A_144 = arith.addi %add3A_142, %add3A_143 : i32
        %dma_start3A_145 = arith.constant 0 : i32
        %dma_start3A_146 = tpu.memref_slice %arg4[%add3A_144, %dma_start3A_145] : memref<2560x128xi32, #tpu.memory_space<hbm>> -> memref<1x128xi32, #tpu.memory_space<hbm>>
        %dma_start3A_147 = tpu.memref_squeeze %dma_start3A_146 : memref<1x128xi32, #tpu.memory_space<hbm>> -> memref<128xi32, #tpu.memory_space<hbm>>
        %dma_start3A_148 = arith.constant 0 : i32
        %dma_start3A_149 = tpu.memref_slice %arg4[%add3A_144, %dma_start3A_148] : memref<2560x128xi32, #tpu.memory_space<hbm>> -> memref<1x128xi32, #tpu.memory_space<hbm>>
        %dma_start3A_150 = tpu.memref_squeeze %dma_start3A_149 : memref<1x128xi32, #tpu.memory_space<hbm>> -> memref<128xi32, #tpu.memory_space<hbm>>
        tpu.enqueue_dma source(%dma_start3A_150 : memref<128xi32, #tpu.memory_space<hbm>>) target(%arg8 : memref<128xi32, #tpu.memory_space<vmem>>) target_semaphore(%arg12 : memref<!tpu.dma_semaphore, #tpu.memory_space<semaphore_mem>>)
        %add3A_151 = arith.constant 1 : i32
        %add3A_152 = arith.addi %add3A_121, %add3A_151 : i32
        %dma_start3A_153 = arith.constant 0 : i32
        %dma_start3A_154 = tpu.memref_slice %arg6[%add3A_152, %dma_start3A_153] : memref<80x128xi32, #tpu.memory_space<vmem>> -> memref<1x128xi32, #tpu.memory_space<vmem>>
        %dma_start3A_155 = tpu.memref_squeeze %dma_start3A_154 : memref<1x128xi32, #tpu.memory_space<vmem>> -> memref<128xi32, #tpu.memory_space<vmem>>
        %dma_start3A_156 = arith.constant 0 : i32
        %dma_start3A_157 = arith.constant 0 : i32
        %dma_start3A_158 = tpu.memref_slice %arg2[%dma_start3A_156, %dma_start3A_157] : memref<10000x32xf32, #tpu.memory_space<hbm>> -> memref<10000x32xf32, #tpu.memory_space<hbm>>
        tpu.enqueue_indirect_dma source(%dma_start3A_158 : memref<10000x32xf32, #tpu.memory_space<hbm>>) target(%arg10 : memref<128x32xf32, #tpu.memory_space<vmem>>) offsets(%dma_start3A_155 : memref<128xi32, #tpu.memory_space<vmem>>) semaphore(%arg13 : memref<!tpu.dma_semaphore, #tpu.memory_space<semaphore_mem>>)
        %mul3A_159 = arith.constant 2 : i32
        %mul3A_160 = arith.muli %mul3A_159, %scan3A_117 : i32
        %add3A_161 = arith.constant 1 : i32
        %add3A_162 = arith.addi %mul3A_160, %add3A_161 : i32
        %dma_wait3A_163 = arith.constant 0 : i32
        %dma_wait3A_164 = arith.constant 0 : i32
        %dma_wait3A_165 = tpu.memref_slice %arg4[%dma_wait3A_163, %dma_wait3A_164] : memref<2560x128xi32, #tpu.memory_space<hbm>> -> memref<1x128xi32, #tpu.memory_space<hbm>>
        %dma_wait3A_166 = tpu.memref_squeeze %dma_wait3A_165 : memref<1x128xi32, #tpu.memory_space<hbm>> -> memref<128xi32, #tpu.memory_space<hbm>>
        %dma_wait3A_167 = arith.constant 0 : i32
        %dma_wait3A_168 = tpu.memref_slice %arg4[%dma_wait3A_163, %dma_wait3A_167] : memref<2560x128xi32, #tpu.memory_space<hbm>> -> memref<1x128xi32, #tpu.memory_space<hbm>>
        %dma_wait3A_169 = tpu.memref_squeeze %dma_wait3A_168 : memref<1x128xi32, #tpu.memory_space<hbm>> -> memref<128xi32, #tpu.memory_space<hbm>>
        tpu.wait_dma2 semaphore(%arg12 : memref<!tpu.dma_semaphore, #tpu.memory_space<semaphore_mem>>) src(%dma_wait3A_169 : memref<128xi32, #tpu.memory_space<hbm>>) dst(%arg8 : memref<128xi32, #tpu.memory_space<vmem>>)
        %dma_wait3A_170 = arith.constant 0 : i32
        %dma_wait3A_171 = arith.constant 0 : i32
        %dma_wait3A_172 = tpu.memref_slice %arg6[%dma_wait3A_170, %dma_wait3A_171] : memref<80x128xi32, #tpu.memory_space<vmem>> -> memref<1x128xi32, #tpu.memory_space<vmem>>
        %dma_wait3A_173 = tpu.memref_squeeze %dma_wait3A_172 : memref<1x128xi32, #tpu.memory_space<vmem>> -> memref<128xi32, #tpu.memory_space<vmem>>
        %dma_wait3A_174 = arith.constant 0 : i32
        %dma_wait3A_175 = arith.constant 0 : i32
        %dma_wait3A_176 = tpu.memref_slice %arg2[%dma_wait3A_174, %dma_wait3A_175] : memref<10000x32xf32, #tpu.memory_space<hbm>> -> memref<10000x32xf32, #tpu.memory_space<hbm>>
        tpu.wait_indirect_dma semaphore(%arg13 : memref<!tpu.dma_semaphore, #tpu.memory_space<semaphore_mem>>) src(%dma_wait3A_176 : memref<10000x32xf32, #tpu.memory_space<hbm>>) dst(%arg10 : memref<128x32xf32, #tpu.memory_space<vmem>>)
        %dma_wait3A_177 = arith.constant 0 : i32
        %dma_wait3A_178 = arith.constant 0 : i32
        %dma_wait3A_179 = tpu.memref_slice %arg11[%dma_wait3A_177, %dma_wait3A_178] : memref<10112x32xf32, #tpu.memory_space<vmem_shared>> -> memref<10112x32xf32, #tpu.memory_space<vmem_shared>>
        tpu.wait_indirect_dma semaphore(%arg14 : memref<!tpu.dma_semaphore, #tpu.memory_space<semaphore_mem>>) src(%arg10 : memref<128x32xf32, #tpu.memory_space<vmem>>) dst(%dma_wait3A_179 : memref<10112x32xf32, #tpu.memory_space<vmem_shared>>)
        %dma_start3A_180 = arith.constant 0 : i32
        %dma_start3A_181 = arith.constant 0 : i32
        %dma_start3A_182 = tpu.memref_slice %arg11[%dma_start3A_180, %dma_start3A_181] : memref<10112x32xf32, #tpu.memory_space<vmem_shared>> -> memref<10112x32xf32, #tpu.memory_space<vmem_shared>>
        tpu.enqueue_indirect_dma source(%arg10 : memref<128x32xf32, #tpu.memory_space<vmem>>) target(%dma_start3A_182 : memref<10112x32xf32, #tpu.memory_space<vmem_shared>>) offsets(%arg8 : memref<128xi32, #tpu.memory_space<vmem>>) semaphore(%arg14 : memref<!tpu.dma_semaphore, #tpu.memory_space<semaphore_mem>>) {add = true}
        %lt3A = arith.constant 39 : i32
        %lt3A_183 = arith.cmpi slt, %scan3A_117, %lt3A : i32
        %convert_element_type3A_184 = arith.extui %lt3A_183 : i1 to i32
        %cond3A_185 = arith.constant 0 : i32
        %cond3A_186 = arith.cmpi ne, %convert_element_type3A_184, %cond3A_185 : i32
        scf.if %cond3A_186 {
          %add3A_187 = arith.addi %add3A_93, %add3A_162 : i32
          %add3A_188 = arith.constant 1 : i32
          %add3A_189 = arith.addi %add3A_187, %add3A_188 : i32
          %dma_start3A_190 = arith.constant 0 : i32
          %dma_start3A_191 = tpu.memref_slice %arg4[%add3A_189, %dma_start3A_190] : memref<2560x128xi32, #tpu.memory_space<hbm>> -> memref<1x128xi32, #tpu.memory_space<hbm>>
          %dma_start3A_192 = tpu.memref_squeeze %dma_start3A_191 : memref<1x128xi32, #tpu.memory_space<hbm>> -> memref<128xi32, #tpu.memory_space<hbm>>
          %dma_start3A_193 = arith.constant 0 : i32
          %dma_start3A_194 = tpu.memref_slice %arg4[%add3A_189, %dma_start3A_193] : memref<2560x128xi32, #tpu.memory_space<hbm>> -> memref<1x128xi32, #tpu.memory_space<hbm>>
          %dma_start3A_195 = tpu.memref_squeeze %dma_start3A_194 : memref<1x128xi32, #tpu.memory_space<hbm>> -> memref<128xi32, #tpu.memory_space<hbm>>
          tpu.enqueue_dma source(%dma_start3A_195 : memref<128xi32, #tpu.memory_space<hbm>>) target(%arg7 : memref<128xi32, #tpu.memory_space<vmem>>) target_semaphore(%arg12 : memref<!tpu.dma_semaphore, #tpu.memory_space<semaphore_mem>>)
          %add3A_196 = arith.constant 1 : i32
          %add3A_197 = arith.addi %add3A_162, %add3A_196 : i32
          %dma_start3A_198 = arith.constant 0 : i32
          %dma_start3A_199 = tpu.memref_slice %arg6[%add3A_197, %dma_start3A_198] : memref<80x128xi32, #tpu.memory_space<vmem>> -> memref<1x128xi32, #tpu.memory_space<vmem>>
          %dma_start3A_200 = tpu.memref_squeeze %dma_start3A_199 : memref<1x128xi32, #tpu.memory_space<vmem>> -> memref<128xi32, #tpu.memory_space<vmem>>
          %dma_start3A_201 = arith.constant 0 : i32
          %dma_start3A_202 = arith.constant 0 : i32
          %dma_start3A_203 = tpu.memref_slice %arg2[%dma_start3A_201, %dma_start3A_202] : memref<10000x32xf32, #tpu.memory_space<hbm>> -> memref<10000x32xf32, #tpu.memory_space<hbm>>
          tpu.enqueue_indirect_dma source(%dma_start3A_203 : memref<10000x32xf32, #tpu.memory_space<hbm>>) target(%arg9 : memref<128x32xf32, #tpu.memory_space<vmem>>) offsets(%dma_start3A_200 : memref<128xi32, #tpu.memory_space<vmem>>) semaphore(%arg13 : memref<!tpu.dma_semaphore, #tpu.memory_space<semaphore_mem>>)
        } else {
        }
      }
      %scan3A_114 = arith.constant 40 : i32
      %dma_wait3A = arith.constant 0 : i32
      %dma_wait3A_115 = arith.constant 0 : i32
      %dma_wait3A_116 = tpu.memref_slice %arg11[%dma_wait3A, %dma_wait3A_115] : memref<10112x32xf32, #tpu.memory_space<vmem_shared>> -> memref<10112x32xf32, #tpu.memory_space<vmem_shared>>
      tpu.wait_indirect_dma semaphore(%arg14 : memref<!tpu.dma_semaphore, #tpu.memory_space<semaphore_mem>>) src(%arg9 : memref<128x32xf32, #tpu.memory_space<vmem>>) dst(%dma_wait3A_116 : memref<10112x32xf32, #tpu.memory_space<vmem_shared>>)
    } else {
    }
    %barrier3A_49 = arith.constant 0 : index
    tpu.barrier barrier_id(%barrier3A_49)
    "tpu.trace_stop"() : () -> ()
    "tpu.trace_start"() <{level = 10 : i32, message = "ph_out"}> : () -> ()
    %mul3A_50 = arith.constant 632 : i32
    %mul3A_51 = arith.muli %arg1, %mul3A_50 : i32
    %add3A_52 = arith.constant 0 : i32
    %add3A_53 = arith.addi %mul3A_51, %add3A_52 : i32
    "tpu.region"() ({
      %run_scoped3A = tpu.sem_alloc : memref<!tpu.dma_semaphore, #tpu.memory_space<semaphore_mem>>
      %dma_start3A = arith.constant 0 : i32
      %dma_start3A_90 = tpu.memref_slice %arg11[%add3A_53, %dma_start3A] : memref<10112x32xf32, #tpu.memory_space<vmem_shared>> -> memref<128x32xf32, #tpu.memory_space<vmem_shared>>
      %dma_start3A_91 = arith.constant 0 : i32
      %dma_start3A_92 = tpu.memref_slice %arg11[%add3A_53, %dma_start3A_91] : memref<10112x32xf32, #tpu.memory_space<vmem_shared>> -> memref<128x32xf32, #tpu.memory_space<vmem_shared>>
      tpu.enqueue_dma source(%dma_start3A_92 : memref<128x32xf32, #tpu.memory_space<vmem_shared>>) target(%arg9 : memref<128x32xf32, #tpu.memory_space<vmem>>) target_semaphore(%run_scoped3A : memref<!tpu.dma_semaphore, #tpu.memory_space<semaphore_mem>>)
      %dma_wait3A = arith.constant 0 : i32
      %dma_wait3A_93 = tpu.memref_slice %arg11[%add3A_53, %dma_wait3A] : memref<10112x32xf32, #tpu.memory_space<vmem_shared>> -> memref<128x32xf32, #tpu.memory_space<vmem_shared>>
      %dma_wait3A_94 = arith.constant 0 : i32
      %dma_wait3A_95 = tpu.memref_slice %arg11[%add3A_53, %dma_wait3A_94] : memref<10112x32xf32, #tpu.memory_space<vmem_shared>> -> memref<128x32xf32, #tpu.memory_space<vmem_shared>>
      tpu.wait_dma2 semaphore(%run_scoped3A : memref<!tpu.dma_semaphore, #tpu.memory_space<semaphore_mem>>) src(%dma_wait3A_95 : memref<128x32xf32, #tpu.memory_space<vmem_shared>>) dst(%arg9 : memref<128x32xf32, #tpu.memory_space<vmem>>)
      tpu.yield
    }) : () -> ()
    %mul3A_54 = arith.constant 632 : i32
    %mul3A_55 = arith.muli %arg1, %mul3A_54 : i32
    %add3A_56 = arith.constant 0 : i32
    %add3A_57 = arith.addi %mul3A_55, %add3A_56 : i32
    "tpu.region"() ({
      %run_scoped3A = tpu.sem_alloc : memref<!tpu.dma_semaphore, #tpu.memory_space<semaphore_mem>>
      %dma_start3A = arith.constant 0 : i32
      %dma_start3A_90 = tpu.memref_slice %arg5[%arg0, %add3A_57, %dma_start3A] : memref<2x10112x32xf32, #tpu.memory_space<hbm>> -> memref<1x128x32xf32, #tpu.memory_space<hbm>>
      %dma_start3A_91 = tpu.memref_squeeze %dma_start3A_90 : memref<1x128x32xf32, #tpu.memory_space<hbm>> -> memref<128x32xf32, #tpu.memory_space<hbm>>
      %dma_start3A_92 = arith.constant 0 : i32
      %dma_start3A_93 = tpu.memref_slice %arg5[%arg0, %add3A_57, %dma_start3A_92] : memref<2x10112x32xf32, #tpu.memory_space<hbm>> -> memref<1x128x32xf32, #tpu.memory_space<hbm>>
      %dma_start3A_94 = tpu.memref_squeeze %dma_start3A_93 : memref<1x128x32xf32, #tpu.memory_space<hbm>> -> memref<128x32xf32, #tpu.memory_space<hbm>>
      tpu.enqueue_dma source(%arg9 : memref<128x32xf32, #tpu.memory_space<vmem>>) target(%dma_start3A_94 : memref<128x32xf32, #tpu.memory_space<hbm>>) target_semaphore(%run_scoped3A : memref<!tpu.dma_semaphore, #tpu.memory_space<semaphore_mem>>)
      %dma_wait3A = arith.constant 0 : i32
      %dma_wait3A_95 = tpu.memref_slice %arg5[%arg0, %add3A_57, %dma_wait3A] : memref<2x10112x32xf32, #tpu.memory_space<hbm>> -> memref<1x128x32xf32, #tpu.memory_space<hbm>>
      %dma_wait3A_96 = tpu.memref_squeeze %dma_wait3A_95 : memref<1x128x32xf32, #tpu.memory_space<hbm>> -> memref<128x32xf32, #tpu.memory_space<hbm>>
      %dma_wait3A_97 = arith.constant 0 : i32
      %dma_wait3A_98 = tpu.memref_slice %arg5[%arg0, %add3A_57, %dma_wait3A_97] : memref<2x10112x32xf32, #tpu.memory_space<hbm>> -> memref<1x128x32xf32, #tpu.memory_space<hbm>>
      %dma_wait3A_99 = tpu.memref_squeeze %dma_wait3A_98 : memref<1x128x32xf32, #tpu.memory_space<hbm>> -> memref<128x32xf32, #tpu.memory_space<hbm>>
      tpu.wait_dma2 semaphore(%run_scoped3A : memref<!tpu.dma_semaphore, #tpu.memory_space<semaphore_mem>>) src(%arg9 : memref<128x32xf32, #tpu.memory_space<vmem>>) dst(%dma_wait3A_99 : memref<128x32xf32, #tpu.memory_space<hbm>>)
      tpu.yield
    }) : () -> ()
    %mul3A_58 = arith.constant 632 : i32
    %mul3A_59 = arith.muli %arg1, %mul3A_58 : i32
    %add3A_60 = arith.constant 128 : i32
    %add3A_61 = arith.addi %mul3A_59, %add3A_60 : i32
    "tpu.region"() ({
      %run_scoped3A = tpu.sem_alloc : memref<!tpu.dma_semaphore, #tpu.memory_space<semaphore_mem>>
      %dma_start3A = arith.constant 0 : i32
      %dma_start3A_90 = tpu.memref_slice %arg11[%add3A_61, %dma_start3A] : memref<10112x32xf32, #tpu.memory_space<vmem_shared>> -> memref<128x32xf32, #tpu.memory_space<vmem_shared>>
      %dma_start3A_91 = arith.constant 0 : i32
      %dma_start3A_92 = tpu.memref_slice %arg11[%add3A_61, %dma_start3A_91] : memref<10112x32xf32, #tpu.memory_space<vmem_shared>> -> memref<128x32xf32, #tpu.memory_space<vmem_shared>>
      tpu.enqueue_dma source(%dma_start3A_92 : memref<128x32xf32, #tpu.memory_space<vmem_shared>>) target(%arg9 : memref<128x32xf32, #tpu.memory_space<vmem>>) target_semaphore(%run_scoped3A : memref<!tpu.dma_semaphore, #tpu.memory_space<semaphore_mem>>)
      %dma_wait3A = arith.constant 0 : i32
      %dma_wait3A_93 = tpu.memref_slice %arg11[%add3A_61, %dma_wait3A] : memref<10112x32xf32, #tpu.memory_space<vmem_shared>> -> memref<128x32xf32, #tpu.memory_space<vmem_shared>>
      %dma_wait3A_94 = arith.constant 0 : i32
      %dma_wait3A_95 = tpu.memref_slice %arg11[%add3A_61, %dma_wait3A_94] : memref<10112x32xf32, #tpu.memory_space<vmem_shared>> -> memref<128x32xf32, #tpu.memory_space<vmem_shared>>
      tpu.wait_dma2 semaphore(%run_scoped3A : memref<!tpu.dma_semaphore, #tpu.memory_space<semaphore_mem>>) src(%dma_wait3A_95 : memref<128x32xf32, #tpu.memory_space<vmem_shared>>) dst(%arg9 : memref<128x32xf32, #tpu.memory_space<vmem>>)
      tpu.yield
    }) : () -> ()
    %mul3A_62 = arith.constant 632 : i32
    %mul3A_63 = arith.muli %arg1, %mul3A_62 : i32
    %add3A_64 = arith.constant 128 : i32
    %add3A_65 = arith.addi %mul3A_63, %add3A_64 : i32
    "tpu.region"() ({
      %run_scoped3A = tpu.sem_alloc : memref<!tpu.dma_semaphore, #tpu.memory_space<semaphore_mem>>
      %dma_start3A = arith.constant 0 : i32
      %dma_start3A_90 = tpu.memref_slice %arg5[%arg0, %add3A_65, %dma_start3A] : memref<2x10112x32xf32, #tpu.memory_space<hbm>> -> memref<1x128x32xf32, #tpu.memory_space<hbm>>
      %dma_start3A_91 = tpu.memref_squeeze %dma_start3A_90 : memref<1x128x32xf32, #tpu.memory_space<hbm>> -> memref<128x32xf32, #tpu.memory_space<hbm>>
      %dma_start3A_92 = arith.constant 0 : i32
      %dma_start3A_93 = tpu.memref_slice %arg5[%arg0, %add3A_65, %dma_start3A_92] : memref<2x10112x32xf32, #tpu.memory_space<hbm>> -> memref<1x128x32xf32, #tpu.memory_space<hbm>>
      %dma_start3A_94 = tpu.memref_squeeze %dma_start3A_93 : memref<1x128x32xf32, #tpu.memory_space<hbm>> -> memref<128x32xf32, #tpu.memory_space<hbm>>
      tpu.enqueue_dma source(%arg9 : memref<128x32xf32, #tpu.memory_space<vmem>>) target(%dma_start3A_94 : memref<128x32xf32, #tpu.memory_space<hbm>>) target_semaphore(%run_scoped3A : memref<!tpu.dma_semaphore, #tpu.memory_space<semaphore_mem>>)
      %dma_wait3A = arith.constant 0 : i32
      %dma_wait3A_95 = tpu.memref_slice %arg5[%arg0, %add3A_65, %dma_wait3A] : memref<2x10112x32xf32, #tpu.memory_space<hbm>> -> memref<1x128x32xf32, #tpu.memory_space<hbm>>
      %dma_wait3A_96 = tpu.memref_squeeze %dma_wait3A_95 : memref<1x128x32xf32, #tpu.memory_space<hbm>> -> memref<128x32xf32, #tpu.memory_space<hbm>>
      %dma_wait3A_97 = arith.constant 0 : i32
      %dma_wait3A_98 = tpu.memref_slice %arg5[%arg0, %add3A_65, %dma_wait3A_97] : memref<2x10112x32xf32, #tpu.memory_space<hbm>> -> memref<1x128x32xf32, #tpu.memory_space<hbm>>
      %dma_wait3A_99 = tpu.memref_squeeze %dma_wait3A_98 : memref<1x128x32xf32, #tpu.memory_space<hbm>> -> memref<128x32xf32, #tpu.memory_space<hbm>>
      tpu.wait_dma2 semaphore(%run_scoped3A : memref<!tpu.dma_semaphore, #tpu.memory_space<semaphore_mem>>) src(%arg9 : memref<128x32xf32, #tpu.memory_space<vmem>>) dst(%dma_wait3A_99 : memref<128x32xf32, #tpu.memory_space<hbm>>)
      tpu.yield
    }) : () -> ()
    %mul3A_66 = arith.constant 632 : i32
    %mul3A_67 = arith.muli %arg1, %mul3A_66 : i32
    %add3A_68 = arith.constant 256 : i32
    %add3A_69 = arith.addi %mul3A_67, %add3A_68 : i32
    "tpu.region"() ({
      %run_scoped3A = tpu.sem_alloc : memref<!tpu.dma_semaphore, #tpu.memory_space<semaphore_mem>>
      %dma_start3A = arith.constant 0 : i32
      %dma_start3A_90 = tpu.memref_slice %arg11[%add3A_69, %dma_start3A] : memref<10112x32xf32, #tpu.memory_space<vmem_shared>> -> memref<128x32xf32, #tpu.memory_space<vmem_shared>>
      %dma_start3A_91 = arith.constant 0 : i32
      %dma_start3A_92 = tpu.memref_slice %arg11[%add3A_69, %dma_start3A_91] : memref<10112x32xf32, #tpu.memory_space<vmem_shared>> -> memref<128x32xf32, #tpu.memory_space<vmem_shared>>
      tpu.enqueue_dma source(%dma_start3A_92 : memref<128x32xf32, #tpu.memory_space<vmem_shared>>) target(%arg9 : memref<128x32xf32, #tpu.memory_space<vmem>>) target_semaphore(%run_scoped3A : memref<!tpu.dma_semaphore, #tpu.memory_space<semaphore_mem>>)
      %dma_wait3A = arith.constant 0 : i32
      %dma_wait3A_93 = tpu.memref_slice %arg11[%add3A_69, %dma_wait3A] : memref<10112x32xf32, #tpu.memory_space<vmem_shared>> -> memref<128x32xf32, #tpu.memory_space<vmem_shared>>
      %dma_wait3A_94 = arith.constant 0 : i32
      %dma_wait3A_95 = tpu.memref_slice %arg11[%add3A_69, %dma_wait3A_94] : memref<10112x32xf32, #tpu.memory_space<vmem_shared>> -> memref<128x32xf32, #tpu.memory_space<vmem_shared>>
      tpu.wait_dma2 semaphore(%run_scoped3A : memref<!tpu.dma_semaphore, #tpu.memory_space<semaphore_mem>>) src(%dma_wait3A_95 : memref<128x32xf32, #tpu.memory_space<vmem_shared>>) dst(%arg9 : memref<128x32xf32, #tpu.memory_space<vmem>>)
      tpu.yield
    }) : () -> ()
    %mul3A_70 = arith.constant 632 : i32
    %mul3A_71 = arith.muli %arg1, %mul3A_70 : i32
    %add3A_72 = arith.constant 256 : i32
    %add3A_73 = arith.addi %mul3A_71, %add3A_72 : i32
    "tpu.region"() ({
      %run_scoped3A = tpu.sem_alloc : memref<!tpu.dma_semaphore, #tpu.memory_space<semaphore_mem>>
      %dma_start3A = arith.constant 0 : i32
      %dma_start3A_90 = tpu.memref_slice %arg5[%arg0, %add3A_73, %dma_start3A] : memref<2x10112x32xf32, #tpu.memory_space<hbm>> -> memref<1x128x32xf32, #tpu.memory_space<hbm>>
      %dma_start3A_91 = tpu.memref_squeeze %dma_start3A_90 : memref<1x128x32xf32, #tpu.memory_space<hbm>> -> memref<128x32xf32, #tpu.memory_space<hbm>>
      %dma_start3A_92 = arith.constant 0 : i32
      %dma_start3A_93 = tpu.memref_slice %arg5[%arg0, %add3A_73, %dma_start3A_92] : memref<2x10112x32xf32, #tpu.memory_space<hbm>> -> memref<1x128x32xf32, #tpu.memory_space<hbm>>
      %dma_start3A_94 = tpu.memref_squeeze %dma_start3A_93 : memref<1x128x32xf32, #tpu.memory_space<hbm>> -> memref<128x32xf32, #tpu.memory_space<hbm>>
      tpu.enqueue_dma source(%arg9 : memref<128x32xf32, #tpu.memory_space<vmem>>) target(%dma_start3A_94 : memref<128x32xf32, #tpu.memory_space<hbm>>) target_semaphore(%run_scoped3A : memref<!tpu.dma_semaphore, #tpu.memory_space<semaphore_mem>>)
      %dma_wait3A = arith.constant 0 : i32
      %dma_wait3A_95 = tpu.memref_slice %arg5[%arg0, %add3A_73, %dma_wait3A] : memref<2x10112x32xf32, #tpu.memory_space<hbm>> -> memref<1x128x32xf32, #tpu.memory_space<hbm>>
      %dma_wait3A_96 = tpu.memref_squeeze %dma_wait3A_95 : memref<1x128x32xf32, #tpu.memory_space<hbm>> -> memref<128x32xf32, #tpu.memory_space<hbm>>
      %dma_wait3A_97 = arith.constant 0 : i32
      %dma_wait3A_98 = tpu.memref_slice %arg5[%arg0, %add3A_73, %dma_wait3A_97] : memref<2x10112x32xf32, #tpu.memory_space<hbm>> -> memref<1x128x32xf32, #tpu.memory_space<hbm>>
      %dma_wait3A_99 = tpu.memref_squeeze %dma_wait3A_98 : memref<1x128x32xf32, #tpu.memory_space<hbm>> -> memref<128x32xf32, #tpu.memory_space<hbm>>
      tpu.wait_dma2 semaphore(%run_scoped3A : memref<!tpu.dma_semaphore, #tpu.memory_space<semaphore_mem>>) src(%arg9 : memref<128x32xf32, #tpu.memory_space<vmem>>) dst(%dma_wait3A_99 : memref<128x32xf32, #tpu.memory_space<hbm>>)
      tpu.yield
    }) : () -> ()
    %mul3A_74 = arith.constant 632 : i32
    %mul3A_75 = arith.muli %arg1, %mul3A_74 : i32
    %add3A_76 = arith.constant 384 : i32
    %add3A_77 = arith.addi %mul3A_75, %add3A_76 : i32
    "tpu.region"() ({
      %run_scoped3A = tpu.sem_alloc : memref<!tpu.dma_semaphore, #tpu.memory_space<semaphore_mem>>
      %dma_start3A = arith.constant 0 : i32
      %dma_start3A_90 = tpu.memref_slice %arg11[%add3A_77, %dma_start3A] : memref<10112x32xf32, #tpu.memory_space<vmem_shared>> -> memref<128x32xf32, #tpu.memory_space<vmem_shared>>
      %dma_start3A_91 = arith.constant 0 : i32
      %dma_start3A_92 = tpu.memref_slice %arg11[%add3A_77, %dma_start3A_91] : memref<10112x32xf32, #tpu.memory_space<vmem_shared>> -> memref<128x32xf32, #tpu.memory_space<vmem_shared>>
      tpu.enqueue_dma source(%dma_start3A_92 : memref<128x32xf32, #tpu.memory_space<vmem_shared>>) target(%arg9 : memref<128x32xf32, #tpu.memory_space<vmem>>) target_semaphore(%run_scoped3A : memref<!tpu.dma_semaphore, #tpu.memory_space<semaphore_mem>>)
      %dma_wait3A = arith.constant 0 : i32
      %dma_wait3A_93 = tpu.memref_slice %arg11[%add3A_77, %dma_wait3A] : memref<10112x32xf32, #tpu.memory_space<vmem_shared>> -> memref<128x32xf32, #tpu.memory_space<vmem_shared>>
      %dma_wait3A_94 = arith.constant 0 : i32
      %dma_wait3A_95 = tpu.memref_slice %arg11[%add3A_77, %dma_wait3A_94] : memref<10112x32xf32, #tpu.memory_space<vmem_shared>> -> memref<128x32xf32, #tpu.memory_space<vmem_shared>>
      tpu.wait_dma2 semaphore(%run_scoped3A : memref<!tpu.dma_semaphore, #tpu.memory_space<semaphore_mem>>) src(%dma_wait3A_95 : memref<128x32xf32, #tpu.memory_space<vmem_shared>>) dst(%arg9 : memref<128x32xf32, #tpu.memory_space<vmem>>)
      tpu.yield
    }) : () -> ()
    %mul3A_78 = arith.constant 632 : i32
    %mul3A_79 = arith.muli %arg1, %mul3A_78 : i32
    %add3A_80 = arith.constant 384 : i32
    %add3A_81 = arith.addi %mul3A_79, %add3A_80 : i32
    "tpu.region"() ({
      %run_scoped3A = tpu.sem_alloc : memref<!tpu.dma_semaphore, #tpu.memory_space<semaphore_mem>>
      %dma_start3A = arith.constant 0 : i32
      %dma_start3A_90 = tpu.memref_slice %arg5[%arg0, %add3A_81, %dma_start3A] : memref<2x10112x32xf32, #tpu.memory_space<hbm>> -> memref<1x128x32xf32, #tpu.memory_space<hbm>>
      %dma_start3A_91 = tpu.memref_squeeze %dma_start3A_90 : memref<1x128x32xf32, #tpu.memory_space<hbm>> -> memref<128x32xf32, #tpu.memory_space<hbm>>
      %dma_start3A_92 = arith.constant 0 : i32
      %dma_start3A_93 = tpu.memref_slice %arg5[%arg0, %add3A_81, %dma_start3A_92] : memref<2x10112x32xf32, #tpu.memory_space<hbm>> -> memref<1x128x32xf32, #tpu.memory_space<hbm>>
      %dma_start3A_94 = tpu.memref_squeeze %dma_start3A_93 : memref<1x128x32xf32, #tpu.memory_space<hbm>> -> memref<128x32xf32, #tpu.memory_space<hbm>>
      tpu.enqueue_dma source(%arg9 : memref<128x32xf32, #tpu.memory_space<vmem>>) target(%dma_start3A_94 : memref<128x32xf32, #tpu.memory_space<hbm>>) target_semaphore(%run_scoped3A : memref<!tpu.dma_semaphore, #tpu.memory_space<semaphore_mem>>)
      %dma_wait3A = arith.constant 0 : i32
      %dma_wait3A_95 = tpu.memref_slice %arg5[%arg0, %add3A_81, %dma_wait3A] : memref<2x10112x32xf32, #tpu.memory_space<hbm>> -> memref<1x128x32xf32, #tpu.memory_space<hbm>>
      %dma_wait3A_96 = tpu.memref_squeeze %dma_wait3A_95 : memref<1x128x32xf32, #tpu.memory_space<hbm>> -> memref<128x32xf32, #tpu.memory_space<hbm>>
      %dma_wait3A_97 = arith.constant 0 : i32
      %dma_wait3A_98 = tpu.memref_slice %arg5[%arg0, %add3A_81, %dma_wait3A_97] : memref<2x10112x32xf32, #tpu.memory_space<hbm>> -> memref<1x128x32xf32, #tpu.memory_space<hbm>>
      %dma_wait3A_99 = tpu.memref_squeeze %dma_wait3A_98 : memref<1x128x32xf32, #tpu.memory_space<hbm>> -> memref<128x32xf32, #tpu.memory_space<hbm>>
      tpu.wait_dma2 semaphore(%run_scoped3A : memref<!tpu.dma_semaphore, #tpu.memory_space<semaphore_mem>>) src(%arg9 : memref<128x32xf32, #tpu.memory_space<vmem>>) dst(%dma_wait3A_99 : memref<128x32xf32, #tpu.memory_space<hbm>>)
      tpu.yield
    }) : () -> ()
    %mul3A_82 = arith.constant 632 : i32
    %mul3A_83 = arith.muli %arg1, %mul3A_82 : i32
    %add3A_84 = arith.constant 512 : i32
    %add3A_85 = arith.addi %mul3A_83, %add3A_84 : i32
    "tpu.region"() ({
      %run_scoped3A = tpu.sem_alloc : memref<!tpu.dma_semaphore, #tpu.memory_space<semaphore_mem>>
      %dma_start3A = arith.constant 0 : i32
      %dma_start3A_90 = arith.constant 0 : i32
      %dma_start3A_91 = tpu.memref_slice %arg9[%dma_start3A, %dma_start3A_90] : memref<128x32xf32, #tpu.memory_space<vmem>> -> memref<120x32xf32, #tpu.memory_space<vmem>>
      %dma_start3A_92 = arith.constant 0 : i32
      %dma_start3A_93 = tpu.memref_slice %arg11[%add3A_85, %dma_start3A_92] : memref<10112x32xf32, #tpu.memory_space<vmem_shared>> -> memref<120x32xf32, #tpu.memory_space<vmem_shared>>
      %dma_start3A_94 = arith.constant 0 : i32
      %dma_start3A_95 = arith.constant 0 : i32
      %dma_start3A_96 = tpu.memref_slice %arg9[%dma_start3A_94, %dma_start3A_95] : memref<128x32xf32, #tpu.memory_space<vmem>> -> memref<120x32xf32, #tpu.memory_space<vmem>>
      %dma_start3A_97 = arith.constant 0 : i32
      %dma_start3A_98 = tpu.memref_slice %arg11[%add3A_85, %dma_start3A_97] : memref<10112x32xf32, #tpu.memory_space<vmem_shared>> -> memref<120x32xf32, #tpu.memory_space<vmem_shared>>
      tpu.enqueue_dma source(%dma_start3A_98 : memref<120x32xf32, #tpu.memory_space<vmem_shared>>) target(%dma_start3A_96 : memref<120x32xf32, #tpu.memory_space<vmem>>) target_semaphore(%run_scoped3A : memref<!tpu.dma_semaphore, #tpu.memory_space<semaphore_mem>>)
      %dma_wait3A = arith.constant 0 : i32
      %dma_wait3A_99 = arith.constant 0 : i32
      %dma_wait3A_100 = tpu.memref_slice %arg9[%dma_wait3A, %dma_wait3A_99] : memref<128x32xf32, #tpu.memory_space<vmem>> -> memref<120x32xf32, #tpu.memory_space<vmem>>
      %dma_wait3A_101 = arith.constant 0 : i32
      %dma_wait3A_102 = tpu.memref_slice %arg11[%add3A_85, %dma_wait3A_101] : memref<10112x32xf32, #tpu.memory_space<vmem_shared>> -> memref<120x32xf32, #tpu.memory_space<vmem_shared>>
      %dma_wait3A_103 = arith.constant 0 : i32
      %dma_wait3A_104 = arith.constant 0 : i32
      %dma_wait3A_105 = tpu.memref_slice %arg9[%dma_wait3A_103, %dma_wait3A_104] : memref<128x32xf32, #tpu.memory_space<vmem>> -> memref<120x32xf32, #tpu.memory_space<vmem>>
      %dma_wait3A_106 = arith.constant 0 : i32
      %dma_wait3A_107 = tpu.memref_slice %arg11[%add3A_85, %dma_wait3A_106] : memref<10112x32xf32, #tpu.memory_space<vmem_shared>> -> memref<120x32xf32, #tpu.memory_space<vmem_shared>>
      tpu.wait_dma2 semaphore(%run_scoped3A : memref<!tpu.dma_semaphore, #tpu.memory_space<semaphore_mem>>) src(%dma_wait3A_107 : memref<120x32xf32, #tpu.memory_space<vmem_shared>>) dst(%dma_wait3A_105 : memref<120x32xf32, #tpu.memory_space<vmem>>)
      tpu.yield
    }) : () -> ()
    %mul3A_86 = arith.constant 632 : i32
    %mul3A_87 = arith.muli %arg1, %mul3A_86 : i32
    %add3A_88 = arith.constant 512 : i32
    %add3A_89 = arith.addi %mul3A_87, %add3A_88 : i32
    "tpu.region"() ({
      %run_scoped3A = tpu.sem_alloc : memref<!tpu.dma_semaphore, #tpu.memory_space<semaphore_mem>>
      %dma_start3A = arith.constant 0 : i32
      %dma_start3A_90 = arith.constant 0 : i32
      %dma_start3A_91 = tpu.memref_slice %arg9[%dma_start3A, %dma_start3A_90] : memref<128x32xf32, #tpu.memory_space<vmem>> -> memref<120x32xf32, #tpu.memory_space<vmem>>
      %dma_start3A_92 = arith.constant 0 : i32
      %dma_start3A_93 = tpu.memref_slice %arg5[%arg0, %add3A_89, %dma_start3A_92] : memref<2x10112x32xf32, #tpu.memory_space<hbm>> -> memref<1x120x32xf32, #tpu.memory_space<hbm>>
      %dma_start3A_94 = tpu.memref_squeeze %dma_start3A_93 : memref<1x120x32xf32, #tpu.memory_space<hbm>> -> memref<120x32xf32, #tpu.memory_space<hbm>>
      %dma_start3A_95 = arith.constant 0 : i32
      %dma_start3A_96 = tpu.memref_slice %arg5[%arg0, %add3A_89, %dma_start3A_95] : memref<2x10112x32xf32, #tpu.memory_space<hbm>> -> memref<1x120x32xf32, #tpu.memory_space<hbm>>
      %dma_start3A_97 = tpu.memref_squeeze %dma_start3A_96 : memref<1x120x32xf32, #tpu.memory_space<hbm>> -> memref<120x32xf32, #tpu.memory_space<hbm>>
      %dma_start3A_98 = arith.constant 0 : i32
      %dma_start3A_99 = arith.constant 0 : i32
      %dma_start3A_100 = tpu.memref_slice %arg9[%dma_start3A_98, %dma_start3A_99] : memref<128x32xf32, #tpu.memory_space<vmem>> -> memref<120x32xf32, #tpu.memory_space<vmem>>
      tpu.enqueue_dma source(%dma_start3A_100 : memref<120x32xf32, #tpu.memory_space<vmem>>) target(%dma_start3A_97 : memref<120x32xf32, #tpu.memory_space<hbm>>) target_semaphore(%run_scoped3A : memref<!tpu.dma_semaphore, #tpu.memory_space<semaphore_mem>>)
      %dma_wait3A = arith.constant 0 : i32
      %dma_wait3A_101 = arith.constant 0 : i32
      %dma_wait3A_102 = tpu.memref_slice %arg9[%dma_wait3A, %dma_wait3A_101] : memref<128x32xf32, #tpu.memory_space<vmem>> -> memref<120x32xf32, #tpu.memory_space<vmem>>
      %dma_wait3A_103 = arith.constant 0 : i32
      %dma_wait3A_104 = tpu.memref_slice %arg5[%arg0, %add3A_89, %dma_wait3A_103] : memref<2x10112x32xf32, #tpu.memory_space<hbm>> -> memref<1x120x32xf32, #tpu.memory_space<hbm>>
      %dma_wait3A_105 = tpu.memref_squeeze %dma_wait3A_104 : memref<1x120x32xf32, #tpu.memory_space<hbm>> -> memref<120x32xf32, #tpu.memory_space<hbm>>
      %dma_wait3A_106 = arith.constant 0 : i32
      %dma_wait3A_107 = tpu.memref_slice %arg5[%arg0, %add3A_89, %dma_wait3A_106] : memref<2x10112x32xf32, #tpu.memory_space<hbm>> -> memref<1x120x32xf32, #tpu.memory_space<hbm>>
      %dma_wait3A_108 = tpu.memref_squeeze %dma_wait3A_107 : memref<1x120x32xf32, #tpu.memory_space<hbm>> -> memref<120x32xf32, #tpu.memory_space<hbm>>
      %dma_wait3A_109 = arith.constant 0 : i32
      %dma_wait3A_110 = arith.constant 0 : i32
      %dma_wait3A_111 = tpu.memref_slice %arg9[%dma_wait3A_109, %dma_wait3A_110] : memref<128x32xf32, #tpu.memory_space<vmem>> -> memref<120x32xf32, #tpu.memory_space<vmem>>
      tpu.wait_dma2 semaphore(%run_scoped3A : memref<!tpu.dma_semaphore, #tpu.memory_space<semaphore_mem>>) src(%dma_wait3A_111 : memref<120x32xf32, #tpu.memory_space<vmem>>) dst(%dma_wait3A_108 : memref<120x32xf32, #tpu.memory_space<hbm>>)
      tpu.yield
    }) : () -> ()
    "tpu.trace_stop"() : () -> ()
    return
  }
}

module attributes {stable_mosaic.version = 14 : i64} {
  func.func @_tc1_body(%arg0: memref<32x10112xf32, #tpu.memory_space<vmem>>, %arg1: memref<10000x128xf32, #tpu.memory_space<vmem>>, %arg2: memref<128x128xf32, #tpu.memory_space<vmem>>, %arg3: memref<10000x128xf32, #tpu.memory_space<vmem>>, %arg4: memref<10000x1xf32, #tpu.memory_space<vmem>>) attributes {dimension_semantics = [], scalar_prefetch = 0 : i64, scratch_operands = 0 : i64, tpu.core_type = #tpu.core_type<tc>} {
    %get3A = arith.constant 0 : index
    %get3A_0 = arith.constant 0 : index
    %get3A_1 = vector.load %arg0[%get3A, %get3A_0] : memref<32x10112xf32, #tpu.memory_space<vmem>>, vector<32x10112xf32>
    %reduce_sum3A = arith.constant dense<0.000000e+00> : vector<10112xf32>
    %reduce_sum3A_2 = vector.multi_reduction <add>, %get3A_1, %reduce_sum3A [0] : vector<32x10112xf32> to vector<10112xf32>
    %slice3A = vector.extract_strided_slice %reduce_sum3A_2 {offsets = [0], sizes = [10000], strides = [1]} : vector<10112xf32> to vector<10000xf32>
    %add3A = arith.constant 1.000000e+00 : f32
    %add3A_3 = vector.broadcast %add3A : f32 to vector<10000xf32>
    %add3A_4 = arith.addf %slice3A, %add3A_3 : vector<10000xf32>
    %rsqrt3A = math.rsqrt %add3A_4 : vector<10000xf32>
    %broadcast_in_dim3A = vector.shape_cast %rsqrt3A : vector<10000xf32> to vector<10000x1xf32>
    %swap3A = arith.constant 0 : index
    %swap3A_5 = arith.constant 0 : index
    %swap3A_6 = vector.load %arg4[%swap3A, %swap3A_5] : memref<10000x1xf32, #tpu.memory_space<vmem>>, vector<10000x1xf32>
    tpu.vector_store %arg4[%swap3A, %swap3A_5], %broadcast_in_dim3A {strides = array<i32>} : memref<10000x1xf32, #tpu.memory_space<vmem>>, vector<10000x1xf32>,
    %get3A_7 = arith.constant 0 : index
    %get3A_8 = arith.constant 0 : index
    %get3A_9 = vector.load %arg1[%get3A_7, %get3A_8] : memref<10000x128xf32, #tpu.memory_space<vmem>>, vector<10000x128xf32>
    %get3A_10 = arith.constant 0 : index
    %get3A_11 = arith.constant 0 : index
    %get3A_12 = vector.load %arg2[%get3A_10, %get3A_11] : memref<128x128xf32, #tpu.memory_space<vmem>>, vector<128x128xf32>
    %dot_general3A = arith.constant dense<0.000000e+00> : vector<10000x128xf32>
    %dot_general3A_13 = tpu.matmul %get3A_9, %get3A_12, %dot_general3A {dimension_numbers = #tpu.dot_dimension_numbers<[1], [0], [0], [1], [0, 0, 1, 1], [], []>, transpose_lhs_hint = false} : vector<10000x128xf32>, vector<128x128xf32>, vector<10000x128xf32> -> vector<10000x128xf32>
    %mul3A = vector.broadcast %broadcast_in_dim3A : vector<10000x1xf32> to vector<10000x128xf32>
    %mul3A_14 = arith.mulf %dot_general3A_13, %mul3A : vector<10000x128xf32>
    %swap3A_15 = arith.constant 0 : index
    %swap3A_16 = arith.constant 0 : index
    %swap3A_17 = vector.load %arg3[%swap3A_15, %swap3A_16] : memref<10000x128xf32, #tpu.memory_space<vmem>>, vector<10000x128xf32>
    tpu.vector_store %arg3[%swap3A_15, %swap3A_16], %mul3A_14 {strides = array<i32>} : memref<10000x128xf32, #tpu.memory_space<vmem>>, vector<10000x128xf32>,
    return
  }
}

module attributes {stable_mosaic.version = 14 : i64} {
  func.func @_tc2_body(%arg0: memref<2x10112x128xf32, #tpu.memory_space<vmem>>, %arg1: memref<10000x128xf32, #tpu.memory_space<vmem>>, %arg2: memref<10000x1xf32, #tpu.memory_space<vmem>>, %arg3: memref<1x128xf32, #tpu.memory_space<vmem>>, %arg4: memref<128x32xf32, #tpu.memory_space<vmem>>, %arg5: memref<10000x32xf32, #tpu.memory_space<vmem>>) attributes {dimension_semantics = [], scalar_prefetch = 0 : i64, scratch_operands = 0 : i64, tpu.core_type = #tpu.core_type<tc>} {
    %get3A = arith.constant 0 : index
    %get3A_0 = arith.constant 0 : index
    %get3A_1 = arith.constant 0 : index
    %get3A_2 = vector.load %arg0[%get3A, %get3A_0, %get3A_1] : memref<2x10112x128xf32, #tpu.memory_space<vmem>>, vector<1x10000x128xf32>
    %get3A_3 = vector.shape_cast %get3A_2 : vector<1x10000x128xf32> to vector<10000x128xf32>
    %get3A_4 = arith.constant 1 : index
    %get3A_5 = arith.constant 0 : index
    %get3A_6 = arith.constant 0 : index
    %get3A_7 = vector.load %arg0[%get3A_4, %get3A_5, %get3A_6] : memref<2x10112x128xf32, #tpu.memory_space<vmem>>, vector<1x10000x128xf32>
    %get3A_8 = vector.shape_cast %get3A_7 : vector<1x10000x128xf32> to vector<10000x128xf32>
    %add3A = arith.addf %get3A_3, %get3A_8 : vector<10000x128xf32>
    %get3A_9 = arith.constant 0 : index
    %get3A_10 = arith.constant 0 : index
    %get3A_11 = vector.load %arg1[%get3A_9, %get3A_10] : memref<10000x128xf32, #tpu.memory_space<vmem>>, vector<10000x128xf32>
    %add3A_12 = arith.addf %add3A, %get3A_11 : vector<10000x128xf32>
    %get3A_13 = arith.constant 0 : index
    %get3A_14 = arith.constant 0 : index
    %get3A_15 = vector.load %arg2[%get3A_13, %get3A_14] : memref<10000x1xf32, #tpu.memory_space<vmem>>, vector<10000x1xf32>
    %mul3A = vector.broadcast %get3A_15 : vector<10000x1xf32> to vector<10000x128xf32>
    %mul3A_16 = arith.mulf %add3A_12, %mul3A : vector<10000x128xf32>
    %get3A_17 = arith.constant 0 : index
    %get3A_18 = arith.constant 0 : index
    %get3A_19 = vector.load %arg3[%get3A_17, %get3A_18] : memref<1x128xf32, #tpu.memory_space<vmem>>, vector<1x128xf32>
    %add3A_20 = vector.broadcast %get3A_19 : vector<1x128xf32> to vector<10000x128xf32>
    %add3A_21 = arith.addf %mul3A_16, %add3A_20 : vector<10000x128xf32>
    %max3A = arith.constant 0.000000e+00 : f32
    %max3A_22 = vector.broadcast %max3A : f32 to vector<10000x128xf32>
    %max3A_23 = arith.maximumf %add3A_21, %max3A_22 : vector<10000x128xf32>
    %get3A_24 = arith.constant 0 : index
    %get3A_25 = arith.constant 0 : index
    %get3A_26 = vector.load %arg4[%get3A_24, %get3A_25] : memref<128x32xf32, #tpu.memory_space<vmem>>, vector<128x32xf32>
    %dot_general3A = arith.constant dense<0.000000e+00> : vector<10000x32xf32>
    %dot_general3A_27 = tpu.matmul %max3A_23, %get3A_26, %dot_general3A {dimension_numbers = #tpu.dot_dimension_numbers<[1], [0], [0], [1], [0, 0, 1, 1], [], []>, transpose_lhs_hint = false} : vector<10000x128xf32>, vector<128x32xf32>, vector<10000x32xf32> -> vector<10000x32xf32>
    %get3A_28 = arith.constant 0 : index
    %get3A_29 = arith.constant 0 : index
    %get3A_30 = vector.load %arg2[%get3A_28, %get3A_29] : memref<10000x1xf32, #tpu.memory_space<vmem>>, vector<10000x1xf32>
    %mul3A_31 = vector.broadcast %get3A_30 : vector<10000x1xf32> to vector<10000x32xf32>
    %mul3A_32 = arith.mulf %dot_general3A_27, %mul3A_31 : vector<10000x32xf32>
    %swap3A = arith.constant 0 : index
    %swap3A_33 = arith.constant 0 : index
    %swap3A_34 = vector.load %arg5[%swap3A, %swap3A_33] : memref<10000x32xf32, #tpu.memory_space<vmem>>, vector<10000x32xf32>
    tpu.vector_store %arg5[%swap3A, %swap3A_33], %mul3A_32 {strides = array<i32>} : memref<10000x32xf32, #tpu.memory_space<vmem>>, vector<10000x32xf32>,
    return
  }
}

module attributes {stable_mosaic.version = 14 : i64} {
  func.func @_tc3_body(%arg0: memref<2x10112x32xf32, #tpu.memory_space<vmem>>, %arg1: memref<10000x32xf32, #tpu.memory_space<vmem>>, %arg2: memref<10000x1xf32, #tpu.memory_space<vmem>>, %arg3: memref<1x32xf32, #tpu.memory_space<vmem>>, %arg4: memref<10000x32xf32, #tpu.memory_space<vmem>>) attributes {dimension_semantics = [], scalar_prefetch = 0 : i64, scratch_operands = 0 : i64, tpu.core_type = #tpu.core_type<tc>} {
    %get3A = arith.constant 0 : index
    %get3A_0 = arith.constant 0 : index
    %get3A_1 = arith.constant 0 : index
    %get3A_2 = vector.load %arg0[%get3A, %get3A_0, %get3A_1] : memref<2x10112x32xf32, #tpu.memory_space<vmem>>, vector<1x10000x32xf32>
    %get3A_3 = vector.shape_cast %get3A_2 : vector<1x10000x32xf32> to vector<10000x32xf32>
    %get3A_4 = arith.constant 1 : index
    %get3A_5 = arith.constant 0 : index
    %get3A_6 = arith.constant 0 : index
    %get3A_7 = vector.load %arg0[%get3A_4, %get3A_5, %get3A_6] : memref<2x10112x32xf32, #tpu.memory_space<vmem>>, vector<1x10000x32xf32>
    %get3A_8 = vector.shape_cast %get3A_7 : vector<1x10000x32xf32> to vector<10000x32xf32>
    %add3A = arith.addf %get3A_3, %get3A_8 : vector<10000x32xf32>
    %get3A_9 = arith.constant 0 : index
    %get3A_10 = arith.constant 0 : index
    %get3A_11 = vector.load %arg1[%get3A_9, %get3A_10] : memref<10000x32xf32, #tpu.memory_space<vmem>>, vector<10000x32xf32>
    %add3A_12 = arith.addf %add3A, %get3A_11 : vector<10000x32xf32>
    %get3A_13 = arith.constant 0 : index
    %get3A_14 = arith.constant 0 : index
    %get3A_15 = vector.load %arg2[%get3A_13, %get3A_14] : memref<10000x1xf32, #tpu.memory_space<vmem>>, vector<10000x1xf32>
    %mul3A = vector.broadcast %get3A_15 : vector<10000x1xf32> to vector<10000x32xf32>
    %mul3A_16 = arith.mulf %add3A_12, %mul3A : vector<10000x32xf32>
    %get3A_17 = arith.constant 0 : index
    %get3A_18 = arith.constant 0 : index
    %get3A_19 = vector.load %arg3[%get3A_17, %get3A_18] : memref<1x32xf32, #tpu.memory_space<vmem>>, vector<1x32xf32>
    %add3A_20 = vector.broadcast %get3A_19 : vector<1x32xf32> to vector<10000x32xf32>
    %add3A_21 = arith.addf %mul3A_16, %add3A_20 : vector<10000x32xf32>
    %reduce_max3A = arith.constant dense<0xFF800000> : vector<10000xf32>
    %reduce_max3A_22 = vector.multi_reduction <maximumf>, %add3A_21, %reduce_max3A [1] : vector<10000x32xf32> to vector<10000xf32>
    %broadcast_in_dim3A = vector.shape_cast %reduce_max3A_22 : vector<10000xf32> to vector<10000x1xf32>
    %sub3A = vector.broadcast %broadcast_in_dim3A : vector<10000x1xf32> to vector<10000x32xf32>
    %sub3A_23 = arith.subf %add3A_21, %sub3A : vector<10000x32xf32>
    %exp3A = math.exp %sub3A_23 : vector<10000x32xf32>
    %reduce_sum3A = arith.constant dense<0.000000e+00> : vector<10000xf32>
    %reduce_sum3A_24 = vector.multi_reduction <add>, %exp3A, %reduce_sum3A [1] : vector<10000x32xf32> to vector<10000xf32>
    %broadcast_in_dim3A_25 = vector.shape_cast %reduce_sum3A_24 : vector<10000xf32> to vector<10000x1xf32>
    %log3A = math.log %broadcast_in_dim3A_25 : vector<10000x1xf32>
    %sub3A_26 = vector.broadcast %log3A : vector<10000x1xf32> to vector<10000x32xf32>
    %sub3A_27 = arith.subf %sub3A_23, %sub3A_26 : vector<10000x32xf32>
    %swap3A = arith.constant 0 : index
    %swap3A_28 = arith.constant 0 : index
    %swap3A_29 = vector.load %arg4[%swap3A, %swap3A_28] : memref<10000x32xf32, #tpu.memory_space<vmem>>, vector<10000x32xf32>
    tpu.vector_store %arg4[%swap3A, %swap3A_28], %sub3A_27 {strides = array<i32>} : memref<10000x32xf32, #tpu.memory_space<vmem>>, vector<10000x32xf32>,
    return
  }
}

</mosaic_0001>

<sc_bundles>
// kernel: kernel.11.cloned.1.call-start
scs
__scs_entry_jumppad:
0x0: {  	(pc) =	sbr.rel $0x88, $3  }
0x1: {  	(tag) =	ssettag $0x0;
	lr =	simm.s32 $0x1  }
0x2: {  	[smem:$0x3F9B] =	sst lr;
	_ =	strace $0xD0000000  }
0x3: {  	_ = 	snop  }
0x4: {  	_ = 	snop  }
0x5: {  	_ = 	snop  }
0x6: {  	_ = 	snop  }
0x7: {  	_ = 	snop  }
__scs_overlays_trampoline_lowered:
0x8: {  	[smem:$0x3FAA] =	sst s0  }
0x9: {  	[smem:$0x3FAB] =	sst s1  }
0xa: {  	[smem:$0x3FAC] =	sst s2  }
0xb: {  	[smem:$0x3FAD] =	sst s3  }
0xc: {  	[smem:$0x3FAE] =	sst s4  }
0xd: {  	[smem:$0x3FAF] =	sst s5  }
0xe: {  	[smem:$0x3FB0] =	sst s6  }
0xf: {  	[smem:$0x3FB1] =	sst s7  }
0x10: {  	[smem:$0x3FB2] =	sst s8  }
0x11: {  	[smem:$0x3FB3] =	sst s9;
	s0 =	simm.s32 @!p0 $0x0  }
0x12: {  	s1 =	sld [smem:$0x3F99];
	s0 =	simm.s32 @p0 $0x1  }
0x13: {  	[smem:$0x3FB4] =	sst s0;
	s0 =	simm.s32 @!p1 $0x0  }
0x14: {  	s2 =	sld [smem:$0x3F98];
	s0 =	simm.s32 @p1 $0x1  }
0x15: {  	[smem:$0x3FB5] =	sst s0;
	s0 =	simm.s32 @!p2 $0x0  }
0x16: {  	s3 =	sld [smem:$0x3FDB];
	s0 =	simm.s32 @p2 $0x1  }
0x17: {  	s4 =	simm.s32 $0x1BF5;
	[smem:$0x3FB7] =	sst s0  }
0x18: {  	s0 =	sld [smem:$0x3F9A];
	_ =	swait.ge [sflag:s4], $0x0  }
0x19: {  	s7 =	sld [smem:$0x3F9B]  }
0x1a: {  	s8 =	sadd.s32 $0xFFFFE003, lr  }
0x1b: {  	s9 =	sadd.s32 $0xFFFFFEF7, lr;
	s5 =	simm.s32 $0xFFFFFFFF;
	p2 =	slt.u32 s8, $0xFFFFF086  }
0x1c: {  	p1 =	slt.u32 s9, $0xF7A;
	s5 =	simm.s32 @!p2 $0x0  }
0x1d: {  	s5 =	simm.s32 @p1 $0x1;
	p0 =	seq.s32 s7, s2  }
0x1e: {  	s7 =	smul.u32 @!p0 $0xF7A, s2;
	p2 =	seq.s32 @!p0 s5, $0x0  }
0x1f: {  	s9 =	smul.u32 $0xF7A, s1;
	s8 =	simm.s32 @!p0 $0x1BF5;
	p2 =	por !p2, p0  }
0x20: {  	[sflag:s8] =	ssyncset.s32 @!p0 $0xFFFFF086;
	s6 =	sadd.s32 @!p0 s3, s7;
	s7 =	simm.s32 @!p0 $0x108  }
0x21: {  	s3 =	sadd.s32 s3, s9;
	s6 =	sadd.s32 @!p0 $0x88, s6;
	s7 =	simm.s32 @p2 $0x1082  }
0x22: {  	[simem:s7], [sflag:s8] =	dma.local @!p0 [hbm:s6], $0xF7A  }
0x23: {  	s9 =	sor.u32 $0xD0000000, s2;
	s6 =	simm.s32 $0x108;
	_ =	swait.ge @!p0 [sflag:s8], $0x0  }
0x24: {  	s3 =	sadd.s32 $0x88, s3;
	s6 =	simm.s32 @!p1 $0x1082;
	[sflag:s4] =	ssyncset.s32 $0xFFFFF086  }
0x25: {  	[simem:s6], [sflag:s4] =	dma.local [hbm:s3], $0xF7A  }
0x26: {  	[smem:$0x3F9B] =	sst s1;
	(tag) =	ssettag s2;
	_ =	strace s9  }
0x27: {  	s1 =	sld [smem:$0x3FAB]  }
0x28: {  	s2 =	sld [smem:$0x3FAC]  }
0x29: {  	s4 =	sld [smem:$0x3FAE]  }
0x2a: {  	p0 =	seq.s32 s5, $0x0;
	s5 =	sld [smem:$0x3FAF]  }
0x2b: {  	s6 =	sld [smem:$0x3FB0]  }
0x2c: {  	s7 =	sld [smem:$0x3FB1]  }
0x2d: {  	s3 =	simm.s32 $0x108;
	s8 =	sld [smem:$0x3FB2]  }
0x2e: {  	s3 =	simm.s32 @!p0 $0x1082;
	s9 =	sld [smem:$0x3FB3]  }
0x2f: {  	lr =	sadd.s32 s0, s3;
	s0 =	sld [smem:$0x3FAA]  }
0x30: {  	s3 =	sld [smem:$0x3FAD]  }
0x31: {  	[smem:$0x3FB6] =	sst s10  }
0x32: {  	s10 =	sld [smem:$0x3FB4];
	_ =	sdelay $0x3  }
0x33: {  	p0 =	seq.s32 s10, $0x1;
	s10 =	sld [smem:$0x3FB6];
	_ =	sdelay $0x3  }
0x34: {  	[smem:$0x3FB6] =	sst s10  }
0x35: {  	s10 =	sld [smem:$0x3FB5];
	_ =	sdelay $0x3  }
0x36: {  	p1 =	seq.s32 s10, $0x1;
	s10 =	sld [smem:$0x3FB6];
	_ =	sdelay $0x3  }
0x37: {  	[smem:$0x3FB6] =	sst s10  }
0x38: {  	s10 =	sld [smem:$0x3FB7]  }
0x39: {  	_ = 	snop;
	(pc) =	sbr.ind lr, $3  }
0x3a: {  	_ = 	snop  }
0x3b: {  	_ = 	snop  }
0x3c: {  	p2 =	seq.s32 s10, $0x1;
	s10 =	sld [smem:$0x3FB6]  }
0x3d: {  	_ =	shalt  }
0x3e: {  	_ =	shalt  }
0x3f: {  	_ =	shalt  }
0x40: {  	_ =	shalt  }
0x41: {  	_ =	shalt  }
0x42: {  	_ =	shalt  }
0x43: {  	_ =	shalt  }
0x44: {  	_ =	shalt  }
0x45: {  	_ =	shalt  }
0x46: {  	_ =	shalt  }
0x47: {  	_ =	shalt  }
0x48: {  	_ =	shalt  }
0x49: {  	_ =	shalt  }
0x4a: {  	_ =	shalt  }
0x4b: {  	_ =	shalt  }
0x4c: {  	_ =	shalt  }
0x4d: {  	_ =	shalt  }
0x4e: {  	_ =	shalt  }
0x4f: {  	_ =	shalt  }
0x50: {  	_ =	shalt  }
0x51: {  	_ =	shalt  }
0x52: {  	_ =	shalt  }
0x53: {  	_ =	shalt  }
0x54: {  	_ =	shalt  }
0x55: {  	_ =	shalt  }
0x56: {  	_ =	shalt  }
0x57: {  	_ =	shalt  }
0x58: {  	_ =	shalt  }
0x59: {  	_ =	shalt  }
0x5a: {  	_ =	shalt  }
0x5b: {  	_ =	shalt  }
0x5c: {  	_ =	shalt  }
0x5d: {  	_ =	shalt  }
0x5e: {  	_ =	shalt  }
0x5f: {  	_ =	shalt  }
0x60: {  	_ =	shalt  }
0x61: {  	_ =	shalt  }
0x62: {  	_ =	shalt  }
0x63: {  	_ =	shalt  }
0x64: {  	_ =	shalt  }
0x65: {  	_ =	shalt  }
0x66: {  	_ =	shalt  }
0x67: {  	_ =	shalt  }
0x68: {  	_ =	shalt  }
0x69: {  	_ =	shalt  }
0x6a: {  	_ =	shalt  }
0x6b: {  	_ =	shalt  }
0x6c: {  	_ =	shalt  }
0x6d: {  	_ =	shalt  }
0x6e: {  	_ =	shalt  }
0x6f: {  	_ =	shalt  }
0x70: {  	_ =	shalt  }
0x71: {  	_ =	shalt  }
0x72: {  	_ =	shalt  }
0x73: {  	_ =	shalt  }
0x74: {  	_ =	shalt  }
0x75: {  	_ =	shalt  }
0x76: {  	_ =	shalt  }
0x77: {  	_ =	shalt  }
0x78: {  	_ =	shalt  }
0x79: {  	_ =	shalt  }
0x7a: {  	_ =	shalt  }
0x7b: {  	_ =	shalt  }
0x7c: {  	_ =	shalt  }
0x7d: {  	_ =	shalt  }
0x7e: {  	_ =	shalt  }
0x7f: {  	_ =	shalt  }
0x80: {  	_ =	shalt  }
0x81: {  	_ =	shalt  }
0x82: {  	_ =	shalt  }
0x83: {  	_ =	shalt  }
0x84: {  	_ =	shalt  }
0x85: {  	_ =	shalt  }
0x86: {  	_ =	shalt  }
0x87: {  	_ =	shalt  }
.Lfunc_end0:
.L_simem_size_0:
called_computation.1_lowered:
.L_overlay_start_0:
0x88: {  	s2 =	sld [smem:$0x3FD9]  }
0x89: {  	s3 =	sld [smem:$0x3FFE];
	_ =	sdelay $0x1  }
0x8a: {  	s1 =	srdreg.scid  }
0x8b: {  	s0 =	sand.u32 $0x1, s1  }
0x8c: {  	s16 =	sshll.u32 s0, $0xA;
	s2 =	sadd.s32 s3, s2  }
0x8d: {  	s2 =	sadd.s32 s2, s16  }
0x8e: {  	[smem:$0x3FC2] =	sst s2  }
0x8f: {  	_ = 	snop  }
0x90: {  	(tm) =	ssettm $0x1  }
0x91: {  	s17 =	sld [smem:$0x3FFB];
	_ =	sdelay $0x3  }
0x92: {  	_ =	strace s17  }
0x93: {  	s2 =	sld [smem:$0x3FFC];
	_ =	sdelay $0x3  }
0x94: {  	_ =	strace s2  }
0x95: {  	s2 =	sld [smem:$0x3FFD];
	_ =	sdelay $0x3  }
0x96: {  	_ =	strace s2  }
0x97: {  	_ =	strace $0x8FFFFFFF  }
0x98: {  	s18 =	sld [smem:$0x3FDB];
	_ =	sdelay $0x1  }
0x99: {  	s19 =	simm.s32 $_scs_section_size  }
0x9a: {  	s4 =	simm.s32 $_size__tile_overlayer_lowered;
	s5 =	simm.s32 $_tile_overlayer_lowered  }
0x9b: {  	s22 =	simm.s32 $0x1BFF;
	s21 =	sshll.u32 s5, $0x1;
	s2 =	sadd.s32 s19, s18  }
0x9c: {  	s6 =	simm.s32 $0x0;
	s20 =	sshll.u32 s4, $0x1;
	s4 =	sadd.s32 s21, s2  }
0x9d: {  	[timem:s6], [sflag:s22] =	dma.local [hbm:s4], s20  }
0x9e: {  	_ =	swait.ge [sflag:s22], s20  }
0x9f: {  	s3 =	ssub.s32 $0x0, s20;
	[sflag:s22] =	ssyncset.done $0x0  }
0xa0: {  	[sflag:s22] =	ssyncadd.s32 s3;
	_ =	sdelay $0x1  }
0xa1: {  	s23 =	simm.s32 $0x1B8B  }
0xa2: {  	_ =	swait.ge [sflag:s23], $0x1  }
0xa3: {  	[sflag:s23] =	ssyncset.done $0x0  }
0xa4: {  	s25 =	simm.s32 $0x1B8E;
	s24 =	sld [smem:$0x3FFE];
	[sflag:s23] =	ssyncadd.s32 $0xFFFFFFFF  }
0xa5: {  	s26 =	simm.s32 $execute0_lowered;
	[smem:$0x3FD2] =	sst s25  }
0xa6: {  	s4 =	sshll.u32 s26, $0x1;
	_ =	strace $0x80000049;
	[dreg:$0x1] =	wrdreg $0xFFFFFFFF  }
0xa7: {  	s28 =	simm.s32 $_size_execute0_lowered;
	s2 =	sadd.s32 s2, s4;
	[dreg:$0x0] =	wrdreg $0x0  }
0xa8: {  	s4 =	sshll.u32 s28, $0x1;
	[dreg:$0x2] =	wrdreg s2  }
0xa9: {  	[dreg:$0x3] =	wrdreg s4  }
0xaa: {  	[dreg:$0x4] =	wrdreg $0xC0  }
0xab: {  	_ =	task [dreg:s6], $0x5FFFF  }
0xac: {  	[dreg:$0x1] =	wrdreg $0xFFFFFFFF  }
0xad: {  	[dreg:$0x0] =	wrdreg $0x60  }
0xae: {  	[dreg:$0x2] =	wrdreg s24  }
0xaf: {  	[dreg:$0x3] =	wrdreg $0xA9000  }
0xb0: {  	[dreg:$0x4] =	wrdreg $0x9  }
0xb1: {  	_ =	task.clear_ibuf [dreg:s6], $0x5FFFF;
	_ =	strace $0x90000049  }
0xb2: {  	s29 =	simm.s32 $0x9;
	_ =	strace $0x8000004E  }
0xb3: {  	_ =	swait.ge [sflag:s29], $0x1  }
0xb4: {  	[sflag:s29] =	ssyncadd.s32 $0xFFFFFFFF  }
0xb5: {  	_ =	strace $0x9000004E  }
0xb6: {  	_ =	sfence  }
0xb7: {  	s30 =	sld [smem:$0x0];
	_ =	sdelay $0x2  }
0xb8: {  	s31 =	sshll.u32 s1, $0xD;
	s1 =	sshrl.u32 s1, $0x2  }
0xb9: {  	s3 =	sand.u32 $0x4000, s31;
	s1 =	sadd.s32 s1, s30  }
0xba: {  	s0 =	sor.u32 s3, s0;
	s1 =	sshll.u32 s1, $0x11  }
0xbb: {  	s0 =	sor.u32 s1, s0  }
0xbc: {  	s0 =	sadd.s32 $0x8F2B, s0  }
0xbd: {  	[sflag:s0] =	ssyncadd.remote.s32 $0x1  }
0xbe: {  	_ =	sfence.sel $0xFFFF  }
0xbf: {  	[dreg:$0x0] =	wrdreg $0xFFFFFFFF;
	(pc) =	sbr.abs _section_cstart, $3  }
0xc0: {  	[dreg:$0x1] =	wrdreg $0xFFFFFFFF  }
0xc1: {  	_ =	task.clear_ibuf [dreg:s6], $0x2FFFF;
	_ =	strace $0x9FFFFFFF  }
0xc2: {  	(tm) =	ssettm $0x7FFFFFFF  }
0xc3: {  	_ =	shalt  }
tec
execute0_lowered:
.L_overlay_start_1:
0x0: {  	(tag) =	ssettag $0x1  }
0x1: {  	s0 =	rddreg [dreg:$0x0]  }
0x2: {  	s1 =	rddreg [dreg:$0x1]  }
0x3: {  	s3 =	simm.s32 $0x0;
	s2 =	srdreg.scid;
	s7 =	stileid.u32  }
0x4: {  	s28 =	simm.s32 $0x80;
	s29 =	simm.s32 $0x2880;
	s30 =	simm.s32 $0x2800  }
0x5: {  	s31 =	simm.s32 $0x2900;
	[smem:$0x7FF] =	sst s3;
	s2 =	sand.u32 $0x1, s2  }
0x6: {  	s4 =	sadd.s32 $0x16200, s0;
	s10 =	smul.u32 $0x13C00, s7;
	s13 =	sadd.s32 $0xC200, s0  }
0x7: {  	s14 =	sadd.s32 $0x2200, s0;
	s19 =	sadd.s32 $0x3D400, s0;
	s22 =	smul.u32 $0x500, s7  }
0x8: {  	s12 =	sadd.s32 $0x2210, s0;
	_ =	strace $0x8000004A;
	s5 =	ssub.s32 $0x2, s2  }
0x9: {  	p0 =	seq.s32 s2, $0x1;
	s2 =	smul.u32 $0x13C000, s2;
	s6 =	sshrl.u32 s5, $0x1  }
0xa: {  	s15 =	sadd.s32 $0x4000, s10;
	s17 =	sadd.s32 $0x8000, s10;
	s18 =	sadd.s32 $0xC000, s10  }
0xb: {  	s21 =	sadd.s32 $0x10000, s10;
	s11 =	sadd.s32 s13, s22;
	s25 =	sadd.s32 $0x5000, s22  }
0xc: {  	s20 =	ssub.s32 s5, s6;
	s5 =	sadd.s32 s10, s1;
	s6 =	sadd.s32 s15, s1  }
0xd: {  	s7 =	sadd.s32 s17, s1;
	s8 =	sadd.s32 s18, s1;
	s9 =	sadd.s32 s21, s1  }
0xe: {  	[dreg:$0x3] =	wrdreg s11;
	s11 =	sadd.s32 s14, s22;
	s13 =	sadd.s32 s13, s25  }
0xf: {  	s10 =	sadd.s32 s10, s2;
	s26 =	sadd.s32 s2, s15;
	s0 =	sadd.s32 s14, s25  }
0x10: {  	s17 =	sadd.s32 s2, s17;
	s23 =	sadd.s32 s2, s18;
	s2 =	sadd.s32 s2, s21  }
0x11: {  	s25 =	sadd.s32 $0x4E0, s22;
	s14 =	simm.s32 $0x0;
	[dreg:$0x5] =	wrdreg s13  }
0x12: {  	[dreg:$0x6] =	wrdreg s0;
	s15 =	sshrl.u32 s10, $0x3;
	s16 =	sshrl.u32 s26, $0x3  }
0x13: {  	s0 =	sshrl.u32 s17, $0x3;
	s24 =	sshrl.u32 s23, $0x3;
	s2 =	sshrl.u32 s2, $0x3  }
0x14: {  	s20 =	smax.u32 s20, $0x1;
	[dreg:$0x7] =	wrdreg s25;
	s26 =	sadd.s32 $0x54E0, s22  }
.Ltmp0:
0x15: {  	s23 =	sadd.s32 $0x20, s11;
	[dreg:$0x4] =	wrdreg s11;
	(pc) =	sbr.rel .LBB2_1-.Ltmp0, $4  }
0x16: {  	s25 =	simm.s32 $0x6900;
	s10 =	simm.s32 $0x3;
	s15 =	sadd.s32 s19, s15  }
0x17: {  	s16 =	sadd.s32 s19, s16;
	s17 =	sadd.s32 s19, s0;
	s18 =	sadd.s32 s19, s24  }
0x18: {  	s19 =	sadd.s32 s19, s2;
	[dreg:$0x8] =	wrdreg s26;
	s24 =	sadd.s32 $0x5020, s11  }
0x19: {  	v0 =	vimm.f32 $0.0e+00;
	v1 =	vimm.s32 $0x0;
	s26 =	simm.s32 $0x4;
	s0 =	simm.s32 $0x1;
	s2 =	simm.s32 $0x2  }
.LBB2_6:
0x1a: {  	[tilespmem:s31], [sflag:$0x2] =	stream.indirect.gather [hbm4b:s4+s28], $0x80, s22, s28, $0x2000b8;
	[tilespmem:$0x1E500] =	vst v63  }
0x1b: {  	s13 =	rddreg [dreg:$0x7]  }
.LBB2_10:
0x1c: {  	_ =	swait.ge [sflag:s0], $0x80  }
0x1d: {  	[sflag:s0] =	ssyncset.done $0x0  }
0x1e: {  	[sflag:s0] =	ssyncadd.s32 $0xFFFFFF80  }
0x1f: {  	_ =	swait.ge [sflag:s2], $0x4000  }
0x20: {  	[sflag:s2] =	ssyncset.done $0x0  }
0x21: {  	[sflag:s2] =	ssyncadd.s32 $0xFFFFC000  }
0x22: {  	_ =	swait.ge [sflag:s10], $0x4000  }
0x23: {  	[sflag:s10] =	ssyncset.done $0x0  }
0x24: {  	[sflag:s10] =	ssyncadd.s32 $0xFFFFC000  }
0x25: {  	[spmem:s1] =	stream.indirect.scatter.add.f32 [tilespmem:s31], [sflag:$0x3], $0x80, s30, s28, $0x2000b8;
	[tilespmem:$0x1E500] =	vst v63  }
0x26: {  	s11 =	sadd.s32 s13, s12  }
0x27: {  	[tilespmem:s29], [sflag:$0x1] =	stream.linear.gather [hbm4b:s11+s3], $0x80, $0x200038;
	[tilespmem:$0x1E500] =	vst v63  }
0x28: {  	s22 =	simm.s32 $0x2780  }
0x29: {  	[tilespmem:s25], [sflag:$0x2] =	stream.indirect.gather [hbm4b:s4+s28], $0x80, s22, s28, $0x2000b8;
	[tilespmem:$0x1E500] =	vst v63  }
0x2a: {  	_ =	swait.ge [sflag:s0], $0x80  }
0x2b: {  	[sflag:s0] =	ssyncset.done $0x0  }
0x2c: {  	[sflag:s0] =	ssyncadd.s32 $0xFFFFFF80  }
0x2d: {  	_ =	swait.ge [sflag:s2], $0x4000  }
0x2e: {  	[sflag:s2] =	ssyncset.done $0x0  }
0x2f: {  	[sflag:s2] =	ssyncadd.s32 $0xFFFFC000  }
0x30: {  	_ =	swait.ge [sflag:s10], $0x4000  }
0x31: {  	[sflag:s10] =	ssyncset.done $0x0  }
0x32: {  	[sflag:s10] =	ssyncadd.s32 $0xFFFFC000  }
0x33: {  	[spmem:s1] =	stream.indirect.scatter.add.f32 [tilespmem:s25], [sflag:$0x3], $0x80, s29, s28, $0x2000b8;
	[tilespmem:$0x1E500] =	vst v63  }
0x34: {  	_ =	swait.ge [sflag:s10], $0x4000  }
0x35: {  	[sflag:s10] =	ssyncset.done $0x0  }
0x36: {  	[sflag:s10] =	ssyncadd.s32 $0xFFFFC000  }
0x37: {  	[bflag:$0x0] =	sbarrier.arrive $0xFFFF  }
0x38: {  	_ =	strace $0x9000004C  }
0x39: {  	_ =	strace $0x8000004D  }
0x3a: {  	[tilespmem:s31], [sflag:$0x4] =	stream.linear.gather [spmem:s5], $0x4000, $0x200038;
	[tilespmem:$0x1E500] =	vst v63  }
0x3b: {  	_ =	swait.ge [sflag:s26], $0x4000  }
0x3c: {  	[sflag:s26] =	ssyncset.done $0x0  }
0x3d: {  	[sflag:s26] =	ssyncadd.s32 $0xFFFFC000  }
0x3e: {  	[hbm4b:s15+s3] =	stream.linear.scatter [tilespmem:s31], [sflag:$0x4], $0x4000, $0x200038;
	[tilespmem:$0x1E500] =	vst v63  }
0x3f: {  	_ =	swait.ge [sflag:s26], $0x4000  }
0x40: {  	[sflag:s26] =	ssyncset.done $0x0  }
0x41: {  	[sflag:s26] =	ssyncadd.s32 $0xFFFFC000  }
0x42: {  	[tilespmem:s31], [sflag:$0x4] =	stream.linear.gather [spmem:s6], $0x4000, $0x200038;
	[tilespmem:$0x1E500] =	vst v63  }
0x43: {  	_ =	swait.ge [sflag:s26], $0x4000  }
0x44: {  	[sflag:s26] =	ssyncset.done $0x0  }
0x45: {  	[sflag:s26] =	ssyncadd.s32 $0xFFFFC000  }
0x46: {  	[hbm4b:s16+s3] =	stream.linear.scatter [tilespmem:s31], [sflag:$0x4], $0x4000, $0x200038;
	[tilespmem:$0x1E500] =	vst v63  }
0x47: {  	_ =	swait.ge [sflag:s26], $0x4000  }
0x48: {  	[sflag:s26] =	ssyncset.done $0x0  }
0x49: {  	[sflag:s26] =	ssyncadd.s32 $0xFFFFC000  }
0x4a: {  	[tilespmem:s31], [sflag:$0x4] =	stream.linear.gather [spmem:s7], $0x4000, $0x200038;
	[tilespmem:$0x1E500] =	vst v63  }
0x4b: {  	_ =	swait.ge [sflag:s26], $0x4000  }
0x4c: {  	[sflag:s26] =	ssyncset.done $0x0  }
0x4d: {  	[sflag:s26] =	ssyncadd.s32 $0xFFFFC000  }
0x4e: {  	[hbm4b:s17+s3] =	stream.linear.scatter [tilespmem:s31], [sflag:$0x4], $0x4000, $0x200038;
	[tilespmem:$0x1E500] =	vst v63  }
0x4f: {  	_ =	swait.ge [sflag:s26], $0x4000  }
0x50: {  	[sflag:s26] =	ssyncset.done $0x0  }
0x51: {  	[sflag:s26] =	ssyncadd.s32 $0xFFFFC000  }
0x52: {  	[tilespmem:s31], [sflag:$0x4] =	stream.linear.gather [spmem:s8], $0x4000, $0x200038;
	[tilespmem:$0x1E500] =	vst v63  }
0x53: {  	_ =	swait.ge [sflag:s26], $0x4000  }
0x54: {  	[sflag:s26] =	ssyncset.done $0x0  }
0x55: {  	[sflag:s26] =	ssyncadd.s32 $0xFFFFC000  }
0x56: {  	[hbm4b:s18+s3] =	stream.linear.scatter [tilespmem:s31], [sflag:$0x4], $0x4000, $0x200038;
	[tilespmem:$0x1E500] =	vst v63  }
0x57: {  	_ =	swait.ge [sflag:s26], $0x4000  }
0x58: {  	[sflag:s26] =	ssyncset.done $0x0  }
0x59: {  	[sflag:s26] =	ssyncadd.s32 $0xFFFFC000  }
0x5a: {  	[tilespmem:s31], [sflag:$0x4] =	stream.linear.gather [spmem:s9], $0x3C00, $0x200038;
	[tilespmem:$0x1E500] =	vst v63  }
0x5b: {  	_ =	swait.ge [sflag:s26], $0x3C00  }
0x5c: {  	s14 =	sadd.s32 $0x1, s14;
	[sflag:s26] =	ssyncset.done $0x0  }
0x5d: {  	p1 =	sne.s32 s14, s20;
	[sflag:s26] =	ssyncadd.s32 $0xFFFFC400  }
0x5e: {  	[hbm4b:s19+s3] =	stream.linear.scatter [tilespmem:s31], [sflag:$0x4], $0x3C00, $0x200038;
	[tilespmem:$0x1E500] =	vst v63  }
.Ltmp1:
0x5f: {  	_ = 	snop;
	(pc) =	sbr.rel @!p1 .LBB2_11-.Ltmp1, $4  }
0x60: {  	_ =	swait.ge [sflag:s26], $0x3C00  }
0x61: {  	[sflag:s26] =	ssyncset.done $0x0  }
0x62: {  	[sflag:s26] =	ssyncadd.s32 $0xFFFFC400  }
0x63: {  	_ =	strace $0x9000004D  }
.LBB2_1:
0x64: {  	_ =	strace $0x8000004B;
	s13 =	simm.s32 $0x0;
	s21 =	simm.s32 $0x200  }
.LBB2_2:
0x65: {  	p1 =	sne.s32 s21, $0xFE00;
	[tilespmem:s13+$0x6970] =	vst v0  }
0x66: {  	[tilespmem:s13+$0x6900] =	vst v0  }
0x67: {  	[tilespmem:s13+$0x6910] =	vst v0  }
.Ltmp2:
0x68: {  	[tilespmem:s13+$0x6920] =	vst v0;
	(pc) =	sbr.rel @p1 .LBB2_2-.Ltmp2, $4  }
0x69: {  	[tilespmem:s13+$0x6930] =	vst v0  }
0x6a: {  	[tilespmem:s13+$0x6940] =	vst v0  }
0x6b: {  	[tilespmem:s13+$0x6950] =	vst v0  }
0x6c: {  	[tilespmem:s13+$0x6960] =	vst v0;
	s13 =	sshra.s32 s21, $0x2;
	s21 =	sadd.s32 $0x200, s21  }
0x6d: {  	[tilespmem:s13+$0x6970] =	vst v0  }
0x6e: {  	[tilespmem:s13+$0x6900] =	vst v0  }
0x6f: {  	[tilespmem:s13+$0x6910] =	vst v0  }
0x70: {  	[tilespmem:s13+$0x6920] =	vst v0  }
0x71: {  	[tilespmem:s13+$0x6930] =	vst v0  }
0x72: {  	[tilespmem:s13+$0x6940] =	vst v0  }
0x73: {  	[tilespmem:s13+$0x6950] =	vst v0  }
0x74: {  	[tilespmem:s13+$0x6960] =	vst v0  }
0x75: {  	[tilespmem:$0x2880] =	vst v1  }
0x76: {  	[tilespmem:$0x2890] =	vst v1  }
0x77: {  	[tilespmem:$0x28A0] =	vst v1  }
0x78: {  	[tilespmem:$0x28B0] =	vst v1  }
0x79: {  	[tilespmem:$0x28C0] =	vst v1  }
0x7a: {  	[tilespmem:$0x28D0] =	vst v1  }
0x7b: {  	[tilespmem:$0x28E0] =	vst v1  }
0x7c: {  	[tilespmem:$0x28F0] =	vst v1  }
0x7d: {  	[spmem:s5] =	stream.linear.scatter [tilespmem:s25], [sflag:$0x4], $0x4000, $0x200038;
	[tilespmem:$0x1E500] =	vst v63  }
0x7e: {  	_ =	swait.ge [sflag:s26], $0x4000  }
0x7f: {  	[sflag:s26] =	ssyncset.done $0x0  }
0x80: {  	[sflag:s26] =	ssyncadd.s32 $0xFFFFC000  }
0x81: {  	[spmem:s6] =	stream.linear.scatter [tilespmem:s25], [sflag:$0x4], $0x4000, $0x200038;
	[tilespmem:$0x1E500] =	vst v63  }
0x82: {  	_ =	swait.ge [sflag:s26], $0x4000  }
0x83: {  	[sflag:s26] =	ssyncset.done $0x0  }
0x84: {  	[sflag:s26] =	ssyncadd.s32 $0xFFFFC000  }
0x85: {  	[spmem:s7] =	stream.linear.scatter [tilespmem:s25], [sflag:$0x4], $0x4000, $0x200038;
	[tilespmem:$0x1E500] =	vst v63  }
0x86: {  	_ =	swait.ge [sflag:s26], $0x4000  }
0x87: {  	[sflag:s26] =	ssyncset.done $0x0  }
0x88: {  	[sflag:s26] =	ssyncadd.s32 $0xFFFFC000  }
0x89: {  	[spmem:s8] =	stream.linear.scatter [tilespmem:s25], [sflag:$0x4], $0x4000, $0x200038;
	[tilespmem:$0x1E500] =	vst v63  }
0x8a: {  	_ =	swait.ge [sflag:s26], $0x4000  }
0x8b: {  	[sflag:s26] =	ssyncset.done $0x0  }
0x8c: {  	[sflag:s26] =	ssyncadd.s32 $0xFFFFC000  }
0x8d: {  	[spmem:s9] =	stream.linear.scatter [tilespmem:s25], [sflag:$0x4], $0x3C00, $0x200038;
	[tilespmem:$0x1E500] =	vst v63  }
0x8e: {  	_ =	swait.ge [sflag:s26], $0x3C00  }
.Ltmp3:
0x8f: {  	[sflag:s26] =	ssyncset.done $0x0;
	(pc) =	sbr.rel @!p0 .LBB2_4-.Ltmp3, $4  }
0x90: {  	[sflag:s26] =	ssyncadd.s32 $0xFFFFC400  }
0x91: {  	[bflag:$0x0] =	sbarrier.arrive $0xFFFF  }
0x92: {  	_ =	strace $0x9000004B  }
0x93: {  	_ =	strace $0x8000004C  }
0x94: {  	s11 =	rddreg [dreg:$0x5]  }
0x95: {  	[tilespmem:s3], [sflag:$0x4] =	stream.linear.gather [hbm4b:s11+s3], $0x2800, $0x200038;
	[tilespmem:$0x1E500] =	vst v63  }
0x96: {  	_ =	swait.ge [sflag:s26], $0x2800  }
0x97: {  	[sflag:s26] =	ssyncset.done $0x0  }
0x98: {  	[sflag:s26] =	ssyncadd.s32 $0xFFFFD800  }
0x99: {  	[spmem:s1] =	stream.indirect.scatter.add.f32 [tilespmem:s25], [sflag:$0x3], $0x80, s29, s28, $0x2000b8;
	[tilespmem:$0x1E500] =	vst v63  }
0x9a: {  	s13 =	rddreg [dreg:$0x6]  }
0x9b: {  	[tilespmem:s30], [sflag:$0x1] =	stream.linear.gather [hbm4b:s13+s3], $0x80, $0x200038;
	[tilespmem:$0x1E500] =	vst v63  }
0x9c: {  	_ = 	snop  }
0x9d: {  	[tilespmem:s31], [sflag:$0x2] =	stream.indirect.gather [hbm4b:s4+s28], $0x80, s3, s28, $0x2000b8;
	[tilespmem:$0x1E500] =	vst v63  }
0x9e: {  	_ =	swait.ge [sflag:s0], $0x80  }
0x9f: {  	[sflag:s0] =	ssyncset.done $0x0  }
0xa0: {  	[sflag:s0] =	ssyncadd.s32 $0xFFFFFF80  }
0xa1: {  	_ =	swait.ge [sflag:s2], $0x4000  }
0xa2: {  	[sflag:s2] =	ssyncset.done $0x0  }
0xa3: {  	[sflag:s2] =	ssyncadd.s32 $0xFFFFC000  }
0xa4: {  	_ =	swait.ge [sflag:s10], $0x4000  }
0xa5: {  	[sflag:s10] =	ssyncset.done $0x0  }
0xa6: {  	[sflag:s10] =	ssyncadd.s32 $0xFFFFC000  }
0xa7: {  	[spmem:s1] =	stream.indirect.scatter.add.f32 [tilespmem:s31], [sflag:$0x3], $0x80, s30, s28, $0x2000b8;
	[tilespmem:$0x1E500] =	vst v63  }
0xa8: {  	s21 =	sadd.s32 $0xFFFFFFF0, s24  }
0xa9: {  	[tilespmem:s29], [sflag:$0x1] =	stream.linear.gather [hbm4b:s21+s3], $0x80, $0x200038;
	[tilespmem:$0x1E500] =	vst v63  }
0xaa: {  	s22 =	simm.s32 $0x80  }
0xab: {  	[tilespmem:s25], [sflag:$0x2] =	stream.indirect.gather [hbm4b:s4+s28], $0x80, s22, s28, $0x2000b8;
	[tilespmem:$0x1E500] =	vst v63  }
0xac: {  	_ =	swait.ge [sflag:s0], $0x80  }
0xad: {  	[sflag:s0] =	ssyncset.done $0x0  }
0xae: {  	[sflag:s0] =	ssyncadd.s32 $0xFFFFFF80  }
0xaf: {  	_ =	swait.ge [sflag:s2], $0x4000  }
0xb0: {  	[sflag:s2] =	ssyncset.done $0x0  }
0xb1: {  	[sflag:s2] =	ssyncadd.s32 $0xFFFFC000  }
0xb2: {  	_ =	swait.ge [sflag:s10], $0x4000  }
0xb3: {  	[sflag:s10] =	ssyncset.done $0x0  }
0xb4: {  	[sflag:s10] =	ssyncadd.s32 $0xFFFFC000  }
0xb5: {  	[spmem:s1] =	stream.indirect.scatter.add.f32 [tilespmem:s25], [sflag:$0x3], $0x80, s29, s28, $0x2000b8;
	[tilespmem:$0x1E500] =	vst v63  }
0xb6: {  	s13 =	simm.s32 $0xFFFF6800;
	s21 =	sadd.s32 $0x20, s24;
	s22 =	simm.s32 $0x100  }
0xb7: {  	[tilespmem:s30], [sflag:$0x1] =	stream.linear.gather [hbm4b:s24+s3], $0x80, $0x200038;
	[tilespmem:$0x1E500] =	vst v63  }
.LBB2_8:
0xb8: {  	[tilespmem:s31], [sflag:$0x2] =	stream.indirect.gather [hbm4b:s4+s28], $0x80, s22, s28, $0x2000b8;
	[tilespmem:$0x1E500] =	vst v63  }
0xb9: {  	s11 =	smov.u32 s13  }
0xba: {  	p1 =	sne.s32 s13, $0xFFFFFC00;
	s13 =	sadd.s32 $0x400, s13;
	_ =	swait.ge [sflag:s0], $0x80  }
0xbb: {  	[sflag:s0] =	ssyncset.done $0x0  }
0xbc: {  	[sflag:s0] =	ssyncadd.s32 $0xFFFFFF80  }
0xbd: {  	_ =	swait.ge [sflag:s2], $0x4000  }
0xbe: {  	[sflag:s2] =	ssyncset.done $0x0  }
0xbf: {  	[sflag:s2] =	ssyncadd.s32 $0xFFFFC000  }
0xc0: {  	_ =	swait.ge [sflag:s10], $0x4000  }
0xc1: {  	[sflag:s10] =	ssyncset.done $0x0  }
0xc2: {  	[sflag:s10] =	ssyncadd.s32 $0xFFFFC000  }
0xc3: {  	[spmem:s1] =	stream.indirect.scatter.add.f32 [tilespmem:s31], [sflag:$0x3], $0x80, s30, s28, $0x2000b8;
	[tilespmem:$0x1E500] =	vst v63  }
0xc4: {  	s22 =	sadd.s32 $0xFFFFFFF0, s21;
	s11 =	sshra.s32 s11, $0x2  }
0xc5: {  	[tilespmem:s29], [sflag:$0x1] =	stream.linear.gather [hbm4b:s22+s3], $0x80, $0x200038;
	[tilespmem:$0x1E500] =	vst v63  }
0xc6: {  	s22 =	sadd.s32 $0x2780, s11  }
0xc7: {  	[tilespmem:s25], [sflag:$0x2] =	stream.indirect.gather [hbm4b:s4+s28], $0x80, s22, s28, $0x2000b8;
	[tilespmem:$0x1E500] =	vst v63  }
0xc8: {  	_ =	swait.ge [sflag:s0], $0x80  }
0xc9: {  	[sflag:s0] =	ssyncset.done $0x0  }
0xca: {  	[sflag:s0] =	ssyncadd.s32 $0xFFFFFF80  }
0xcb: {  	_ =	swait.ge [sflag:s2], $0x4000  }
0xcc: {  	[sflag:s2] =	ssyncset.done $0x0  }
0xcd: {  	[sflag:s2] =	ssyncadd.s32 $0xFFFFC000  }
0xce: {  	_ =	swait.ge [sflag:s10], $0x4000  }
0xcf: {  	[sflag:s10] =	ssyncset.done $0x0  }
.Ltmp4:
0xd0: {  	[sflag:s10] =	ssyncadd.s32 $0xFFFFC000;
	(pc) =	sbr.rel @p1 .LBB2_8-.Ltmp4, $4  }
0xd1: {  	[spmem:s1] =	stream.indirect.scatter.add.f32 [tilespmem:s25], [sflag:$0x3], $0x80, s29, s28, $0x2000b8;
	[tilespmem:$0x1E500] =	vst v63  }
0xd2: {  	_ = 	snop  }
0xd3: {  	[tilespmem:s30], [sflag:$0x1] =	stream.linear.gather [hbm4b:s21+s3], $0x80, $0x200038;
	[tilespmem:$0x1E500] =	vst v63  }
0xd4: {  	s22 =	sadd.s32 $0x2800, s11;
	s21 =	sadd.s32 $0x20, s21  }
.Ltmp5:
0xd5: {  	(pc) =	sbr.rel .LBB2_10-.Ltmp5, $3  }
0xd6: {  	_ =	sdelay $0x1  }
0xd7: {  	[tilespmem:s31], [sflag:$0x2] =	stream.indirect.gather [hbm4b:s4+s28], $0x80, s22, s28, $0x2000b8;
	[tilespmem:$0x1E500] =	vst v63  }
0xd8: {  	s13 =	rddreg [dreg:$0x8]  }
.LBB2_4:
0xd9: {  	s11 =	rddreg [dreg:$0x3]  }
0xda: {  	[tilespmem:s3], [sflag:$0x4] =	stream.linear.gather [hbm4b:s11+s3], $0x2800, $0x200038;
	[tilespmem:$0x1E500] =	vst v63  }
0xdb: {  	_ =	swait.ge [sflag:s26], $0x2800  }
0xdc: {  	[sflag:s26] =	ssyncset.done $0x0  }
0xdd: {  	[sflag:s26] =	ssyncadd.s32 $0xFFFFD800  }
0xde: {  	[spmem:s1] =	stream.indirect.scatter.add.f32 [tilespmem:s25], [sflag:$0x3], $0x80, s29, s28, $0x2000b8;
	[tilespmem:$0x1E500] =	vst v63  }
0xdf: {  	s21 =	rddreg [dreg:$0x4]  }
0xe0: {  	[tilespmem:s30], [sflag:$0x1] =	stream.linear.gather [hbm4b:s21+s3], $0x80, $0x200038;
	[tilespmem:$0x1E500] =	vst v63  }
0xe1: {  	_ = 	snop  }
0xe2: {  	[tilespmem:s31], [sflag:$0x2] =	stream.indirect.gather [hbm4b:s4+s28], $0x80, s3, s28, $0x2000b8;
	[tilespmem:$0x1E500] =	vst v63  }
0xe3: {  	_ =	swait.ge [sflag:s0], $0x80  }
0xe4: {  	[sflag:s0] =	ssyncset.done $0x0  }
0xe5: {  	[sflag:s0] =	ssyncadd.s32 $0xFFFFFF80  }
0xe6: {  	_ =	swait.ge [sflag:s2], $0x4000  }
0xe7: {  	[sflag:s2] =	ssyncset.done $0x0  }
0xe8: {  	[sflag:s2] =	ssyncadd.s32 $0xFFFFC000  }
0xe9: {  	_ =	swait.ge [sflag:s10], $0x4000  }
0xea: {  	[sflag:s10] =	ssyncset.done $0x0  }
0xeb: {  	[sflag:s10] =	ssyncadd.s32 $0xFFFFC000  }
0xec: {  	[spmem:s1] =	stream.indirect.scatter.add.f32 [tilespmem:s31], [sflag:$0x3], $0x80, s30, s28, $0x2000b8;
	[tilespmem:$0x1E500] =	vst v63  }
0xed: {  	s13 =	sadd.s32 $0xFFFFFFF0, s23  }
0xee: {  	[tilespmem:s29], [sflag:$0x1] =	stream.linear.gather [hbm4b:s13+s3], $0x80, $0x200038;
	[tilespmem:$0x1E500] =	vst v63  }
0xef: {  	s22 =	simm.s32 $0x80  }
0xf0: {  	[tilespmem:s25], [sflag:$0x2] =	stream.indirect.gather [hbm4b:s4+s28], $0x80, s22, s28, $0x2000b8;
	[tilespmem:$0x1E500] =	vst v63  }
0xf1: {  	_ =	swait.ge [sflag:s0], $0x80  }
0xf2: {  	[sflag:s0] =	ssyncset.done $0x0  }
0xf3: {  	[sflag:s0] =	ssyncadd.s32 $0xFFFFFF80  }
0xf4: {  	_ =	swait.ge [sflag:s2], $0x4000  }
0xf5: {  	[sflag:s2] =	ssyncset.done $0x0  }
0xf6: {  	[sflag:s2] =	ssyncadd.s32 $0xFFFFC000  }
0xf7: {  	_ =	swait.ge [sflag:s10], $0x4000  }
0xf8: {  	[sflag:s10] =	ssyncset.done $0x0  }
0xf9: {  	[sflag:s10] =	ssyncadd.s32 $0xFFFFC000  }
0xfa: {  	[spmem:s1] =	stream.indirect.scatter.add.f32 [tilespmem:s25], [sflag:$0x3], $0x80, s29, s28, $0x2000b8;
	[tilespmem:$0x1E500] =	vst v63  }
0xfb: {  	s21 =	sadd.s32 $0x20, s23;
	s13 =	simm.s32 $0xFFFF6800;
	s22 =	simm.s32 $0x100  }
0xfc: {  	[tilespmem:s30], [sflag:$0x1] =	stream.linear.gather [hbm4b:s23+s3], $0x80, $0x200038;
	[tilespmem:$0x1E500] =	vst v63  }
.LBB2_5:
0xfd: {  	[tilespmem:s31], [sflag:$0x2] =	stream.indirect.gather [hbm4b:s4+s28], $0x80, s22, s28, $0x2000b8;
	[tilespmem:$0x1E500] =	vst v63  }
0xfe: {  	s22 =	smov.u32 s13  }
0xff: {  	p1 =	seq.s32 s13, $0xFFFFFC00;
	s13 =	sadd.s32 $0x400, s13;
	_ =	swait.ge [sflag:s0], $0x80  }
0x100: {  	[sflag:s0] =	ssyncset.done $0x0  }
0x101: {  	[sflag:s0] =	ssyncadd.s32 $0xFFFFFF80  }
0x102: {  	_ =	swait.ge [sflag:s2], $0x4000  }
0x103: {  	[sflag:s2] =	ssyncset.done $0x0  }
0x104: {  	[sflag:s2] =	ssyncadd.s32 $0xFFFFC000  }
0x105: {  	_ =	swait.ge [sflag:s10], $0x4000  }
0x106: {  	[sflag:s10] =	ssyncset.done $0x0  }
0x107: {  	[sflag:s10] =	ssyncadd.s32 $0xFFFFC000  }
0x108: {  	[spmem:s1] =	stream.indirect.scatter.add.f32 [tilespmem:s31], [sflag:$0x3], $0x80, s30, s28, $0x2000b8;
	[tilespmem:$0x1E500] =	vst v63  }
0x109: {  	s11 =	sadd.s32 $0xFFFFFFF0, s21;
	s22 =	sshra.s32 s22, $0x2  }
0x10a: {  	[tilespmem:s29], [sflag:$0x1] =	stream.linear.gather [hbm4b:s11+s3], $0x80, $0x200038;
	[tilespmem:$0x1E500] =	vst v63  }
0x10b: {  	s11 =	sadd.s32 $0x2780, s22  }
0x10c: {  	[tilespmem:s25], [sflag:$0x2] =	stream.indirect.gather [hbm4b:s4+s28], $0x80, s11, s28, $0x2000b8;
	[tilespmem:$0x1E500] =	vst v63  }
0x10d: {  	_ =	swait.ge [sflag:s0], $0x80  }
0x10e: {  	[sflag:s0] =	ssyncset.done $0x0  }
0x10f: {  	[sflag:s0] =	ssyncadd.s32 $0xFFFFFF80  }
0x110: {  	_ =	swait.ge [sflag:s2], $0x4000  }
0x111: {  	[sflag:s2] =	ssyncset.done $0x0  }
0x112: {  	[sflag:s2] =	ssyncadd.s32 $0xFFFFC000  }
0x113: {  	_ =	swait.ge [sflag:s10], $0x4000  }
0x114: {  	[sflag:s10] =	ssyncset.done $0x0  }
.Ltmp6:
0x115: {  	[sflag:s10] =	ssyncadd.s32 $0xFFFFC000;
	(pc) =	sbr.rel @!p1 .LBB2_5-.Ltmp6, $4  }
0x116: {  	[spmem:s1] =	stream.indirect.scatter.add.f32 [tilespmem:s25], [sflag:$0x3], $0x80, s29, s28, $0x2000b8;
	[tilespmem:$0x1E500] =	vst v63  }
0x117: {  	_ = 	snop  }
0x118: {  	[tilespmem:s30], [sflag:$0x1] =	stream.linear.gather [hbm4b:s21+s3], $0x80, $0x200038;
	[tilespmem:$0x1E500] =	vst v63  }
0x119: {  	s22 =	sadd.s32 $0x2800, s22;
	s21 =	sadd.s32 $0x20, s21  }
.Ltmp7:
0x11a: {  	_ = 	snop;
	(pc) =	sbr.rel .LBB2_6-.Ltmp7, $1  }
0x11b: {  	_ =	sdelay $0x3  }
.LBB2_11:
0x11c: {  	_ =	sfence.sel $0x180000  }
0x11d: {  	[bflag:$0x0] =	sbarrier.arrive $0xFFFF  }
0x11e: {  	_ =	strace $0x9000004A  }
0x11f: {  	s0 =	stileid.u32;
	[bflag:$0x2] =	sbarrier.arrive $0xFFFF  }
0x120: {  	p0 =	sne.s32 s0, $0x0;
	s0 =	rddreg [dreg:$0x2]  }
0x121: {  	s0 =	sadd.s32 @!p0 $0x100000, s0  }
0x122: {  	[sflag:s0] =	ssyncadd.tile.s32 @!p0 $0x1;
	_ =	shalt  }
.Lfunc_end2:
_tile_overlayer_lowered:
.L_overlay_start_2:
0x123: {  	(tag) =	ssettag $0x2  }
0x124: {  	s0 =	rddreg [dreg:$0x0];
	s2 =	stileid.u32  }
0x125: {  	s1 =	rddreg [dreg:$0x1];
	p0 =	sne.s32 s2, $0x0  }
0x126: {  	s3 =	rddreg [dreg:$0x2];
	[bflag:$0x3] =	sbarrier.arrive $0xFFFF;
	s2 =	simm.s32 @!p0 $0x1C04  }
0x127: {  	[timem:s3], [sflag:s2] =	dma.local @!p0 [hbm:s0], s1  }
0x128: {  	s0 =	simm.s32 @!p0 $0x4  }
0x129: {  	_ =	swait.ge @!p0 [sflag:s0], s1  }
0x12a: {  	s1 =	ssub.s32 @!p0 $0x0, s1;
	[sflag:s0] =	ssyncset.done @!p0 $0x0  }
0x12b: {  	[sflag:s0] =	ssyncadd.s32 @!p0 s1  }
0x12c: {  	[bflag:$0x3] =	sbarrier.arrive $0xFFFF  }
0x12d: {  	_ =	shalt  }

// kernel: kernel.14.cloned.1.call-start
scs
__scs_entry_jumppad:
0x0: {  	(pc) =	sbr.rel $0x88, $3  }
0x1: {  	(tag) =	ssettag $0x0;
	lr =	simm.s32 $0x1  }
0x2: {  	[smem:$0x3F9B] =	sst lr;
	_ =	strace $0xD0000000  }
0x3: {  	_ = 	snop  }
0x4: {  	_ = 	snop  }
0x5: {  	_ = 	snop  }
0x6: {  	_ = 	snop  }
0x7: {  	_ = 	snop  }
__scs_overlays_trampoline_lowered:
0x8: {  	[smem:$0x3FAA] =	sst s0  }
0x9: {  	[smem:$0x3FAB] =	sst s1  }
0xa: {  	[smem:$0x3FAC] =	sst s2  }
0xb: {  	[smem:$0x3FAD] =	sst s3  }
0xc: {  	[smem:$0x3FAE] =	sst s4  }
0xd: {  	[smem:$0x3FAF] =	sst s5  }
0xe: {  	[smem:$0x3FB0] =	sst s6  }
0xf: {  	[smem:$0x3FB1] =	sst s7  }
0x10: {  	[smem:$0x3FB2] =	sst s8  }
0x11: {  	[smem:$0x3FB3] =	sst s9;
	s0 =	simm.s32 @!p0 $0x0  }
0x12: {  	s1 =	sld [smem:$0x3F99];
	s0 =	simm.s32 @p0 $0x1  }
0x13: {  	[smem:$0x3FB4] =	sst s0;
	s0 =	simm.s32 @!p1 $0x0  }
0x14: {  	s2 =	sld [smem:$0x3F98];
	s0 =	simm.s32 @p1 $0x1  }
0x15: {  	[smem:$0x3FB5] =	sst s0;
	s0 =	simm.s32 @!p2 $0x0  }
0x16: {  	s3 =	sld [smem:$0x3FDB];
	s0 =	simm.s32 @p2 $0x1  }
0x17: {  	s4 =	simm.s32 $0x1BF5;
	[smem:$0x3FB7] =	sst s0  }
0x18: {  	s0 =	sld [smem:$0x3F9A];
	_ =	swait.ge [sflag:s4], $0x0  }
0x19: {  	s7 =	sld [smem:$0x3F9B]  }
0x1a: {  	s8 =	sadd.s32 $0xFFFFE003, lr  }
0x1b: {  	s9 =	sadd.s32 $0xFFFFFEF7, lr;
	s5 =	simm.s32 $0xFFFFFFFF;
	p2 =	slt.u32 s8, $0xFFFFF086  }
0x1c: {  	p1 =	slt.u32 s9, $0xF7A;
	s5 =	simm.s32 @!p2 $0x0  }
0x1d: {  	s5 =	simm.s32 @p1 $0x1;
	p0 =	seq.s32 s7, s2  }
0x1e: {  	s7 =	smul.u32 @!p0 $0xF7A, s2;
	p2 =	seq.s32 @!p0 s5, $0x0  }
0x1f: {  	s9 =	smul.u32 $0xF7A, s1;
	s8 =	simm.s32 @!p0 $0x1BF5;
	p2 =	por !p2, p0  }
0x20: {  	[sflag:s8] =	ssyncset.s32 @!p0 $0xFFFFF086;
	s6 =	sadd.s32 @!p0 s3, s7;
	s7 =	simm.s32 @!p0 $0x108  }
0x21: {  	s3 =	sadd.s32 s3, s9;
	s6 =	sadd.s32 @!p0 $0x88, s6;
	s7 =	simm.s32 @p2 $0x1082  }
0x22: {  	[simem:s7], [sflag:s8] =	dma.local @!p0 [hbm:s6], $0xF7A  }
0x23: {  	s9 =	sor.u32 $0xD0000000, s2;
	s6 =	simm.s32 $0x108;
	_ =	swait.ge @!p0 [sflag:s8], $0x0  }
0x24: {  	s3 =	sadd.s32 $0x88, s3;
	s6 =	simm.s32 @!p1 $0x1082;
	[sflag:s4] =	ssyncset.s32 $0xFFFFF086  }
0x25: {  	[simem:s6], [sflag:s4] =	dma.local [hbm:s3], $0xF7A  }
0x26: {  	[smem:$0x3F9B] =	sst s1;
	(tag) =	ssettag s2;
	_ =	strace s9  }
0x27: {  	s1 =	sld [smem:$0x3FAB]  }
0x28: {  	s2 =	sld [smem:$0x3FAC]  }
0x29: {  	s4 =	sld [smem:$0x3FAE]  }
0x2a: {  	p0 =	seq.s32 s5, $0x0;
	s5 =	sld [smem:$0x3FAF]  }
0x2b: {  	s6 =	sld [smem:$0x3FB0]  }
0x2c: {  	s7 =	sld [smem:$0x3FB1]  }
0x2d: {  	s3 =	simm.s32 $0x108;
	s8 =	sld [smem:$0x3FB2]  }
0x2e: {  	s3 =	simm.s32 @!p0 $0x1082;
	s9 =	sld [smem:$0x3FB3]  }
0x2f: {  	lr =	sadd.s32 s0, s3;
	s0 =	sld [smem:$0x3FAA]  }
0x30: {  	s3 =	sld [smem:$0x3FAD]  }
0x31: {  	[smem:$0x3FB6] =	sst s10  }
0x32: {  	s10 =	sld [smem:$0x3FB4];
	_ =	sdelay $0x3  }
0x33: {  	p0 =	seq.s32 s10, $0x1;
	s10 =	sld [smem:$0x3FB6];
	_ =	sdelay $0x3  }
0x34: {  	[smem:$0x3FB6] =	sst s10  }
0x35: {  	s10 =	sld [smem:$0x3FB5];
	_ =	sdelay $0x3  }
0x36: {  	p1 =	seq.s32 s10, $0x1;
	s10 =	sld [smem:$0x3FB6];
	_ =	sdelay $0x3  }
0x37: {  	[smem:$0x3FB6] =	sst s10  }
0x38: {  	s10 =	sld [smem:$0x3FB7]  }
0x39: {  	_ = 	snop;
	(pc) =	sbr.ind lr, $3  }
0x3a: {  	_ = 	snop  }
0x3b: {  	_ = 	snop  }
0x3c: {  	p2 =	seq.s32 s10, $0x1;
	s10 =	sld [smem:$0x3FB6]  }
0x3d: {  	_ =	shalt  }
0x3e: {  	_ =	shalt  }
0x3f: {  	_ =	shalt  }
0x40: {  	_ =	shalt  }
0x41: {  	_ =	shalt  }
0x42: {  	_ =	shalt  }
0x43: {  	_ =	shalt  }
0x44: {  	_ =	shalt  }
0x45: {  	_ =	shalt  }
0x46: {  	_ =	shalt  }
0x47: {  	_ =	shalt  }
0x48: {  	_ =	shalt  }
0x49: {  	_ =	shalt  }
0x4a: {  	_ =	shalt  }
0x4b: {  	_ =	shalt  }
0x4c: {  	_ =	shalt  }
0x4d: {  	_ =	shalt  }
0x4e: {  	_ =	shalt  }
0x4f: {  	_ =	shalt  }
0x50: {  	_ =	shalt  }
0x51: {  	_ =	shalt  }
0x52: {  	_ =	shalt  }
0x53: {  	_ =	shalt  }
0x54: {  	_ =	shalt  }
0x55: {  	_ =	shalt  }
0x56: {  	_ =	shalt  }
0x57: {  	_ =	shalt  }
0x58: {  	_ =	shalt  }
0x59: {  	_ =	shalt  }
0x5a: {  	_ =	shalt  }
0x5b: {  	_ =	shalt  }
0x5c: {  	_ =	shalt  }
0x5d: {  	_ =	shalt  }
0x5e: {  	_ =	shalt  }
0x5f: {  	_ =	shalt  }
0x60: {  	_ =	shalt  }
0x61: {  	_ =	shalt  }
0x62: {  	_ =	shalt  }
0x63: {  	_ =	shalt  }
0x64: {  	_ =	shalt  }
0x65: {  	_ =	shalt  }
0x66: {  	_ =	shalt  }
0x67: {  	_ =	shalt  }
0x68: {  	_ =	shalt  }
0x69: {  	_ =	shalt  }
0x6a: {  	_ =	shalt  }
0x6b: {  	_ =	shalt  }
0x6c: {  	_ =	shalt  }
0x6d: {  	_ =	shalt  }
0x6e: {  	_ =	shalt  }
0x6f: {  	_ =	shalt  }
0x70: {  	_ =	shalt  }
0x71: {  	_ =	shalt  }
0x72: {  	_ =	shalt  }
0x73: {  	_ =	shalt  }
0x74: {  	_ =	shalt  }
0x75: {  	_ =	shalt  }
0x76: {  	_ =	shalt  }
0x77: {  	_ =	shalt  }
0x78: {  	_ =	shalt  }
0x79: {  	_ =	shalt  }
0x7a: {  	_ =	shalt  }
0x7b: {  	_ =	shalt  }
0x7c: {  	_ =	shalt  }
0x7d: {  	_ =	shalt  }
0x7e: {  	_ =	shalt  }
0x7f: {  	_ =	shalt  }
0x80: {  	_ =	shalt  }
0x81: {  	_ =	shalt  }
0x82: {  	_ =	shalt  }
0x83: {  	_ =	shalt  }
0x84: {  	_ =	shalt  }
0x85: {  	_ =	shalt  }
0x86: {  	_ =	shalt  }
0x87: {  	_ =	shalt  }
.Lfunc_end0:
.L_simem_size_0:
called_computation.2_lowered:
.L_overlay_start_0:
0x88: {  	s2 =	sld [smem:$0x3FD9]  }
0x89: {  	s3 =	sld [smem:$0x3FFE];
	_ =	sdelay $0x1  }
0x8a: {  	s1 =	srdreg.scid  }
0x8b: {  	s0 =	sand.u32 $0x1, s1  }
0x8c: {  	s17 =	sshll.u32 s0, $0xA;
	s2 =	sadd.s32 s3, s2  }
0x8d: {  	s2 =	sadd.s32 s2, s17  }
0x8e: {  	[smem:$0x3FC2] =	sst s2  }
0x8f: {  	_ = 	snop  }
0x90: {  	s2 =	sld [smem:$0x3FD0];
	(tm) =	ssettm $0x1  }
0x91: {  	s18 =	sld [smem:$0x3FFB];
	_ =	sdelay $0x3  }
0x92: {  	_ =	strace s18  }
0x93: {  	s3 =	sld [smem:$0x3FFC];
	_ =	sdelay $0x3  }
0x94: {  	_ =	strace s3  }
0x95: {  	s3 =	sld [smem:$0x3FFD];
	_ =	sdelay $0x3  }
0x96: {  	_ =	strace s3  }
0x97: {  	_ =	strace $0x8FFFFFFF  }
0x98: {  	s19 =	sld [smem:$0x3FDB];
	_ =	sdelay $0x1  }
0x99: {  	s4 =	simm.s32 $_scs_section_size  }
0x9a: {  	s5 =	simm.s32 $_size__tile_overlayer_lowered;
	s6 =	simm.s32 $_tile_overlayer_lowered  }
0x9b: {  	s22 =	simm.s32 $0x1BFF;
	s21 =	sshll.u32 s6, $0x1;
	s3 =	sadd.s32 s4, s19  }
0x9c: {  	s7 =	simm.s32 $0x0;
	s20 =	sshll.u32 s5, $0x1;
	s5 =	sadd.s32 s21, s3  }
0x9d: {  	[timem:s7], [sflag:s22] =	dma.local [hbm:s5], s20  }
0x9e: {  	_ =	swait.ge [sflag:s22], s20  }
0x9f: {  	s4 =	ssub.s32 $0x0, s20;
	[sflag:s22] =	ssyncset.done $0x0  }
0xa0: {  	[sflag:s22] =	ssyncadd.s32 s4;
	_ =	sdelay $0x1  }
0xa1: {  	s23 =	simm.s32 $0x1B8B  }
0xa2: {  	_ =	swait.ge [sflag:s23], $0x1  }
0xa3: {  	[sflag:s23] =	ssyncset.done $0x0  }
0xa4: {  	s25 =	simm.s32 $0x1B8E;
	s24 =	sld [smem:$0x3FFE];
	[sflag:s23] =	ssyncadd.s32 $0xFFFFFFFF  }
0xa5: {  	s26 =	simm.s32 $execute0_lowered;
	[smem:$0x3FD2] =	sst s25  }
0xa6: {  	s5 =	sshll.u32 s26, $0x1;
	_ =	strace $0x8000004F;
	[dreg:$0x1] =	wrdreg $0xFFFFFFFF  }
0xa7: {  	s28 =	simm.s32 $_size_execute0_lowered;
	s3 =	sadd.s32 s3, s5;
	[dreg:$0x0] =	wrdreg $0x0  }
0xa8: {  	s5 =	sshll.u32 s28, $0x1;
	[dreg:$0x2] =	wrdreg s3  }
0xa9: {  	[dreg:$0x3] =	wrdreg s5  }
0xaa: {  	[dreg:$0x4] =	wrdreg $0xC0  }
0xab: {  	_ =	task [dreg:s7], $0x5FFFF  }
0xac: {  	[dreg:$0x1] =	wrdreg $0xFFFFFFFF  }
0xad: {  	[dreg:$0x0] =	wrdreg $0x60  }
0xae: {  	[dreg:$0x2] =	wrdreg s2  }
0xaf: {  	[dreg:$0x3] =	wrdreg s24  }
0xb0: {  	[dreg:$0x4] =	wrdreg $0x49000  }
0xb1: {  	[dreg:$0x5] =	wrdreg $0x9  }
0xb2: {  	_ =	task.clear_ibuf [dreg:s7], $0x6FFFF;
	_ =	strace $0x9000004F  }
0xb3: {  	s29 =	simm.s32 $0x9;
	_ =	strace $0x80000054  }
0xb4: {  	_ =	swait.ge [sflag:s29], $0x1  }
0xb5: {  	[sflag:s29] =	ssyncadd.s32 $0xFFFFFFFF  }
0xb6: {  	_ =	strace $0x90000054  }
0xb7: {  	_ =	sfence  }
0xb8: {  	s30 =	sld [smem:$0x0];
	_ =	sdelay $0x2  }
0xb9: {  	s31 =	sshll.u32 s1, $0xD;
	s1 =	sshrl.u32 s1, $0x2  }
0xba: {  	s3 =	sand.u32 $0x4000, s31;
	s1 =	sadd.s32 s1, s30  }
0xbb: {  	s0 =	sor.u32 s3, s0;
	s1 =	sshll.u32 s1, $0x11  }
0xbc: {  	s0 =	sor.u32 s1, s0  }
0xbd: {  	s0 =	sadd.s32 $0x8F2B, s0  }
0xbe: {  	[sflag:s0] =	ssyncadd.remote.s32 $0x1  }
0xbf: {  	_ =	sfence.sel $0xFFFF  }
0xc0: {  	[dreg:$0x0] =	wrdreg $0xFFFFFFFF;
	(pc) =	sbr.abs _section_cstart, $3  }
0xc1: {  	[dreg:$0x1] =	wrdreg $0xFFFFFFFF  }
0xc2: {  	_ =	task.clear_ibuf [dreg:s7], $0x2FFFF;
	_ =	strace $0x9FFFFFFF  }
0xc3: {  	(tm) =	ssettm $0x7FFFFFFF  }
tec
execute0_lowered:
.L_overlay_start_1:
0x0: {  	(tag) =	ssettag $0x1  }
0x1: {  	s1 =	rddreg [dreg:$0x0]  }
0x2: {  	s0 =	rddreg [dreg:$0x1]  }
0x3: {  	s2 =	rddreg [dreg:$0x2];
	s4 =	simm.s32 $0x0;
	s3 =	srdreg.scid  }
0x4: {  	s7 =	stileid.u32;
	s28 =	simm.s32 $0x80;
	s29 =	simm.s32 $0x2880  }
0x5: {  	s30 =	simm.s32 $0x2800;
	s31 =	simm.s32 $0x2900;
	[smem:$0x7FF] =	sst s4  }
0x6: {  	s3 =	sand.u32 $0x1, s3;
	s10 =	smul.u32 $0x4F00, s7;
	s13 =	sadd.s32 $0xC200, s0  }
0x7: {  	s14 =	sadd.s32 $0x2200, s0;
	s19 =	sadd.s32 $0x16200, s0;
	s22 =	smul.u32 $0x500, s7  }
0x8: {  	s12 =	sadd.s32 $0x2210, s0;
	_ =	strace $0x80000050;
	s5 =	ssub.s32 $0x2, s3  }
0x9: {  	p0 =	seq.s32 s3, $0x1;
	s3 =	smul.u32 $0x4F000, s3;
	s6 =	sshrl.u32 s5, $0x1  }
0xa: {  	s15 =	sadd.s32 $0x1000, s10;
	s17 =	sadd.s32 $0x2000, s10;
	s18 =	sadd.s32 $0x3000, s10  }
0xb: {  	s21 =	sadd.s32 $0x4000, s10;
	s11 =	sadd.s32 s13, s22;
	s25 =	sadd.s32 $0x5000, s22  }
0xc: {  	s20 =	ssub.s32 s5, s6;
	s5 =	sadd.s32 s10, s2;
	s6 =	sadd.s32 s15, s2  }
0xd: {  	s7 =	sadd.s32 s17, s2;
	s8 =	sadd.s32 s18, s2;
	s9 =	sadd.s32 s21, s2  }
0xe: {  	[dreg:$0x4] =	wrdreg s11;
	s11 =	sadd.s32 s14, s22;
	s13 =	sadd.s32 s13, s25  }
0xf: {  	s10 =	sadd.s32 s10, s3;
	s26 =	sadd.s32 s3, s15;
	s0 =	sadd.s32 s14, s25  }
0x10: {  	s17 =	sadd.s32 s3, s17;
	s23 =	sadd.s32 s3, s18;
	s3 =	sadd.s32 s3, s21  }
0x11: {  	s25 =	sadd.s32 $0x4E0, s22;
	s14 =	simm.s32 $0x0;
	[dreg:$0x6] =	wrdreg s13  }
0x12: {  	[dreg:$0x7] =	wrdreg s0;
	s15 =	sshrl.u32 s10, $0x3;
	s16 =	sshrl.u32 s26, $0x3  }
0x13: {  	s0 =	sshrl.u32 s17, $0x3;
	s24 =	sshrl.u32 s23, $0x3;
	s3 =	sshrl.u32 s3, $0x3  }
0x14: {  	s20 =	smax.u32 s20, $0x1;
	[dreg:$0x8] =	wrdreg s25;
	s26 =	sadd.s32 $0x54E0, s22  }
.Ltmp0:
0x15: {  	s23 =	sadd.s32 $0x20, s11;
	[dreg:$0x5] =	wrdreg s11;
	(pc) =	sbr.rel .LBB2_1-.Ltmp0, $4  }
0x16: {  	s25 =	simm.s32 $0x3900;
	s10 =	simm.s32 $0x3;
	s15 =	sadd.s32 s19, s15  }
0x17: {  	s16 =	sadd.s32 s19, s16;
	s17 =	sadd.s32 s19, s0;
	s18 =	sadd.s32 s19, s24  }
0x18: {  	s19 =	sadd.s32 s19, s3;
	[dreg:$0x9] =	wrdreg s26;
	s24 =	sadd.s32 $0x5020, s11  }
0x19: {  	v0 =	vimm.f32 $0.0e+00;
	v1 =	vimm.s32 $0x0;
	s26 =	simm.s32 $0x4;
	s0 =	simm.s32 $0x1;
	s3 =	simm.s32 $0x2  }
.LBB2_6:
0x1a: {  	[tilespmem:s31], [sflag:$0x2] =	stream.indirect.gather [hbm4b:s1+s28], $0x20, s22, s28, $0x2000b8;
	[tilespmem:$0x9800] =	vst v63  }
0x1b: {  	s13 =	rddreg [dreg:$0x8]  }
.LBB2_10:
0x1c: {  	_ =	swait.ge [sflag:s0], $0x80  }
0x1d: {  	[sflag:s0] =	ssyncset.done $0x0  }
0x1e: {  	[sflag:s0] =	ssyncadd.s32 $0xFFFFFF80  }
0x1f: {  	_ =	swait.ge [sflag:s3], $0x1000  }
0x20: {  	[sflag:s3] =	ssyncset.done $0x0  }
0x21: {  	[sflag:s3] =	ssyncadd.s32 $0xFFFFF000  }
0x22: {  	_ =	swait.ge [sflag:s10], $0x1000  }
0x23: {  	[sflag:s10] =	ssyncset.done $0x0  }
0x24: {  	[sflag:s10] =	ssyncadd.s32 $0xFFFFF000  }
0x25: {  	[spmem:s2] =	stream.indirect.scatter.add.f32 [tilespmem:s31], [sflag:$0x3], $0x20, s30, s28, $0x2000b8;
	[tilespmem:$0x9800] =	vst v63  }
0x26: {  	s11 =	sadd.s32 s13, s12  }
0x27: {  	[tilespmem:s29], [sflag:$0x1] =	stream.linear.gather [hbm4b:s11+s4], $0x80, $0x200038;
	[tilespmem:$0x9800] =	vst v63  }
0x28: {  	s22 =	simm.s32 $0x2780  }
0x29: {  	[tilespmem:s25], [sflag:$0x2] =	stream.indirect.gather [hbm4b:s1+s28], $0x20, s22, s28, $0x2000b8;
	[tilespmem:$0x9800] =	vst v63  }
0x2a: {  	_ =	swait.ge [sflag:s0], $0x80  }
0x2b: {  	[sflag:s0] =	ssyncset.done $0x0  }
0x2c: {  	[sflag:s0] =	ssyncadd.s32 $0xFFFFFF80  }
0x2d: {  	_ =	swait.ge [sflag:s3], $0x1000  }
0x2e: {  	[sflag:s3] =	ssyncset.done $0x0  }
0x2f: {  	[sflag:s3] =	ssyncadd.s32 $0xFFFFF000  }
0x30: {  	_ =	swait.ge [sflag:s10], $0x1000  }
0x31: {  	[sflag:s10] =	ssyncset.done $0x0  }
0x32: {  	[sflag:s10] =	ssyncadd.s32 $0xFFFFF000  }
0x33: {  	[spmem:s2] =	stream.indirect.scatter.add.f32 [tilespmem:s25], [sflag:$0x3], $0x20, s29, s28, $0x2000b8;
	[tilespmem:$0x9800] =	vst v63  }
0x34: {  	_ =	swait.ge [sflag:s10], $0x1000  }
0x35: {  	[sflag:s10] =	ssyncset.done $0x0  }
0x36: {  	[sflag:s10] =	ssyncadd.s32 $0xFFFFF000  }
0x37: {  	[bflag:$0x0] =	sbarrier.arrive $0xFFFF  }
0x38: {  	_ =	strace $0x90000052  }
0x39: {  	_ =	strace $0x80000053  }
0x3a: {  	[tilespmem:s31], [sflag:$0x4] =	stream.linear.gather [spmem:s5], $0x1000, $0x200038;
	[tilespmem:$0x9800] =	vst v63  }
0x3b: {  	_ =	swait.ge [sflag:s26], $0x1000  }
0x3c: {  	[sflag:s26] =	ssyncset.done $0x0  }
0x3d: {  	[sflag:s26] =	ssyncadd.s32 $0xFFFFF000  }
0x3e: {  	[hbm4b:s15+s4] =	stream.linear.scatter [tilespmem:s31], [sflag:$0x4], $0x1000, $0x200038;
	[tilespmem:$0x9800] =	vst v63  }
0x3f: {  	_ =	swait.ge [sflag:s26], $0x1000  }
0x40: {  	[sflag:s26] =	ssyncset.done $0x0  }
0x41: {  	[sflag:s26] =	ssyncadd.s32 $0xFFFFF000  }
0x42: {  	[tilespmem:s31], [sflag:$0x4] =	stream.linear.gather [spmem:s6], $0x1000, $0x200038;
	[tilespmem:$0x9800] =	vst v63  }
0x43: {  	_ =	swait.ge [sflag:s26], $0x1000  }
0x44: {  	[sflag:s26] =	ssyncset.done $0x0  }
0x45: {  	[sflag:s26] =	ssyncadd.s32 $0xFFFFF000  }
0x46: {  	[hbm4b:s16+s4] =	stream.linear.scatter [tilespmem:s31], [sflag:$0x4], $0x1000, $0x200038;
	[tilespmem:$0x9800] =	vst v63  }
0x47: {  	_ =	swait.ge [sflag:s26], $0x1000  }
0x48: {  	[sflag:s26] =	ssyncset.done $0x0  }
0x49: {  	[sflag:s26] =	ssyncadd.s32 $0xFFFFF000  }
0x4a: {  	[tilespmem:s31], [sflag:$0x4] =	stream.linear.gather [spmem:s7], $0x1000, $0x200038;
	[tilespmem:$0x9800] =	vst v63  }
0x4b: {  	_ =	swait.ge [sflag:s26], $0x1000  }
0x4c: {  	[sflag:s26] =	ssyncset.done $0x0  }
0x4d: {  	[sflag:s26] =	ssyncadd.s32 $0xFFFFF000  }
0x4e: {  	[hbm4b:s17+s4] =	stream.linear.scatter [tilespmem:s31], [sflag:$0x4], $0x1000, $0x200038;
	[tilespmem:$0x9800] =	vst v63  }
0x4f: {  	_ =	swait.ge [sflag:s26], $0x1000  }
0x50: {  	[sflag:s26] =	ssyncset.done $0x0  }
0x51: {  	[sflag:s26] =	ssyncadd.s32 $0xFFFFF000  }
0x52: {  	[tilespmem:s31], [sflag:$0x4] =	stream.linear.gather [spmem:s8], $0x1000, $0x200038;
	[tilespmem:$0x9800] =	vst v63  }
0x53: {  	_ =	swait.ge [sflag:s26], $0x1000  }
0x54: {  	[sflag:s26] =	ssyncset.done $0x0  }
0x55: {  	[sflag:s26] =	ssyncadd.s32 $0xFFFFF000  }
0x56: {  	[hbm4b:s18+s4] =	stream.linear.scatter [tilespmem:s31], [sflag:$0x4], $0x1000, $0x200038;
	[tilespmem:$0x9800] =	vst v63  }
0x57: {  	_ =	swait.ge [sflag:s26], $0x1000  }
0x58: {  	[sflag:s26] =	ssyncset.done $0x0  }
0x59: {  	[sflag:s26] =	ssyncadd.s32 $0xFFFFF000  }
0x5a: {  	[tilespmem:s31], [sflag:$0x4] =	stream.linear.gather [spmem:s9], $0xF00, $0x200038;
	[tilespmem:$0x9800] =	vst v63  }
0x5b: {  	_ =	swait.ge [sflag:s26], $0xF00  }
0x5c: {  	s14 =	sadd.s32 $0x1, s14;
	[sflag:s26] =	ssyncset.done $0x0  }
0x5d: {  	p1 =	sne.s32 s14, s20;
	[sflag:s26] =	ssyncadd.s32 $0xFFFFF100  }
0x5e: {  	[hbm4b:s19+s4] =	stream.linear.scatter [tilespmem:s31], [sflag:$0x4], $0xF00, $0x200038;
	[tilespmem:$0x9800] =	vst v63  }
.Ltmp1:
0x5f: {  	_ = 	snop;
	(pc) =	sbr.rel @!p1 .LBB2_11-.Ltmp1, $4  }
0x60: {  	_ =	swait.ge [sflag:s26], $0xF00  }
0x61: {  	[sflag:s26] =	ssyncset.done $0x0  }
0x62: {  	[sflag:s26] =	ssyncadd.s32 $0xFFFFF100  }
0x63: {  	_ =	strace $0x90000053  }
.LBB2_1:
0x64: {  	_ =	strace $0x80000051;
	s13 =	simm.s32 $0x80;
	s21 =	simm.s32 $0x0  }
.LBB2_2:
0x65: {  	p1 =	sne.s32 s13, $0x3F80;
	[tilespmem:s21+$0x3900] =	vst v0;
	s22 =	smov.u32 s13;
	s13 =	sadd.s32 $0x80, s13  }
.Ltmp2:
0x66: {  	[tilespmem:s21+$0x3910] =	vst v0;
	(pc) =	sbr.rel @p1 .LBB2_2-.Ltmp2, $2  }
0x67: {  	_ =	sdelay $0x2  }
0x68: {  	s21 =	sshra.s32 s22, $0x2  }
0x69: {  	[tilespmem:s21+$0x3900] =	vst v0  }
0x6a: {  	[tilespmem:s21+$0x3910] =	vst v0  }
0x6b: {  	[tilespmem:$0x2880] =	vst v1  }
0x6c: {  	[tilespmem:$0x2890] =	vst v1  }
0x6d: {  	[tilespmem:$0x28A0] =	vst v1  }
0x6e: {  	[tilespmem:$0x28B0] =	vst v1  }
0x6f: {  	[tilespmem:$0x28C0] =	vst v1  }
0x70: {  	[tilespmem:$0x28D0] =	vst v1  }
0x71: {  	[tilespmem:$0x28E0] =	vst v1  }
0x72: {  	[tilespmem:$0x28F0] =	vst v1  }
0x73: {  	[spmem:s5] =	stream.linear.scatter [tilespmem:s25], [sflag:$0x4], $0x1000, $0x200038;
	[tilespmem:$0x9800] =	vst v63  }
0x74: {  	_ =	swait.ge [sflag:s26], $0x1000  }
0x75: {  	[sflag:s26] =	ssyncset.done $0x0  }
0x76: {  	[sflag:s26] =	ssyncadd.s32 $0xFFFFF000  }
0x77: {  	[spmem:s6] =	stream.linear.scatter [tilespmem:s25], [sflag:$0x4], $0x1000, $0x200038;
	[tilespmem:$0x9800] =	vst v63  }
0x78: {  	_ =	swait.ge [sflag:s26], $0x1000  }
0x79: {  	[sflag:s26] =	ssyncset.done $0x0  }
0x7a: {  	[sflag:s26] =	ssyncadd.s32 $0xFFFFF000  }
0x7b: {  	[spmem:s7] =	stream.linear.scatter [tilespmem:s25], [sflag:$0x4], $0x1000, $0x200038;
	[tilespmem:$0x9800] =	vst v63  }
0x7c: {  	_ =	swait.ge [sflag:s26], $0x1000  }
0x7d: {  	[sflag:s26] =	ssyncset.done $0x0  }
0x7e: {  	[sflag:s26] =	ssyncadd.s32 $0xFFFFF000  }
0x7f: {  	[spmem:s8] =	stream.linear.scatter [tilespmem:s25], [sflag:$0x4], $0x1000, $0x200038;
	[tilespmem:$0x9800] =	vst v63  }
0x80: {  	_ =	swait.ge [sflag:s26], $0x1000  }
0x81: {  	[sflag:s26] =	ssyncset.done $0x0  }
0x82: {  	[sflag:s26] =	ssyncadd.s32 $0xFFFFF000  }
0x83: {  	[spmem:s9] =	stream.linear.scatter [tilespmem:s25], [sflag:$0x4], $0xF00, $0x200038;
	[tilespmem:$0x9800] =	vst v63  }
0x84: {  	_ =	swait.ge [sflag:s26], $0xF00  }
.Ltmp3:
0x85: {  	[sflag:s26] =	ssyncset.done $0x0;
	(pc) =	sbr.rel @!p0 .LBB2_4-.Ltmp3, $4  }
0x86: {  	[sflag:s26] =	ssyncadd.s32 $0xFFFFF100  }
0x87: {  	[bflag:$0x0] =	sbarrier.arrive $0xFFFF  }
0x88: {  	_ =	strace $0x90000051  }
0x89: {  	_ =	strace $0x80000052  }
0x8a: {  	s11 =	rddreg [dreg:$0x6]  }
0x8b: {  	[tilespmem:s4], [sflag:$0x4] =	stream.linear.gather [hbm4b:s11+s4], $0x2800, $0x200038;
	[tilespmem:$0x9800] =	vst v63  }
0x8c: {  	_ =	swait.ge [sflag:s26], $0x2800  }
0x8d: {  	[sflag:s26] =	ssyncset.done $0x0  }
0x8e: {  	[sflag:s26] =	ssyncadd.s32 $0xFFFFD800  }
0x8f: {  	[spmem:s2] =	stream.indirect.scatter.add.f32 [tilespmem:s25], [sflag:$0x3], $0x20, s29, s28, $0x2000b8;
	[tilespmem:$0x9800] =	vst v63  }
0x90: {  	s13 =	rddreg [dreg:$0x7]  }
0x91: {  	[tilespmem:s30], [sflag:$0x1] =	stream.linear.gather [hbm4b:s13+s4], $0x80, $0x200038;
	[tilespmem:$0x9800] =	vst v63  }
0x92: {  	_ = 	snop  }
0x93: {  	[tilespmem:s31], [sflag:$0x2] =	stream.indirect.gather [hbm4b:s1+s28], $0x20, s4, s28, $0x2000b8;
	[tilespmem:$0x9800] =	vst v63  }
0x94: {  	_ =	swait.ge [sflag:s0], $0x80  }
0x95: {  	[sflag:s0] =	ssyncset.done $0x0  }
0x96: {  	[sflag:s0] =	ssyncadd.s32 $0xFFFFFF80  }
0x97: {  	_ =	swait.ge [sflag:s3], $0x1000  }
0x98: {  	[sflag:s3] =	ssyncset.done $0x0  }
0x99: {  	[sflag:s3] =	ssyncadd.s32 $0xFFFFF000  }
0x9a: {  	_ =	swait.ge [sflag:s10], $0x1000  }
0x9b: {  	[sflag:s10] =	ssyncset.done $0x0  }
0x9c: {  	[sflag:s10] =	ssyncadd.s32 $0xFFFFF000  }
0x9d: {  	[spmem:s2] =	stream.indirect.scatter.add.f32 [tilespmem:s31], [sflag:$0x3], $0x20, s30, s28, $0x2000b8;
	[tilespmem:$0x9800] =	vst v63  }
0x9e: {  	s21 =	sadd.s32 $0xFFFFFFF0, s24  }
0x9f: {  	[tilespmem:s29], [sflag:$0x1] =	stream.linear.gather [hbm4b:s21+s4], $0x80, $0x200038;
	[tilespmem:$0x9800] =	vst v63  }
0xa0: {  	s22 =	simm.s32 $0x80  }
0xa1: {  	[tilespmem:s25], [sflag:$0x2] =	stream.indirect.gather [hbm4b:s1+s28], $0x20, s22, s28, $0x2000b8;
	[tilespmem:$0x9800] =	vst v63  }
0xa2: {  	_ =	swait.ge [sflag:s0], $0x80  }
0xa3: {  	[sflag:s0] =	ssyncset.done $0x0  }
0xa4: {  	[sflag:s0] =	ssyncadd.s32 $0xFFFFFF80  }
0xa5: {  	_ =	swait.ge [sflag:s3], $0x1000  }
0xa6: {  	[sflag:s3] =	ssyncset.done $0x0  }
0xa7: {  	[sflag:s3] =	ssyncadd.s32 $0xFFFFF000  }
0xa8: {  	_ =	swait.ge [sflag:s10], $0x1000  }
0xa9: {  	[sflag:s10] =	ssyncset.done $0x0  }
0xaa: {  	[sflag:s10] =	ssyncadd.s32 $0xFFFFF000  }
0xab: {  	[spmem:s2] =	stream.indirect.scatter.add.f32 [tilespmem:s25], [sflag:$0x3], $0x20, s29, s28, $0x2000b8;
	[tilespmem:$0x9800] =	vst v63  }
0xac: {  	s13 =	sadd.s32 $0x20, s24;
	s21 =	simm.s32 $0xFFFF6800;
	s22 =	simm.s32 $0x100  }
0xad: {  	[tilespmem:s30], [sflag:$0x1] =	stream.linear.gather [hbm4b:s24+s4], $0x80, $0x200038;
	[tilespmem:$0x9800] =	vst v63  }
.LBB2_8:
0xae: {  	[tilespmem:s31], [sflag:$0x2] =	stream.indirect.gather [hbm4b:s1+s28], $0x20, s22, s28, $0x2000b8;
	[tilespmem:$0x9800] =	vst v63  }
0xaf: {  	s11 =	smov.u32 s21  }
0xb0: {  	p1 =	sne.s32 s21, $0xFFFFFC00;
	s21 =	sadd.s32 $0x400, s21;
	_ =	swait.ge [sflag:s0], $0x80  }
0xb1: {  	[sflag:s0] =	ssyncset.done $0x0  }
0xb2: {  	[sflag:s0] =	ssyncadd.s32 $0xFFFFFF80  }
0xb3: {  	_ =	swait.ge [sflag:s3], $0x1000  }
0xb4: {  	[sflag:s3] =	ssyncset.done $0x0  }
0xb5: {  	[sflag:s3] =	ssyncadd.s32 $0xFFFFF000  }
0xb6: {  	_ =	swait.ge [sflag:s10], $0x1000  }
0xb7: {  	[sflag:s10] =	ssyncset.done $0x0  }
0xb8: {  	[sflag:s10] =	ssyncadd.s32 $0xFFFFF000  }
0xb9: {  	[spmem:s2] =	stream.indirect.scatter.add.f32 [tilespmem:s31], [sflag:$0x3], $0x20, s30, s28, $0x2000b8;
	[tilespmem:$0x9800] =	vst v63  }
0xba: {  	s22 =	sadd.s32 $0xFFFFFFF0, s13;
	s11 =	sshra.s32 s11, $0x2  }
0xbb: {  	[tilespmem:s29], [sflag:$0x1] =	stream.linear.gather [hbm4b:s22+s4], $0x80, $0x200038;
	[tilespmem:$0x9800] =	vst v63  }
0xbc: {  	s22 =	sadd.s32 $0x2780, s11  }
0xbd: {  	[tilespmem:s25], [sflag:$0x2] =	stream.indirect.gather [hbm4b:s1+s28], $0x20, s22, s28, $0x2000b8;
	[tilespmem:$0x9800] =	vst v63  }
0xbe: {  	_ =	swait.ge [sflag:s0], $0x80  }
0xbf: {  	[sflag:s0] =	ssyncset.done $0x0  }
0xc0: {  	[sflag:s0] =	ssyncadd.s32 $0xFFFFFF80  }
0xc1: {  	_ =	swait.ge [sflag:s3], $0x1000  }
0xc2: {  	[sflag:s3] =	ssyncset.done $0x0  }
0xc3: {  	[sflag:s3] =	ssyncadd.s32 $0xFFFFF000  }
0xc4: {  	_ =	swait.ge [sflag:s10], $0x1000  }
0xc5: {  	[sflag:s10] =	ssyncset.done $0x0  }
.Ltmp4:
0xc6: {  	[sflag:s10] =	ssyncadd.s32 $0xFFFFF000;
	(pc) =	sbr.rel @p1 .LBB2_8-.Ltmp4, $4  }
0xc7: {  	[spmem:s2] =	stream.indirect.scatter.add.f32 [tilespmem:s25], [sflag:$0x3], $0x20, s29, s28, $0x2000b8;
	[tilespmem:$0x9800] =	vst v63  }
0xc8: {  	_ = 	snop  }
0xc9: {  	[tilespmem:s30], [sflag:$0x1] =	stream.linear.gather [hbm4b:s13+s4], $0x80, $0x200038;
	[tilespmem:$0x9800] =	vst v63  }
0xca: {  	s22 =	sadd.s32 $0x2800, s11;
	s13 =	sadd.s32 $0x20, s13  }
.Ltmp5:
0xcb: {  	(pc) =	sbr.rel .LBB2_10-.Ltmp5, $3  }
0xcc: {  	_ =	sdelay $0x1  }
0xcd: {  	[tilespmem:s31], [sflag:$0x2] =	stream.indirect.gather [hbm4b:s1+s28], $0x20, s22, s28, $0x2000b8;
	[tilespmem:$0x9800] =	vst v63  }
0xce: {  	s13 =	rddreg [dreg:$0x9]  }
.LBB2_4:
0xcf: {  	s11 =	rddreg [dreg:$0x4]  }
0xd0: {  	[tilespmem:s4], [sflag:$0x4] =	stream.linear.gather [hbm4b:s11+s4], $0x2800, $0x200038;
	[tilespmem:$0x9800] =	vst v63  }
0xd1: {  	_ =	swait.ge [sflag:s26], $0x2800  }
0xd2: {  	[sflag:s26] =	ssyncset.done $0x0  }
0xd3: {  	[sflag:s26] =	ssyncadd.s32 $0xFFFFD800  }
0xd4: {  	[spmem:s2] =	stream.indirect.scatter.add.f32 [tilespmem:s25], [sflag:$0x3], $0x20, s29, s28, $0x2000b8;
	[tilespmem:$0x9800] =	vst v63  }
0xd5: {  	s21 =	rddreg [dreg:$0x5]  }
0xd6: {  	[tilespmem:s30], [sflag:$0x1] =	stream.linear.gather [hbm4b:s21+s4], $0x80, $0x200038;
	[tilespmem:$0x9800] =	vst v63  }
0xd7: {  	_ = 	snop  }
0xd8: {  	[tilespmem:s31], [sflag:$0x2] =	stream.indirect.gather [hbm4b:s1+s28], $0x20, s4, s28, $0x2000b8;
	[tilespmem:$0x9800] =	vst v63  }
0xd9: {  	_ =	swait.ge [sflag:s0], $0x80  }
0xda: {  	[sflag:s0] =	ssyncset.done $0x0  }
0xdb: {  	[sflag:s0] =	ssyncadd.s32 $0xFFFFFF80  }
0xdc: {  	_ =	swait.ge [sflag:s3], $0x1000  }
0xdd: {  	[sflag:s3] =	ssyncset.done $0x0  }
0xde: {  	[sflag:s3] =	ssyncadd.s32 $0xFFFFF000  }
0xdf: {  	_ =	swait.ge [sflag:s10], $0x1000  }
0xe0: {  	[sflag:s10] =	ssyncset.done $0x0  }
0xe1: {  	[sflag:s10] =	ssyncadd.s32 $0xFFFFF000  }
0xe2: {  	[spmem:s2] =	stream.indirect.scatter.add.f32 [tilespmem:s31], [sflag:$0x3], $0x20, s30, s28, $0x2000b8;
	[tilespmem:$0x9800] =	vst v63  }
0xe3: {  	s13 =	sadd.s32 $0xFFFFFFF0, s23  }
0xe4: {  	[tilespmem:s29], [sflag:$0x1] =	stream.linear.gather [hbm4b:s13+s4], $0x80, $0x200038;
	[tilespmem:$0x9800] =	vst v63  }
0xe5: {  	s22 =	simm.s32 $0x80  }
0xe6: {  	[tilespmem:s25], [sflag:$0x2] =	stream.indirect.gather [hbm4b:s1+s28], $0x20, s22, s28, $0x2000b8;
	[tilespmem:$0x9800] =	vst v63  }
0xe7: {  	_ =	swait.ge [sflag:s0], $0x80  }
0xe8: {  	[sflag:s0] =	ssyncset.done $0x0  }
0xe9: {  	[sflag:s0] =	ssyncadd.s32 $0xFFFFFF80  }
0xea: {  	_ =	swait.ge [sflag:s3], $0x1000  }
0xeb: {  	[sflag:s3] =	ssyncset.done $0x0  }
0xec: {  	[sflag:s3] =	ssyncadd.s32 $0xFFFFF000  }
0xed: {  	_ =	swait.ge [sflag:s10], $0x1000  }
0xee: {  	[sflag:s10] =	ssyncset.done $0x0  }
0xef: {  	[sflag:s10] =	ssyncadd.s32 $0xFFFFF000  }
0xf0: {  	[spmem:s2] =	stream.indirect.scatter.add.f32 [tilespmem:s25], [sflag:$0x3], $0x20, s29, s28, $0x2000b8;
	[tilespmem:$0x9800] =	vst v63  }
0xf1: {  	s21 =	simm.s32 $0xFFFF6800;
	s13 =	sadd.s32 $0x20, s23;
	s22 =	simm.s32 $0x100  }
0xf2: {  	[tilespmem:s30], [sflag:$0x1] =	stream.linear.gather [hbm4b:s23+s4], $0x80, $0x200038;
	[tilespmem:$0x9800] =	vst v63  }
.LBB2_5:
0xf3: {  	[tilespmem:s31], [sflag:$0x2] =	stream.indirect.gather [hbm4b:s1+s28], $0x20, s22, s28, $0x2000b8;
	[tilespmem:$0x9800] =	vst v63  }
0xf4: {  	s22 =	smov.u32 s21  }
0xf5: {  	p1 =	seq.s32 s21, $0xFFFFFC00;
	s21 =	sadd.s32 $0x400, s21;
	_ =	swait.ge [sflag:s0], $0x80  }
0xf6: {  	[sflag:s0] =	ssyncset.done $0x0  }
0xf7: {  	[sflag:s0] =	ssyncadd.s32 $0xFFFFFF80  }
0xf8: {  	_ =	swait.ge [sflag:s3], $0x1000  }
0xf9: {  	[sflag:s3] =	ssyncset.done $0x0  }
0xfa: {  	[sflag:s3] =	ssyncadd.s32 $0xFFFFF000  }
0xfb: {  	_ =	swait.ge [sflag:s10], $0x1000  }
0xfc: {  	[sflag:s10] =	ssyncset.done $0x0  }
0xfd: {  	[sflag:s10] =	ssyncadd.s32 $0xFFFFF000  }
0xfe: {  	[spmem:s2] =	stream.indirect.scatter.add.f32 [tilespmem:s31], [sflag:$0x3], $0x20, s30, s28, $0x2000b8;
	[tilespmem:$0x9800] =	vst v63  }
0xff: {  	s11 =	sadd.s32 $0xFFFFFFF0, s13;
	s22 =	sshra.s32 s22, $0x2  }
0x100: {  	[tilespmem:s29], [sflag:$0x1] =	stream.linear.gather [hbm4b:s11+s4], $0x80, $0x200038;
	[tilespmem:$0x9800] =	vst v63  }
0x101: {  	s11 =	sadd.s32 $0x2780, s22  }
0x102: {  	[tilespmem:s25], [sflag:$0x2] =	stream.indirect.gather [hbm4b:s1+s28], $0x20, s11, s28, $0x2000b8;
	[tilespmem:$0x9800] =	vst v63  }
0x103: {  	_ =	swait.ge [sflag:s0], $0x80  }
0x104: {  	[sflag:s0] =	ssyncset.done $0x0  }
0x105: {  	[sflag:s0] =	ssyncadd.s32 $0xFFFFFF80  }
0x106: {  	_ =	swait.ge [sflag:s3], $0x1000  }
0x107: {  	[sflag:s3] =	ssyncset.done $0x0  }
0x108: {  	[sflag:s3] =	ssyncadd.s32 $0xFFFFF000  }
0x109: {  	_ =	swait.ge [sflag:s10], $0x1000  }
0x10a: {  	[sflag:s10] =	ssyncset.done $0x0  }
.Ltmp6:
0x10b: {  	[sflag:s10] =	ssyncadd.s32 $0xFFFFF000;
	(pc) =	sbr.rel @!p1 .LBB2_5-.Ltmp6, $4  }
0x10c: {  	[spmem:s2] =	stream.indirect.scatter.add.f32 [tilespmem:s25], [sflag:$0x3], $0x20, s29, s28, $0x2000b8;
	[tilespmem:$0x9800] =	vst v63  }
0x10d: {  	_ = 	snop  }
0x10e: {  	[tilespmem:s30], [sflag:$0x1] =	stream.linear.gather [hbm4b:s13+s4], $0x80, $0x200038;
	[tilespmem:$0x9800] =	vst v63  }
0x10f: {  	s22 =	sadd.s32 $0x2800, s22;
	s13 =	sadd.s32 $0x20, s13  }
.Ltmp7:
0x110: {  	_ = 	snop;
	(pc) =	sbr.rel .LBB2_6-.Ltmp7, $1  }
0x111: {  	_ =	sdelay $0x3  }
.LBB2_11:
0x112: {  	_ =	sfence.sel $0x180000  }
0x113: {  	[bflag:$0x0] =	sbarrier.arrive $0xFFFF  }
0x114: {  	_ =	strace $0x90000050  }
0x115: {  	s0 =	stileid.u32;
	[bflag:$0x2] =	sbarrier.arrive $0xFFFF  }
0x116: {  	p0 =	sne.s32 s0, $0x0;
	s0 =	rddreg [dreg:$0x3]  }
0x117: {  	s0 =	sadd.s32 @!p0 $0x100000, s0  }
0x118: {  	[sflag:s0] =	ssyncadd.tile.s32 @!p0 $0x1;
	_ =	shalt  }
.Lfunc_end2:
_tile_overlayer_lowered:
.L_overlay_start_2:
0x119: {  	(tag) =	ssettag $0x2  }
0x11a: {  	s0 =	rddreg [dreg:$0x0];
	s2 =	stileid.u32  }
0x11b: {  	s1 =	rddreg [dreg:$0x1];
	p0 =	sne.s32 s2, $0x0  }
0x11c: {  	s3 =	rddreg [dreg:$0x2];
	[bflag:$0x3] =	sbarrier.arrive $0xFFFF;
	s2 =	simm.s32 @!p0 $0x1C04  }
0x11d: {  	[timem:s3], [sflag:s2] =	dma.local @!p0 [hbm:s0], s1  }
0x11e: {  	s0 =	simm.s32 @!p0 $0x4  }
0x11f: {  	_ =	swait.ge @!p0 [sflag:s0], s1  }
0x120: {  	s1 =	ssub.s32 @!p0 $0x0, s1;
	[sflag:s0] =	ssyncset.done @!p0 $0x0  }
0x121: {  	[sflag:s0] =	ssyncadd.s32 @!p0 s1  }
0x122: {  	[bflag:$0x3] =	sbarrier.arrive $0xFFFF  }
0x123: {  	_ =	shalt  }

// kernel: kernel.8.cloned.1.call-start
scs
__scs_entry_jumppad:
0x0: {  	(pc) =	sbr.rel $0x88, $3  }
0x1: {  	(tag) =	ssettag $0x0;
	lr =	simm.s32 $0x1  }
0x2: {  	[smem:$0x3F9B] =	sst lr;
	_ =	strace $0xD0000000  }
0x3: {  	_ = 	snop  }
0x4: {  	_ = 	snop  }
0x5: {  	_ = 	snop  }
0x6: {  	_ = 	snop  }
0x7: {  	_ = 	snop  }
__scs_overlays_trampoline_lowered:
0x8: {  	[smem:$0x3FAA] =	sst s0  }
0x9: {  	[smem:$0x3FAB] =	sst s1  }
0xa: {  	[smem:$0x3FAC] =	sst s2  }
0xb: {  	[smem:$0x3FAD] =	sst s3  }
0xc: {  	[smem:$0x3FAE] =	sst s4  }
0xd: {  	[smem:$0x3FAF] =	sst s5  }
0xe: {  	[smem:$0x3FB0] =	sst s6  }
0xf: {  	[smem:$0x3FB1] =	sst s7  }
0x10: {  	[smem:$0x3FB2] =	sst s8  }
0x11: {  	[smem:$0x3FB3] =	sst s9;
	s0 =	simm.s32 @!p0 $0x0  }
0x12: {  	s1 =	sld [smem:$0x3F99];
	s0 =	simm.s32 @p0 $0x1  }
0x13: {  	[smem:$0x3FB4] =	sst s0;
	s0 =	simm.s32 @!p1 $0x0  }
0x14: {  	s2 =	sld [smem:$0x3F98];
	s0 =	simm.s32 @p1 $0x1  }
0x15: {  	[smem:$0x3FB5] =	sst s0;
	s0 =	simm.s32 @!p2 $0x0  }
0x16: {  	s3 =	sld [smem:$0x3FDB];
	s0 =	simm.s32 @p2 $0x1  }
0x17: {  	s4 =	simm.s32 $0x1BF5;
	[smem:$0x3FB7] =	sst s0  }
0x18: {  	s0 =	sld [smem:$0x3F9A];
	_ =	swait.ge [sflag:s4], $0x0  }
0x19: {  	s7 =	sld [smem:$0x3F9B]  }
0x1a: {  	s8 =	sadd.s32 $0xFFFFE003, lr  }
0x1b: {  	s9 =	sadd.s32 $0xFFFFFEF7, lr;
	s5 =	simm.s32 $0xFFFFFFFF;
	p2 =	slt.u32 s8, $0xFFFFF086  }
0x1c: {  	p1 =	slt.u32 s9, $0xF7A;
	s5 =	simm.s32 @!p2 $0x0  }
0x1d: {  	s5 =	simm.s32 @p1 $0x1;
	p0 =	seq.s32 s7, s2  }
0x1e: {  	s7 =	smul.u32 @!p0 $0xF7A, s2;
	p2 =	seq.s32 @!p0 s5, $0x0  }
0x1f: {  	s9 =	smul.u32 $0xF7A, s1;
	s8 =	simm.s32 @!p0 $0x1BF5;
	p2 =	por !p2, p0  }
0x20: {  	[sflag:s8] =	ssyncset.s32 @!p0 $0xFFFFF086;
	s6 =	sadd.s32 @!p0 s3, s7;
	s7 =	simm.s32 @!p0 $0x108  }
0x21: {  	s3 =	sadd.s32 s3, s9;
	s6 =	sadd.s32 @!p0 $0x88, s6;
	s7 =	simm.s32 @p2 $0x1082  }
0x22: {  	[simem:s7], [sflag:s8] =	dma.local @!p0 [hbm:s6], $0xF7A  }
0x23: {  	s9 =	sor.u32 $0xD0000000, s2;
	s6 =	simm.s32 $0x108;
	_ =	swait.ge @!p0 [sflag:s8], $0x0  }
0x24: {  	s3 =	sadd.s32 $0x88, s3;
	s6 =	simm.s32 @!p1 $0x1082;
	[sflag:s4] =	ssyncset.s32 $0xFFFFF086  }
0x25: {  	[simem:s6], [sflag:s4] =	dma.local [hbm:s3], $0xF7A  }
0x26: {  	[smem:$0x3F9B] =	sst s1;
	(tag) =	ssettag s2;
	_ =	strace s9  }
0x27: {  	s1 =	sld [smem:$0x3FAB]  }
0x28: {  	s2 =	sld [smem:$0x3FAC]  }
0x29: {  	s4 =	sld [smem:$0x3FAE]  }
0x2a: {  	p0 =	seq.s32 s5, $0x0;
	s5 =	sld [smem:$0x3FAF]  }
0x2b: {  	s6 =	sld [smem:$0x3FB0]  }
0x2c: {  	s7 =	sld [smem:$0x3FB1]  }
0x2d: {  	s3 =	simm.s32 $0x108;
	s8 =	sld [smem:$0x3FB2]  }
0x2e: {  	s3 =	simm.s32 @!p0 $0x1082;
	s9 =	sld [smem:$0x3FB3]  }
0x2f: {  	lr =	sadd.s32 s0, s3;
	s0 =	sld [smem:$0x3FAA]  }
0x30: {  	s3 =	sld [smem:$0x3FAD]  }
0x31: {  	[smem:$0x3FB6] =	sst s10  }
0x32: {  	s10 =	sld [smem:$0x3FB4];
	_ =	sdelay $0x3  }
0x33: {  	p0 =	seq.s32 s10, $0x1;
	s10 =	sld [smem:$0x3FB6];
	_ =	sdelay $0x3  }
0x34: {  	[smem:$0x3FB6] =	sst s10  }
0x35: {  	s10 =	sld [smem:$0x3FB5];
	_ =	sdelay $0x3  }
0x36: {  	p1 =	seq.s32 s10, $0x1;
	s10 =	sld [smem:$0x3FB6];
	_ =	sdelay $0x3  }
0x37: {  	[smem:$0x3FB6] =	sst s10  }
0x38: {  	s10 =	sld [smem:$0x3FB7]  }
0x39: {  	_ = 	snop;
	(pc) =	sbr.ind lr, $3  }
0x3a: {  	_ = 	snop  }
0x3b: {  	_ = 	snop  }
0x3c: {  	p2 =	seq.s32 s10, $0x1;
	s10 =	sld [smem:$0x3FB6]  }
0x3d: {  	_ =	shalt  }
0x3e: {  	_ =	shalt  }
0x3f: {  	_ =	shalt  }
0x40: {  	_ =	shalt  }
0x41: {  	_ =	shalt  }
0x42: {  	_ =	shalt  }
0x43: {  	_ =	shalt  }
0x44: {  	_ =	shalt  }
0x45: {  	_ =	shalt  }
0x46: {  	_ =	shalt  }
0x47: {  	_ =	shalt  }
0x48: {  	_ =	shalt  }
0x49: {  	_ =	shalt  }
0x4a: {  	_ =	shalt  }
0x4b: {  	_ =	shalt  }
0x4c: {  	_ =	shalt  }
0x4d: {  	_ =	shalt  }
0x4e: {  	_ =	shalt  }
0x4f: {  	_ =	shalt  }
0x50: {  	_ =	shalt  }
0x51: {  	_ =	shalt  }
0x52: {  	_ =	shalt  }
0x53: {  	_ =	shalt  }
0x54: {  	_ =	shalt  }
0x55: {  	_ =	shalt  }
0x56: {  	_ =	shalt  }
0x57: {  	_ =	shalt  }
0x58: {  	_ =	shalt  }
0x59: {  	_ =	shalt  }
0x5a: {  	_ =	shalt  }
0x5b: {  	_ =	shalt  }
0x5c: {  	_ =	shalt  }
0x5d: {  	_ =	shalt  }
0x5e: {  	_ =	shalt  }
0x5f: {  	_ =	shalt  }
0x60: {  	_ =	shalt  }
0x61: {  	_ =	shalt  }
0x62: {  	_ =	shalt  }
0x63: {  	_ =	shalt  }
0x64: {  	_ =	shalt  }
0x65: {  	_ =	shalt  }
0x66: {  	_ =	shalt  }
0x67: {  	_ =	shalt  }
0x68: {  	_ =	shalt  }
0x69: {  	_ =	shalt  }
0x6a: {  	_ =	shalt  }
0x6b: {  	_ =	shalt  }
0x6c: {  	_ =	shalt  }
0x6d: {  	_ =	shalt  }
0x6e: {  	_ =	shalt  }
0x6f: {  	_ =	shalt  }
0x70: {  	_ =	shalt  }
0x71: {  	_ =	shalt  }
0x72: {  	_ =	shalt  }
0x73: {  	_ =	shalt  }
0x74: {  	_ =	shalt  }
0x75: {  	_ =	shalt  }
0x76: {  	_ =	shalt  }
0x77: {  	_ =	shalt  }
0x78: {  	_ =	shalt  }
0x79: {  	_ =	shalt  }
0x7a: {  	_ =	shalt  }
0x7b: {  	_ =	shalt  }
0x7c: {  	_ =	shalt  }
0x7d: {  	_ =	shalt  }
0x7e: {  	_ =	shalt  }
0x7f: {  	_ =	shalt  }
0x80: {  	_ =	shalt  }
0x81: {  	_ =	shalt  }
0x82: {  	_ =	shalt  }
0x83: {  	_ =	shalt  }
0x84: {  	_ =	shalt  }
0x85: {  	_ =	shalt  }
0x86: {  	_ =	shalt  }
0x87: {  	_ =	shalt  }
.Lfunc_end0:
.L_simem_size_0:
called_computation_lowered:
.L_overlay_start_0:
0x88: {  	s2 =	sld [smem:$0x3FD9]  }
0x89: {  	s3 =	sld [smem:$0x3FFE];
	_ =	sdelay $0x1  }
0x8a: {  	s1 =	srdreg.scid  }
0x8b: {  	s0 =	sand.u32 $0x1, s1  }
0x8c: {  	s17 =	sshll.u32 s0, $0xA;
	s2 =	sadd.s32 s3, s2  }
0x8d: {  	s2 =	sadd.s32 s2, s17  }
0x8e: {  	[smem:$0x3FC2] =	sst s2  }
0x8f: {  	_ = 	snop  }
0x90: {  	s2 =	sld [smem:$0x3FD0];
	(tm) =	ssettm $0x1  }
0x91: {  	s18 =	sld [smem:$0x3FFB];
	_ =	sdelay $0x3  }
0x92: {  	_ =	strace s18  }
0x93: {  	s3 =	sld [smem:$0x3FFC];
	_ =	sdelay $0x3  }
0x94: {  	_ =	strace s3  }
0x95: {  	s3 =	sld [smem:$0x3FFD];
	_ =	sdelay $0x3  }
0x96: {  	_ =	strace s3  }
0x97: {  	_ =	strace $0x8FFFFFFF  }
0x98: {  	s19 =	sld [smem:$0x3FDB];
	_ =	sdelay $0x1  }
0x99: {  	s4 =	simm.s32 $_scs_section_size  }
0x9a: {  	s5 =	simm.s32 $_size__tile_overlayer_lowered;
	s6 =	simm.s32 $_tile_overlayer_lowered  }
0x9b: {  	s22 =	simm.s32 $0x1BFF;
	s21 =	sshll.u32 s6, $0x1;
	s3 =	sadd.s32 s4, s19  }
0x9c: {  	s7 =	simm.s32 $0x0;
	s20 =	sshll.u32 s5, $0x1;
	s5 =	sadd.s32 s21, s3  }
0x9d: {  	[timem:s7], [sflag:s22] =	dma.local [hbm:s5], s20  }
0x9e: {  	_ =	swait.ge [sflag:s22], s20  }
0x9f: {  	s4 =	ssub.s32 $0x0, s20;
	[sflag:s22] =	ssyncset.done $0x0  }
0xa0: {  	[sflag:s22] =	ssyncadd.s32 s4;
	_ =	sdelay $0x1  }
0xa1: {  	s23 =	simm.s32 $0x1B8B  }
0xa2: {  	_ =	swait.ge [sflag:s23], $0x1  }
0xa3: {  	[sflag:s23] =	ssyncset.done $0x0  }
0xa4: {  	s25 =	simm.s32 $0x1B8E;
	s24 =	sld [smem:$0x3FFE];
	[sflag:s23] =	ssyncadd.s32 $0xFFFFFFFF  }
0xa5: {  	s26 =	simm.s32 $execute0_lowered;
	[smem:$0x3FD2] =	sst s25  }
0xa6: {  	s5 =	sshll.u32 s26, $0x1;
	_ =	strace $0x80000046;
	[dreg:$0x1] =	wrdreg $0xFFFFFFFF  }
0xa7: {  	s28 =	simm.s32 $_size_execute0_lowered;
	s3 =	sadd.s32 s3, s5;
	[dreg:$0x0] =	wrdreg $0x0  }
0xa8: {  	s5 =	sshll.u32 s28, $0x1;
	[dreg:$0x2] =	wrdreg s3  }
0xa9: {  	[dreg:$0x3] =	wrdreg s5  }
0xaa: {  	[dreg:$0x4] =	wrdreg $0xC0  }
0xab: {  	_ =	task [dreg:s7], $0x5FFFF  }
0xac: {  	[dreg:$0x1] =	wrdreg $0xFFFFFFFF  }
0xad: {  	[dreg:$0x0] =	wrdreg $0x60  }
0xae: {  	[dreg:$0x2] =	wrdreg s24  }
0xaf: {  	[dreg:$0x3] =	wrdreg s2  }
0xb0: {  	[dreg:$0x4] =	wrdreg $0x9  }
0xb1: {  	_ =	task.clear_ibuf [dreg:s7], $0x5FFFF;
	_ =	strace $0x90000046  }
0xb2: {  	s29 =	simm.s32 $0x9;
	_ =	strace $0x80000048  }
0xb3: {  	_ =	swait.ge [sflag:s29], $0x1  }
0xb4: {  	[sflag:s29] =	ssyncadd.s32 $0xFFFFFFFF  }
0xb5: {  	_ =	strace $0x90000048  }
0xb6: {  	_ =	sfence  }
0xb7: {  	s30 =	sld [smem:$0x0];
	_ =	sdelay $0x2  }
0xb8: {  	s31 =	sshll.u32 s1, $0xD;
	s1 =	sshrl.u32 s1, $0x2  }
0xb9: {  	s3 =	sand.u32 $0x4000, s31;
	s1 =	sadd.s32 s1, s30  }
0xba: {  	s0 =	sor.u32 s3, s0;
	s1 =	sshll.u32 s1, $0x11  }
0xbb: {  	s0 =	sor.u32 s1, s0  }
0xbc: {  	s0 =	sadd.s32 $0x8F2B, s0  }
0xbd: {  	[sflag:s0] =	ssyncadd.remote.s32 $0x1  }
0xbe: {  	_ =	sfence.sel $0xFFFF  }
0xbf: {  	[dreg:$0x0] =	wrdreg $0xFFFFFFFF;
	(pc) =	sbr.abs _section_cstart, $3  }
0xc0: {  	[dreg:$0x1] =	wrdreg $0xFFFFFFFF  }
0xc1: {  	_ =	task.clear_ibuf [dreg:s7], $0x2FFFF;
	_ =	strace $0x9FFFFFFF  }
0xc2: {  	(tm) =	ssettm $0x7FFFFFFF  }
0xc3: {  	_ =	shalt  }
tec
execute0_lowered:
.L_overlay_start_1:
0x0: {  	(tag) =	ssettag $0x1  }
0x1: {  	s3 =	rddreg [dreg:$0x0]  }
0x2: {  	s5 =	rddreg [dreg:$0x1]  }
0x3: {  	s0 =	rddreg [dreg:$0x2];
	s1 =	simm.s32 $0x0;
	s2 =	srdreg.scid  }
0x4: {  	[smem:$0x7FF] =	sst s1;
	s4 =	sand.u32 $0x1, s2;
	s2 =	stileid.u32  }
0x5: {  	s10 =	sadd.s32 $0x2200, s3;
	_ =	strace $0x80000047;
	s9 =	smul.u32 $0x2800, s2  }
0x6: {  	s6 =	ssub.s32 $0x2, s4;
	s8 =	sshll.u32 s2, $0x1;
	s30 =	smul.u32 $0x500, s2  }
.Ltmp0:
0x7: {  	p0 =	seq.s32 s4, $0x1;
	s7 =	sshrl.u32 s6, $0x1;
	(pc) =	sbr.rel .LBB2_1-.Ltmp0, $4  }
0x8: {  	s29 =	sor.u32 s4, s8;
	s8 =	simm.s32 $0x2800;
	s6 =	ssub.s32 s6, s7  }
0x9: {  	s9 =	sshrl.u32 s9, $0x3;
	s7 =	smul.u32 $0x4F0, s29;
	s3 =	sadd.s32 s10, s30  }
0xa: {  	s31 =	sadd.s32 s10, s9;
	s6 =	smax.u32 s6, $0x1;
	s9 =	simm.s32 $0x0  }
0xb: {  	v0 =	vimm.f32 $0.0e+00;
	v1 =	vimm.f32 $1.000000000e+00;
	s4 =	sadd.s32 $0x5000, s31;
	s5 =	sadd.s32 s5, s7;
	s7 =	simm.s32 $0x1  }
.LBB2_8:
0xc: {  	s9 =	sadd.s32 $0x1, s9  }
0xd: {  	p1 =	sne.s32 s9, s6  }
.Ltmp1:
0xe: {  	_ = 	snop;
	(pc) =	sbr.rel @!p1 .LBB2_9-.Ltmp1, $4  }
0xf: {  	[hbm4b:s5+s1] =	stream.linear.scatter [tilespmem:s8], [sflag:$0x1], $0x2780, $0x38;
	[tilespmem:$0x4F80] =	vst v63  }
0x10: {  	_ =	swait.ge [sflag:s7], $0x2780  }
0x11: {  	[sflag:s7] =	ssyncset.done $0x0  }
0x12: {  	[sflag:s7] =	ssyncadd.s32 $0xFFFFD880  }
.LBB2_1:
0x13: {  	s10 =	simm.s32 $0x40;
	s11 =	simm.s32 $0x0  }
.LBB2_2:
0x14: {  	p1 =	sne.s32 s10, $0x9DC0;
	[tilespmem:s11+$0x2800] =	vst v0;
	s11 =	smov.u32 s10;
	s10 =	sadd.s32 $0x40, s10  }
.Ltmp2:
0x15: {  	(pc) =	sbr.rel @p1 .LBB2_2-.Ltmp2, $2  }
0x16: {  	_ =	sdelay $0x2  }
0x17: {  	s11 =	sshra.s32 s11, $0x2  }
.Ltmp3:
0x18: {  	(pc) =	sbr.rel @!p0 .LBB2_4-.Ltmp3, $2  }
0x19: {  	_ =	sdelay $0x2  }
0x1a: {  	[tilespmem:s11+$0x2800] =	vst v0;
	s10 =	simm.s32 $0x0  }
0x1b: {  	[tilespmem:s10], [sflag:$0x1] =	stream.linear.gather [hbm4b:s4+s10], $0x2800, $0x38;
	[tilespmem:$0x4F80] =	vst v63  }
0x1c: {  	_ =	swait.ge [sflag:s7], $0x2800  }
0x1d: {  	[sflag:s7] =	ssyncset.done $0x0  }
0x1e: {  	[sflag:s7] =	ssyncadd.s32 $0xFFFFD800  }
.LBB2_7:
0x1f: {  	s11 =	sshra.s32 s10, $0x2  }
0x20: {  	v2 =	vld [tilespmem:s11+$0x0];
	_ =	sdelay $0x7  }
0x21: {  	[tilespmem:v2+s8+$0x0] =	vst.idx.add.f32.msk $0xffff, v1  }
0x22: {  	v2 =	vld [tilespmem:s11+$0x10];
	_ =	sdelay $0x7  }
0x23: {  	[tilespmem:v2+s8+$0x0] =	vst.idx.add.f32.msk $0xffff, v1  }
0x24: {  	v2 =	vld [tilespmem:s11+$0x20];
	_ =	sdelay $0x7  }
0x25: {  	[tilespmem:v2+s8+$0x0] =	vst.idx.add.f32.msk $0xffff, v1  }
0x26: {  	v2 =	vld [tilespmem:s11+$0x30];
	_ =	sdelay $0x7  }
0x27: {  	[tilespmem:v2+s8+$0x0] =	vst.idx.add.f32.msk $0xffff, v1  }
0x28: {  	v2 =	vld [tilespmem:s11+$0x40];
	_ =	sdelay $0x7  }
0x29: {  	[tilespmem:v2+s8+$0x0] =	vst.idx.add.f32.msk $0xffff, v1  }
0x2a: {  	v2 =	vld [tilespmem:s11+$0x50];
	_ =	sdelay $0x7  }
0x2b: {  	[tilespmem:v2+s8+$0x0] =	vst.idx.add.f32.msk $0xffff, v1  }
0x2c: {  	v2 =	vld [tilespmem:s11+$0x60];
	_ =	sdelay $0x7  }
0x2d: {  	[tilespmem:v2+s8+$0x0] =	vst.idx.add.f32.msk $0xffff, v1  }
0x2e: {  	v2 =	vld [tilespmem:s11+$0x70];
	_ =	sdelay $0x2  }
0x2f: {  	p1 =	sne.s32 s10, $0x9E00  }
.Ltmp4:
0x30: {  	_ = 	snop;
	(pc) =	sbr.rel @p1 .LBB2_7-.Ltmp4, $2  }
0x31: {  	_ =	sdelay $0x2  }
0x32: {  	s10 =	sadd.s32 $0x200, s10;
	[tilespmem:v2+s8+$0x0] =	vst.idx.add.f32.msk $0xffff, v1  }
.Ltmp5:
0x33: {  	_ = 	snop;
	(pc) =	sbr.rel .LBB2_8-.Ltmp5, $1  }
0x34: {  	_ =	sdelay $0x3  }
.LBB2_4:
0x35: {  	[tilespmem:s10], [sflag:$0x1] =	stream.linear.gather [hbm4b:s3+s10], $0x2800, $0x38;
	[tilespmem:$0x4F80] =	vst v63  }
0x36: {  	_ =	swait.ge [sflag:s7], $0x2800  }
0x37: {  	[sflag:s7] =	ssyncset.done $0x0  }
0x38: {  	[sflag:s7] =	ssyncadd.s32 $0xFFFFD800  }
.LBB2_5:
0x39: {  	s11 =	sshra.s32 s10, $0x2  }
0x3a: {  	v2 =	vld [tilespmem:s11+$0x0];
	_ =	sdelay $0x7  }
0x3b: {  	[tilespmem:v2+s8+$0x0] =	vst.idx.add.f32.msk $0xffff, v1  }
0x3c: {  	v2 =	vld [tilespmem:s11+$0x10];
	_ =	sdelay $0x7  }
0x3d: {  	[tilespmem:v2+s8+$0x0] =	vst.idx.add.f32.msk $0xffff, v1  }
0x3e: {  	v2 =	vld [tilespmem:s11+$0x20];
	_ =	sdelay $0x7  }
0x3f: {  	[tilespmem:v2+s8+$0x0] =	vst.idx.add.f32.msk $0xffff, v1  }
0x40: {  	v2 =	vld [tilespmem:s11+$0x30];
	_ =	sdelay $0x7  }
0x41: {  	[tilespmem:v2+s8+$0x0] =	vst.idx.add.f32.msk $0xffff, v1  }
0x42: {  	v2 =	vld [tilespmem:s11+$0x40];
	_ =	sdelay $0x7  }
0x43: {  	[tilespmem:v2+s8+$0x0] =	vst.idx.add.f32.msk $0xffff, v1  }
0x44: {  	v2 =	vld [tilespmem:s11+$0x50];
	_ =	sdelay $0x7  }
0x45: {  	[tilespmem:v2+s8+$0x0] =	vst.idx.add.f32.msk $0xffff, v1  }
0x46: {  	v2 =	vld [tilespmem:s11+$0x60];
	_ =	sdelay $0x7  }
0x47: {  	[tilespmem:v2+s8+$0x0] =	vst.idx.add.f32.msk $0xffff, v1  }
0x48: {  	v2 =	vld [tilespmem:s11+$0x70];
	_ =	sdelay $0x2  }
0x49: {  	p1 =	seq.s32 s10, $0x9E00  }
.Ltmp6:
0x4a: {  	_ = 	snop;
	(pc) =	sbr.rel @!p1 .LBB2_5-.Ltmp6, $2  }
0x4b: {  	_ =	sdelay $0x2  }
0x4c: {  	s10 =	sadd.s32 $0x200, s10;
	[tilespmem:v2+s8+$0x0] =	vst.idx.add.f32.msk $0xffff, v1  }
.Ltmp7:
0x4d: {  	_ = 	snop;
	(pc) =	sbr.rel .LBB2_8-.Ltmp7, $1  }
0x4e: {  	_ =	sdelay $0x3  }
.LBB2_9:
0x4f: {  	_ =	sfence.sel $0x180000  }
0x50: {  	[bflag:$0x0] =	sbarrier.arrive $0xFFFF  }
0x51: {  	p0 =	sne.s32 s2, $0x0;
	_ =	strace $0x90000047  }
0x52: {  	s0 =	sadd.s32 @!p0 $0x100000, s0;
	[bflag:$0x2] =	sbarrier.arrive $0xFFFF  }
0x53: {  	[sflag:s0] =	ssyncadd.tile.s32 @!p0 $0x1;
	_ =	shalt  }
.Lfunc_end2:
_tile_overlayer_lowered:
.L_overlay_start_2:
0x54: {  	(tag) =	ssettag $0x2  }
0x55: {  	s0 =	rddreg [dreg:$0x0];
	s2 =	stileid.u32  }
0x56: {  	s1 =	rddreg [dreg:$0x1];
	p0 =	sne.s32 s2, $0x0  }
0x57: {  	s3 =	rddreg [dreg:$0x2];
	[bflag:$0x3] =	sbarrier.arrive $0xFFFF;
	s2 =	simm.s32 @!p0 $0x1C01  }
0x58: {  	[timem:s3], [sflag:s2] =	dma.local @!p0 [hbm:s0], s1  }
0x59: {  	s0 =	simm.s32 @!p0 $0x1  }
0x5a: {  	_ =	swait.ge @!p0 [sflag:s0], s1  }
0x5b: {  	s1 =	ssub.s32 @!p0 $0x0, s1;
	[sflag:s0] =	ssyncset.done @!p0 $0x0  }
0x5c: {  	[sflag:s0] =	ssyncadd.s32 @!p0 s1  }
0x5d: {  	[bflag:$0x3] =	sbarrier.arrive $0xFFFF  }
0x5e: {  	_ =	shalt  }

</sc_bundles>
